<compile_context>
chip_gen: v7x
topology: tpu7x:2x2x1
jax: 0.10.2.dev20260603
libtpu: 0.0.44.dev20260713+nightly
codegen_flags: <defaults>
</compile_context>

<pallas_src>
import functools

import jax
import jax.numpy as jnp
from jax import lax
from jax.experimental import pallas as pl
from jax.experimental.pallas import tpu as pltpu
from jax.experimental.pallas import tpu_sc as plsc

_AF = 128
_NF = 16
_M = 32
_N = 10000
_NPAD = 10240
_EPAD = _NPAD * _M
_EDGES = _N * _M
_HID = 256
_NCONV = 3
_BATCH = 32
_L = 256
_MAXG = 512
_BLK = 128
_GRID = _NPAD // _BLK
_BLKR = 512
_GRIDR = _NPAD // _BLKR

_NC, _NS = 2, 16
_NW = _NC * _NS


def _make_sc_gather(n_rows, table_shape, dtype=jnp.float32):
    b_per_w = n_rows // _NW
    chunk = 128
    while b_per_w % chunk != 0:
        chunk -= 8
    n_chunks = b_per_w // chunk
    assert n_chunks % 2 == 0
    d = table_shape[1]
    mesh = plsc.VectorSubcoreMesh(core_axis_name="c", subcore_axis_name="s")

    @functools.partial(
        pl.kernel,
        mesh=mesh,
        compiler_params=pltpu.CompilerParams(use_tc_tiling_on_sc=False),
        out_type=jax.ShapeDtypeStruct((n_rows, d), dtype),
        scratch_types=[
            pltpu.VMEM((b_per_w,), jnp.int32),
            pltpu.VMEM((chunk, d), dtype),
            pltpu.VMEM((chunk, d), dtype),
            pltpu.SemaphoreType.DMA,
            pltpu.SemaphoreType.DMA,
            pltpu.SemaphoreType.DMA,
            pltpu.SemaphoreType.DMA,
        ],
    )
    def gather_k(table_hbm, idx_hbm, out_hbm, idx_all, rows0, rows1,
                 sg0, sg1, so0, so1):
        wid = lax.axis_index("s") * _NC + lax.axis_index("c")
        base_w = wid * b_per_w
        pltpu.sync_copy(idx_hbm.at[pl.ds(base_w, b_per_w)], idx_all)
        rows = (rows0, rows1)
        sg = (sg0, sg1)
        so = (so0, so1)

        def gather_cp(c, b):
            return pltpu.make_async_copy(
                table_hbm.at[idx_all.at[pl.ds(c * chunk, chunk)]],
                rows[b], sg[b])

        gather_cp(0, 0).start()
        gather_cp(1, 1).start()

        def slot(c, b):
            gather_cp(c, b).wait()
            pltpu.async_copy(
                rows[b], out_hbm.at[pl.ds(base_w + c * chunk, chunk)],
                so[b]).wait()

            @pl.when(c + 2 < n_chunks)
            def _():
                gather_cp(c + 2, b).start()

        def body(t, carry):
            slot(t * 2, 0)
            slot(t * 2 + 1, 1)
            return carry

        lax.fori_loop(0, n_chunks // 2, body, 0)

    return gather_k


def _softplus(x):
    return jnp.maximum(x, 0.0) + jnp.log1p(jnp.exp(-jnp.abs(x)))


def _pack_bf16(x):
    u = lax.bitcast_convert_type(x, jnp.uint32)
    u = u + jnp.uint32(0x7FFF) + ((u >> 16) & jnp.uint32(1))
    lo = u[:, :_AF // 2] >> 16
    hi = u[:, _AF // 2:] & jnp.uint32(0xFFFF0000)
    return lax.bitcast_convert_type(lo | hi, jnp.float32)


def _unpack_matmul2(gp, wn):
    u = lax.bitcast_convert_type(gp, jnp.uint32)
    lo = lax.bitcast_convert_type(u << 16, jnp.float32).astype(jnp.bfloat16)
    hi = lax.bitcast_convert_type(u & jnp.uint32(0xFFFF0000),
                                  jnp.float32).astype(jnp.bfloat16)
    h = _AF // 2
    z_e = (jnp.dot(lo[:, :h], wn[:h], preferred_element_type=jnp.float32)
           + jnp.dot(hi[:, :h], wn[h:], preferred_element_type=jnp.float32))
    z_o = (jnp.dot(lo[:, h:], wn[:h], preferred_element_type=jnp.float32)
           + jnp.dot(hi[:, h:], wn[h:], preferred_element_type=jnp.float32))
    return z_e, z_o


def _rowmask(i, blk):
    aid = i * blk + lax.broadcasted_iota(jnp.int32, (blk, 1), 0)
    return (aid < _N).astype(jnp.float32)


def _k0_body(x_ref, w_ref, b_ref, o_ref, xb_ref):
    x = x_ref[...] * _rowmask(pl.program_id(0), _BLKR)
    o_ref[...] = (
        jnp.dot(x, w_ref[...], preferred_element_type=jnp.float32)
        + b_ref[...]
    ) * _rowmask(pl.program_id(0), _BLKR)
    xb_ref[...] = _pack_bf16(x)


def _matmul_bias(x, w, b):
    kdim, odim = w.shape
    return pl.pallas_call(
        _k0_body,
        grid=(_GRIDR,),
        in_specs=[
            pl.BlockSpec((_BLKR, kdim), lambda i: (i, 0)),
            pl.BlockSpec((kdim, odim), lambda i: (0, 0)),
            pl.BlockSpec((1, odim), lambda i: (0, 0)),
        ],
        out_specs=[
            pl.BlockSpec((_BLKR, odim), lambda i: (i, 0)),
            pl.BlockSpec((_BLKR, kdim // 2), lambda i: (i, 0)),
        ],
        out_shape=[
            jax.ShapeDtypeStruct((_NPAD, odim), jnp.float32),
            jax.ShapeDtypeStruct((_NPAD, kdim // 2), jnp.float32),
        ],
    )(x, w, b)


def _stats_body(g_ref, xfe_ref, xfo_ref, pe_ref, po_ref, wn_ref, wnf_ref,
                s1_ref, s2_ref):
    i = pl.program_id(0)

    @pl.when(i == 0)
    def _():
        s1_ref[...] = jnp.zeros_like(s1_ref)
        s2_ref[...] = jnp.zeros_like(s2_ref)

    z_e, z_o = _unpack_matmul2(g_ref[...], wn_ref[...])
    e_e = lax.dot_general(xfe_ref[...], wnf_ref[...], (((0,), (0,)), ((), ())),
                          preferred_element_type=jnp.float32)
    e_o = lax.dot_general(xfo_ref[...], wnf_ref[...], (((0,), (0,)), ((), ())),
                          preferred_element_type=jnp.float32)
    ge = (z_e + e_e).reshape(_BLK // 2, _M, 2 * _AF) + pe_ref[...][:, None, :]
    go = (z_o + e_o).reshape(_BLK // 2, _M, 2 * _AF) + po_ref[...][:, None, :]
    s1_ref[...] += (jnp.sum(ge, axis=(0, 1))
                    + jnp.sum(go, axis=(0, 1)))[None, :]
    s2_ref[...] += (jnp.sum(ge * ge, axis=(0, 1))
                    + jnp.sum(go * go, axis=(0, 1)))[None, :]


def _edge_stats(gat, xft, p, wn, wnf):
    return pl.pallas_call(
        _stats_body,
        grid=(_GRID,),
        in_specs=[
            pl.BlockSpec((_BLK * _M // 2, _AF), lambda i: (i, 0)),
            pl.BlockSpec((_NF, _BLK * _M // 2), lambda i: (0, i)),
            pl.BlockSpec((_NF, _BLK * _M // 2), lambda i: (0, i + _GRID)),
            pl.BlockSpec((_BLK // 2, 2 * _AF), lambda i: (i, 0)),
            pl.BlockSpec((_BLK // 2, 2 * _AF), lambda i: (i + _GRID, 0)),
            pl.BlockSpec((_AF, 2 * _AF), lambda i: (0, 0)),
            pl.BlockSpec((_NF, 2 * _AF), lambda i: (0, 0)),
        ],
        out_specs=[
            pl.BlockSpec((1, 2 * _AF), lambda i: (0, 0)),
            pl.BlockSpec((1, 2 * _AF), lambda i: (0, 0)),
        ],
        out_shape=[
            jax.ShapeDtypeStruct((1, 2 * _AF), jnp.float32),
            jax.ShapeDtypeStruct((1, 2 * _AF), jnp.float32),
        ],
    )(gat, xft, xft, p, p, wn, wnf)


def _apply_body(g_ref, xfe_ref, xfo_ref, pe_ref, po_ref, wn_ref, wnf_ref,
                ac_ref, nse_ref, nso_ref, t1_ref, t2_ref):
    i = pl.program_id(0)

    @pl.when(i == 0)
    def _():
        t1_ref[...] = jnp.zeros_like(t1_ref)
        t2_ref[...] = jnp.zeros_like(t2_ref)

    z_e, z_o = _unpack_matmul2(g_ref[...], wn_ref[...])
    e_e = lax.dot_general(xfe_ref[...], wnf_ref[...], (((0,), (0,)), ((), ())),
                          preferred_element_type=jnp.float32)
    e_o = lax.dot_general(xfo_ref[...], wnf_ref[...], (((0,), (0,)), ((), ())),
                          preferred_element_type=jnp.float32)
    a = ac_ref[0:1, :]
    c = ac_ref[1:2, :]
    pbe = (pe_ref[...] * a + c)[:, None, :]
    pbo = (po_ref[...] * a + c)[:, None, :]
    ghe = (z_e + e_e).reshape(_BLK // 2, _M, 2 * _AF) + pbe
    gho = (z_o + e_o).reshape(_BLK // 2, _M, 2 * _AF) + pbo
    red_e = jnp.sum(jax.nn.sigmoid(ghe[:, :, :_AF])
                    * _softplus(ghe[:, :, _AF:]), axis=1)
    red_o = jnp.sum(jax.nn.sigmoid(gho[:, :, :_AF])
                    * _softplus(gho[:, :, _AF:]), axis=1)
    nse_ref[...] = red_e
    nso_ref[...] = red_o
    aid = (_NPAD // 2 + i * (_BLK // 2)
           + lax.broadcasted_iota(jnp.int32, (_BLK // 2, 1), 0))
    rm = red_o * (aid < _N).astype(jnp.float32)
    t1_ref[...] += (jnp.sum(red_e, axis=0) + jnp.sum(rm, axis=0))[None, :]
    t2_ref[...] += (jnp.sum(red_e * red_e, axis=0)
                    + jnp.sum(rm * red_o, axis=0))[None, :]


def _edge_apply(gat, xft, p, wn, wnf, ac):
    return pl.pallas_call(
        _apply_body,
        grid=(_GRID,),
        in_specs=[
            pl.BlockSpec((_BLK * _M // 2, _AF), lambda i: (i, 0)),
            pl.BlockSpec((_NF, _BLK * _M // 2), lambda i: (0, i)),
            pl.BlockSpec((_NF, _BLK * _M // 2), lambda i: (0, i + _GRID)),
            pl.BlockSpec((_BLK // 2, 2 * _AF), lambda i: (i, 0)),
            pl.BlockSpec((_BLK // 2, 2 * _AF), lambda i: (i + _GRID, 0)),
            pl.BlockSpec((_AF, 2 * _AF), lambda i: (0, 0)),
            pl.BlockSpec((_NF, 2 * _AF), lambda i: (0, 0)),
            pl.BlockSpec((2, 2 * _AF), lambda i: (0, 0)),
        ],
        out_specs=[
            pl.BlockSpec((_BLK // 2, _AF), lambda i: (i, 0)),
            pl.BlockSpec((_BLK // 2, _AF), lambda i: (i, 0)),
            pl.BlockSpec((1, _AF), lambda i: (0, 0)),
            pl.BlockSpec((1, _AF), lambda i: (0, 0)),
        ],
        out_shape=[
            jax.ShapeDtypeStruct((_NPAD // 2, _AF), jnp.float32),
            jax.ShapeDtypeStruct((_NPAD // 2, _AF), jnp.float32),
            jax.ShapeDtypeStruct((1, _AF), jnp.float32),
            jax.ShapeDtypeStruct((1, _AF), jnp.float32),
        ],
    )(gat, xft, xft, p, p, wn, wnf, ac)


def _update_body(af_ref, ns_ref, ac2_ref, w_ref, b_ref,
                 afn_ref, pn_ref, afb_ref):
    a2 = ac2_ref[0:1, :]
    c2 = ac2_ref[1:2, :]
    m = _rowmask(pl.program_id(0), _BLKR)
    afn = _softplus(af_ref[...] + ns_ref[...] * a2 + c2) * m
    afn_ref[...] = afn
    afb_ref[...] = _pack_bf16(afn)
    pn_ref[...] = (
        jnp.dot(afn, w_ref[...], preferred_element_type=jnp.float32)
        + b_ref[...]
    ) * m


def _update(af, ns, ac2, w, b):
    odim = w.shape[1]
    return pl.pallas_call(
        _update_body,
        grid=(_GRIDR,),
        in_specs=[
            pl.BlockSpec((_BLKR, _AF), lambda i: (i, 0)),
            pl.BlockSpec((_BLKR, _AF), lambda i: (i, 0)),
            pl.BlockSpec((2, _AF), lambda i: (0, 0)),
            pl.BlockSpec((_AF, odim), lambda i: (0, 0)),
            pl.BlockSpec((1, odim), lambda i: (0, 0)),
        ],
        out_specs=[
            pl.BlockSpec((_BLKR, _AF), lambda i: (i, 0)),
            pl.BlockSpec((_BLKR, odim), lambda i: (i, 0)),
            pl.BlockSpec((_BLKR, _AF // 2), lambda i: (i, 0)),
        ],
        out_shape=[
            jax.ShapeDtypeStruct((_NPAD, _AF), jnp.float32),
            jax.ShapeDtypeStruct((_NPAD, odim), jnp.float32),
            jax.ShapeDtypeStruct((_NPAD, _AF // 2), jnp.float32),
        ],
    )(af, ns, ac2, w, b)


def kernel(atom_num, nbr_idx, nbr_fea, crystal_atom_idx, embedding,
           convW, convB, bn1_g, bn1_b, bn2_g, bn2_b, fcW, fcb):
    f32 = jnp.float32
    an_pad = jnp.concatenate(
        [atom_num.astype(jnp.int32), jnp.zeros((_NPAD - _N,), jnp.int32)])
    flat0 = jnp.concatenate(
        [nbr_idx.reshape(-1).astype(jnp.int32),
         jnp.full((_EPAD - _EDGES,), _NPAD - 1, jnp.int32)])
    flat_idx = jnp.stack(
        [flat0[:_EPAD // 2], flat0[_EPAD // 2:]], axis=1).reshape(-1)
    xft = jnp.concatenate(
        [nbr_fea.reshape(_EDGES, _NF).T,
         jnp.zeros((_NF, _EPAD - _EDGES), f32)], axis=1)

    embed_gather = _make_sc_gather(_NPAD, embedding.shape)
    edge_gather = _make_sc_gather(_EPAD, (_NPAD, _AF // 2))
    crys_gather = _make_sc_gather(_BATCH * _L, (_NPAD, _HID))

    af = embed_gather(embedding, an_pad)
    p, af_bf = _matmul_bias(af, convW[0, :_AF, :], convB[0].reshape(1, -1))

    for i in range(_NCONV):
        wn = convW[i, _AF:2 * _AF, :]
        wnf = convW[i, 2 * _AF:, :]
        gat = edge_gather(af_bf, flat_idx).reshape(_EPAD // 2, _AF)
        s1, s2 = _edge_stats(gat, xft, p, wn.astype(jnp.bfloat16), wnf)
        mu = s1[0] / _EDGES
        var = s2[0] / _EDGES - mu * mu
        a1 = bn1_g[i] * lax.rsqrt(var + 1e-5)
        c1 = bn1_b[i] - mu * a1
        ns_e, ns_o, t1, t2 = _edge_apply(
            gat, xft, p, (wn * a1[None, :]).astype(jnp.bfloat16),
            wnf * a1[None, :], jnp.stack([a1, c1]))
        ns = jnp.concatenate([ns_e, ns_o], axis=0)
        mu2 = t1[0] / _N
        var2 = t2[0] / _N - mu2 * mu2
        a2 = bn2_g[i] * lax.rsqrt(var2 + 1e-5)
        c2 = bn2_b[i] - mu2 * a2
        if i < _NCONV - 1:
            wnxt, bnxt = convW[i + 1, :_AF, :], convB[i + 1].reshape(1, -1)
        else:
            wnxt, bnxt = fcW, fcb.reshape(1, -1)
        af, p, af_bf = _update(af, ns, jnp.stack([a2, c2]), wnxt, bnxt)

    crys = crystal_atom_idx.reshape(-1).astype(jnp.int32)
    gat = crys_gather(p, crys)
    new_atom_fea = jnp.concatenate(
        [gat.reshape(_BATCH, _L, _HID),
         jnp.zeros((_BATCH, _MAXG - _L, _HID), f32)], axis=1)
    mask = jnp.concatenate(
        [jnp.ones((_BATCH, _L), f32),
         jnp.zeros((_BATCH, _MAXG - _L), f32)], axis=1)
    return (new_atom_fea, mask)

# --- scband reference (transcript-rebuilt; emitter-appended) ---
"""Pipeline reference for scband-graph-embeddings-67585605370459 (READ-ONLY COPY).

The authoritative reference and input builder live on the scoring server;
editing this copy changes nothing except your own understanding.
"""

import jax, jax.numpy as jnp
import numpy as np

ATOM_FEA = 128
NBR_FEA = 16
MAXG = 512
HID = 256
NCONV = 3
N = 10000
M = 32
B = 32
L = 256


def _bn(x, g, b):
    # torch BatchNorm1d in training mode: biased batch statistics
    mean = x.mean(axis=0)
    var = x.var(axis=0)
    return (x - mean) / jnp.sqrt(var + 1e-5) * g + b


def setup_inputs(seed: int = 0):
    key = jax.random.key(seed)
    ks = jax.random.split(key, 8)
    atom_num = jax.random.randint(ks[0], (N,), 0, 119)
    nbr_idx = jax.random.randint(ks[1], (N, M), 0, N)
    nbr_fea = jax.random.normal(ks[2], (N, M, NBR_FEA), dtype=jnp.float32)
    crystal_atom_idx = jax.random.randint(ks[3], (B, L), 0, N)
    embedding = jax.random.normal(ks[4], (119, ATOM_FEA), dtype=jnp.float32) * 0.02
    convW = jax.random.normal(ks[5], (NCONV, 2 * ATOM_FEA + NBR_FEA, 2 * ATOM_FEA), dtype=jnp.float32) / np.sqrt(2 * ATOM_FEA + NBR_FEA)
    convB = jnp.zeros((NCONV, 2 * ATOM_FEA), dtype=jnp.float32)
    bn1_g = jnp.ones((NCONV, 2 * ATOM_FEA), dtype=jnp.float32)
    bn1_b = jnp.zeros((NCONV, 2 * ATOM_FEA), dtype=jnp.float32)
    bn2_g = jnp.ones((NCONV, ATOM_FEA), dtype=jnp.float32)
    bn2_b = jnp.zeros((NCONV, ATOM_FEA), dtype=jnp.float32)
    fcW = jax.random.normal(ks[6], (ATOM_FEA, HID), dtype=jnp.float32) / np.sqrt(ATOM_FEA)
    fcb = jnp.zeros((HID,), dtype=jnp.float32)
    return {"atom_num": atom_num, "nbr_idx": nbr_idx, "nbr_fea": nbr_fea,
            "crystal_atom_idx": crystal_atom_idx, "embedding": embedding,
            "convW": convW, "convB": convB, "bn1_g": bn1_g, "bn1_b": bn1_b,
            "bn2_g": bn2_g, "bn2_b": bn2_b, "fcW": fcW, "fcb": fcb}


def reference(atom_num, nbr_idx, nbr_fea, crystal_atom_idx, embedding,
              convW, convB, bn1_g, bn1_b, bn2_g, bn2_b, fcW, fcb):
    atom_fea = embedding[atom_num]  # [N, ATOM_FEA]
    for i in range(NCONV):
        atom_nbr = atom_fea[nbr_idx]  # gather: [N, M, ATOM_FEA]
        self_fea = jnp.broadcast_to(atom_fea[:, None, :], (N, M, ATOM_FEA))
        total = jnp.concatenate([self_fea, atom_nbr, nbr_fea], axis=2)
        gated = total @ convW[i] + convB[i]  # [N, M, 2*ATOM_FEA]
        gated = _bn(gated.reshape(-1, 2 * ATOM_FEA), bn1_g[i], bn1_b[i]).reshape(N, M, 2 * ATOM_FEA)
        nbr_filter = jax.nn.sigmoid(gated[..., :ATOM_FEA])
        nbr_core = jax.nn.softplus(gated[..., ATOM_FEA:])
        nbr_sumed = jnp.sum(nbr_filter * nbr_core, axis=1)  # [N, ATOM_FEA]
        nbr_sumed = _bn(nbr_sumed, bn2_g[i], bn2_b[i])
        atom_fea = jax.nn.softplus(atom_fea + nbr_sumed)
    atom_fea = atom_fea @ fcW + fcb  # [N, HID]
    gathered = atom_fea[crystal_atom_idx]  # [B, L, HID]
    new_atom_fea = jnp.zeros((B, MAXG, HID), dtype=atom_fea.dtype).at[:, :L].set(gathered)
    mask = jnp.zeros((B, MAXG), dtype=atom_fea.dtype).at[:, :L].set(1.0)
    return (new_atom_fea, mask)

if __name__ == "__main__":
    import jax
    _d = setup_inputs()
    print(jax.jit(kernel)(*tuple(_d.values())))

</pallas_src>

<mosaic_0001>
#map = affine_map<(d0, d1) -> (0, 0)>
#map1 = affine_map<(d0, d1) -> (0)>
module attributes {stable_mosaic.version = 14 : i64} {
  func.func @gather_k(%arg0: i32, %arg1: i32, %arg2: memref<119x128xf32, #tpu.memory_space<hbm>>, %arg3: memref<10240xi32, #tpu.memory_space<hbm>>, %arg4: memref<10240x128xf32, #tpu.memory_space<hbm>>, %arg5: memref<320xi32, #tpu.memory_space<vmem>>, %arg6: memref<80x128xf32, #tpu.memory_space<vmem>>, %arg7: memref<80x128xf32, #tpu.memory_space<vmem>>, %arg8: memref<!tpu.dma_semaphore, #tpu.memory_space<semaphore_mem>>, %arg9: memref<!tpu.dma_semaphore, #tpu.memory_space<semaphore_mem>>, %arg10: memref<!tpu.dma_semaphore, #tpu.memory_space<semaphore_mem>>, %arg11: memref<!tpu.dma_semaphore, #tpu.memory_space<semaphore_mem>>) attributes {dimension_semantics = [#tpu.dimension_semantics<core_parallel>, #tpu.dimension_semantics<subcore_parallel>], iteration_bounds = array<i64: 2, 16>, scalar_prefetch = 0 : i64, scratch_operands = 7 : i64, tpu.core_type = #tpu.core_type<sc_vector_subcore>, window_params = [{transform_indices = #map}, {transform_indices = #map1}, {transform_indices = #map}]} {
    %mul3A = arith.constant 2 : i32
    %mul3A_0 = arith.muli %arg1, %mul3A : i32
    %add3A = arith.addi %mul3A_0, %arg0 : i32
    %mul3A_1 = arith.constant 320 : i32
    %mul3A_2 = arith.muli %add3A, %mul3A_1 : i32
    "tpu.region"() ({
      %run_scoped3A = tpu.sem_alloc : memref<!tpu.dma_semaphore, #tpu.memory_space<semaphore_mem>>
      %dma_start3A_17 = tpu.memref_slice %arg3[%mul3A_2] : memref<10240xi32, #tpu.memory_space<hbm>> -> memref<320xi32, #tpu.memory_space<hbm>>
      %dma_start3A_18 = tpu.memref_slice %arg3[%mul3A_2] : memref<10240xi32, #tpu.memory_space<hbm>> -> memref<320xi32, #tpu.memory_space<hbm>>
      tpu.enqueue_dma source(%dma_start3A_18 : memref<320xi32, #tpu.memory_space<hbm>>) target(%arg5 : memref<320xi32, #tpu.memory_space<vmem>>) target_semaphore(%run_scoped3A : memref<!tpu.dma_semaphore, #tpu.memory_space<semaphore_mem>>)
      %dma_wait3A = tpu.memref_slice %arg3[%mul3A_2] : memref<10240xi32, #tpu.memory_space<hbm>> -> memref<320xi32, #tpu.memory_space<hbm>>
      %dma_wait3A_19 = tpu.memref_slice %arg3[%mul3A_2] : memref<10240xi32, #tpu.memory_space<hbm>> -> memref<320xi32, #tpu.memory_space<hbm>>
      tpu.wait_dma2 semaphore(%run_scoped3A : memref<!tpu.dma_semaphore, #tpu.memory_space<semaphore_mem>>) src(%dma_wait3A_19 : memref<320xi32, #tpu.memory_space<hbm>>) dst(%arg5 : memref<320xi32, #tpu.memory_space<vmem>>)
      tpu.yield
    }) : () -> ()
    %dma_start3A = arith.constant 0 : i32
    %dma_start3A_3 = tpu.memref_slice %arg5[%dma_start3A] : memref<320xi32, #tpu.memory_space<vmem>> -> memref<80xi32, #tpu.memory_space<vmem>>
    %dma_start3A_4 = arith.constant 0 : i32
    %dma_start3A_5 = arith.constant 0 : i32
    %dma_start3A_6 = tpu.memref_slice %arg2[%dma_start3A_4, %dma_start3A_5] : memref<119x128xf32, #tpu.memory_space<hbm>> -> memref<119x128xf32, #tpu.memory_space<hbm>>
    tpu.enqueue_indirect_dma source(%dma_start3A_6 : memref<119x128xf32, #tpu.memory_space<hbm>>) target(%arg6 : memref<80x128xf32, #tpu.memory_space<vmem>>) offsets(%dma_start3A_3 : memref<80xi32, #tpu.memory_space<vmem>>) semaphore(%arg8 : memref<!tpu.dma_semaphore, #tpu.memory_space<semaphore_mem>>)
    %dma_start3A_7 = arith.constant 80 : i32
    %dma_start3A_8 = tpu.memref_slice %arg5[%dma_start3A_7] : memref<320xi32, #tpu.memory_space<vmem>> -> memref<80xi32, #tpu.memory_space<vmem>>
    %dma_start3A_9 = arith.constant 0 : i32
    %dma_start3A_10 = arith.constant 0 : i32
    %dma_start3A_11 = tpu.memref_slice %arg2[%dma_start3A_9, %dma_start3A_10] : memref<119x128xf32, #tpu.memory_space<hbm>> -> memref<119x128xf32, #tpu.memory_space<hbm>>
    tpu.enqueue_indirect_dma source(%dma_start3A_11 : memref<119x128xf32, #tpu.memory_space<hbm>>) target(%arg7 : memref<80x128xf32, #tpu.memory_space<vmem>>) offsets(%dma_start3A_8 : memref<80xi32, #tpu.memory_space<vmem>>) semaphore(%arg9 : memref<!tpu.dma_semaphore, #tpu.memory_space<semaphore_mem>>)
    %scan3A = arith.constant 0 : i32
    %scan3A_12 = arith.constant 0 : i32
    %scan3A_13 = arith.constant 2 : i32
    %scan3A_14 = arith.addi %scan3A_12, %scan3A_13 : i32
    %scan3A_15 = arith.constant 1 : i32
    scf.for %scan3A_17 = %scan3A_12 to %scan3A_14 step %scan3A_15  : i32 {
      %mul3A_18 = arith.constant 2 : i32
      %mul3A_19 = arith.muli %scan3A_17, %mul3A_18 : i32
      %mul3A_20 = arith.constant 80 : i32
      %mul3A_21 = arith.muli %mul3A_19, %mul3A_20 : i32
      %dma_wait3A = tpu.memref_slice %arg5[%mul3A_21] : memref<320xi32, #tpu.memory_space<vmem>> -> memref<80xi32, #tpu.memory_space<vmem>>
      %dma_wait3A_22 = arith.constant 0 : i32
      %dma_wait3A_23 = arith.constant 0 : i32
      %dma_wait3A_24 = tpu.memref_slice %arg2[%dma_wait3A_22, %dma_wait3A_23] : memref<119x128xf32, #tpu.memory_space<hbm>> -> memref<119x128xf32, #tpu.memory_space<hbm>>
      tpu.wait_indirect_dma semaphore(%arg8 : memref<!tpu.dma_semaphore, #tpu.memory_space<semaphore_mem>>) src(%dma_wait3A_24 : memref<119x128xf32, #tpu.memory_space<hbm>>) dst(%arg6 : memref<80x128xf32, #tpu.memory_space<vmem>>)
      %mul3A_25 = arith.constant 80 : i32
      %mul3A_26 = arith.muli %mul3A_19, %mul3A_25 : i32
      %add3A_27 = arith.addi %mul3A_2, %mul3A_26 : i32
      %dma_start3A_28 = arith.constant 0 : i32
      %dma_start3A_29 = tpu.memref_slice %arg4[%add3A_27, %dma_start3A_28] : memref<10240x128xf32, #tpu.memory_space<hbm>> -> memref<80x128xf32, #tpu.memory_space<hbm>>
      %dma_start3A_30 = arith.constant 0 : i32
      %dma_start3A_31 = tpu.memref_slice %arg4[%add3A_27, %dma_start3A_30] : memref<10240x128xf32, #tpu.memory_space<hbm>> -> memref<80x128xf32, #tpu.memory_space<hbm>>
      tpu.enqueue_dma source(%arg6 : memref<80x128xf32, #tpu.memory_space<vmem>>) target(%dma_start3A_31 : memref<80x128xf32, #tpu.memory_space<hbm>>) target_semaphore(%arg10 : memref<!tpu.dma_semaphore, #tpu.memory_space<semaphore_mem>>)
      %dma_wait3A_32 = arith.constant 0 : i32
      %dma_wait3A_33 = tpu.memref_slice %arg4[%add3A_27, %dma_wait3A_32] : memref<10240x128xf32, #tpu.memory_space<hbm>> -> memref<80x128xf32, #tpu.memory_space<hbm>>
      %dma_wait3A_34 = arith.constant 0 : i32
      %dma_wait3A_35 = tpu.memref_slice %arg4[%add3A_27, %dma_wait3A_34] : memref<10240x128xf32, #tpu.memory_space<hbm>> -> memref<80x128xf32, #tpu.memory_space<hbm>>
      tpu.wait_dma2 semaphore(%arg10 : memref<!tpu.dma_semaphore, #tpu.memory_space<semaphore_mem>>) src(%arg6 : memref<80x128xf32, #tpu.memory_space<vmem>>) dst(%dma_wait3A_35 : memref<80x128xf32, #tpu.memory_space<hbm>>)
      %add3A_36 = arith.constant 2 : i32
      %add3A_37 = arith.addi %mul3A_19, %add3A_36 : i32
      %lt3A = arith.constant 4 : i32
      %lt3A_38 = arith.cmpi slt, %add3A_37, %lt3A : i32
      %convert_element_type3A = arith.extui %lt3A_38 : i1 to i32
      %cond3A = arith.constant 0 : i32
      %cond3A_39 = arith.cmpi ne, %convert_element_type3A, %cond3A : i32
      scf.if %cond3A_39 {
        %add3A_68 = arith.constant 2 : i32
        %add3A_69 = arith.addi %mul3A_19, %add3A_68 : i32
        %mul3A_70 = arith.constant 80 : i32
        %mul3A_71 = arith.muli %add3A_69, %mul3A_70 : i32
        %dma_start3A_72 = tpu.memref_slice %arg5[%mul3A_71] : memref<320xi32, #tpu.memory_space<vmem>> -> memref<80xi32, #tpu.memory_space<vmem>>
        %dma_start3A_73 = arith.constant 0 : i32
        %dma_start3A_74 = arith.constant 0 : i32
        %dma_start3A_75 = tpu.memref_slice %arg2[%dma_start3A_73, %dma_start3A_74] : memref<119x128xf32, #tpu.memory_space<hbm>> -> memref<119x128xf32, #tpu.memory_space<hbm>>
        tpu.enqueue_indirect_dma source(%dma_start3A_75 : memref<119x128xf32, #tpu.memory_space<hbm>>) target(%arg6 : memref<80x128xf32, #tpu.memory_space<vmem>>) offsets(%dma_start3A_72 : memref<80xi32, #tpu.memory_space<vmem>>) semaphore(%arg8 : memref<!tpu.dma_semaphore, #tpu.memory_space<semaphore_mem>>)
      } else {
      }
      %mul3A_40 = arith.constant 2 : i32
      %mul3A_41 = arith.muli %scan3A_17, %mul3A_40 : i32
      %add3A_42 = arith.constant 1 : i32
      %add3A_43 = arith.addi %mul3A_41, %add3A_42 : i32
      %mul3A_44 = arith.constant 80 : i32
      %mul3A_45 = arith.muli %add3A_43, %mul3A_44 : i32
      %dma_wait3A_46 = tpu.memref_slice %arg5[%mul3A_45] : memref<320xi32, #tpu.memory_space<vmem>> -> memref<80xi32, #tpu.memory_space<vmem>>
      %dma_wait3A_47 = arith.constant 0 : i32
      %dma_wait3A_48 = arith.constant 0 : i32
      %dma_wait3A_49 = tpu.memref_slice %arg2[%dma_wait3A_47, %dma_wait3A_48] : memref<119x128xf32, #tpu.memory_space<hbm>> -> memref<119x128xf32, #tpu.memory_space<hbm>>
      tpu.wait_indirect_dma semaphore(%arg9 : memref<!tpu.dma_semaphore, #tpu.memory_space<semaphore_mem>>) src(%dma_wait3A_49 : memref<119x128xf32, #tpu.memory_space<hbm>>) dst(%arg7 : memref<80x128xf32, #tpu.memory_space<vmem>>)
      %mul3A_50 = arith.constant 80 : i32
      %mul3A_51 = arith.muli %add3A_43, %mul3A_50 : i32
      %add3A_52 = arith.addi %mul3A_2, %mul3A_51 : i32
      %dma_start3A_53 = arith.constant 0 : i32
      %dma_start3A_54 = tpu.memref_slice %arg4[%add3A_52, %dma_start3A_53] : memref<10240x128xf32, #tpu.memory_space<hbm>> -> memref<80x128xf32, #tpu.memory_space<hbm>>
      %dma_start3A_55 = arith.constant 0 : i32
      %dma_start3A_56 = tpu.memref_slice %arg4[%add3A_52, %dma_start3A_55] : memref<10240x128xf32, #tpu.memory_space<hbm>> -> memref<80x128xf32, #tpu.memory_space<hbm>>
      tpu.enqueue_dma source(%arg7 : memref<80x128xf32, #tpu.memory_space<vmem>>) target(%dma_start3A_56 : memref<80x128xf32, #tpu.memory_space<hbm>>) target_semaphore(%arg11 : memref<!tpu.dma_semaphore, #tpu.memory_space<semaphore_mem>>)
      %dma_wait3A_57 = arith.constant 0 : i32
      %dma_wait3A_58 = tpu.memref_slice %arg4[%add3A_52, %dma_wait3A_57] : memref<10240x128xf32, #tpu.memory_space<hbm>> -> memref<80x128xf32, #tpu.memory_space<hbm>>
      %dma_wait3A_59 = arith.constant 0 : i32
      %dma_wait3A_60 = tpu.memref_slice %arg4[%add3A_52, %dma_wait3A_59] : memref<10240x128xf32, #tpu.memory_space<hbm>> -> memref<80x128xf32, #tpu.memory_space<hbm>>
      tpu.wait_dma2 semaphore(%arg11 : memref<!tpu.dma_semaphore, #tpu.memory_space<semaphore_mem>>) src(%arg7 : memref<80x128xf32, #tpu.memory_space<vmem>>) dst(%dma_wait3A_60 : memref<80x128xf32, #tpu.memory_space<hbm>>)
      %add3A_61 = arith.constant 2 : i32
      %add3A_62 = arith.addi %add3A_43, %add3A_61 : i32
      %lt3A_63 = arith.constant 4 : i32
      %lt3A_64 = arith.cmpi slt, %add3A_62, %lt3A_63 : i32
      %convert_element_type3A_65 = arith.extui %lt3A_64 : i1 to i32
      %cond3A_66 = arith.constant 0 : i32
      %cond3A_67 = arith.cmpi ne, %convert_element_type3A_65, %cond3A_66 : i32
      scf.if %cond3A_67 {
        %add3A_68 = arith.constant 2 : i32
        %add3A_69 = arith.addi %add3A_43, %add3A_68 : i32
        %mul3A_70 = arith.constant 80 : i32
        %mul3A_71 = arith.muli %add3A_69, %mul3A_70 : i32
        %dma_start3A_72 = tpu.memref_slice %arg5[%mul3A_71] : memref<320xi32, #tpu.memory_space<vmem>> -> memref<80xi32, #tpu.memory_space<vmem>>
        %dma_start3A_73 = arith.constant 0 : i32
        %dma_start3A_74 = arith.constant 0 : i32
        %dma_start3A_75 = tpu.memref_slice %arg2[%dma_start3A_73, %dma_start3A_74] : memref<119x128xf32, #tpu.memory_space<hbm>> -> memref<119x128xf32, #tpu.memory_space<hbm>>
        tpu.enqueue_indirect_dma source(%dma_start3A_75 : memref<119x128xf32, #tpu.memory_space<hbm>>) target(%arg7 : memref<80x128xf32, #tpu.memory_space<vmem>>) offsets(%dma_start3A_72 : memref<80xi32, #tpu.memory_space<vmem>>) semaphore(%arg9 : memref<!tpu.dma_semaphore, #tpu.memory_space<semaphore_mem>>)
      } else {
      }
    }
    %scan3A_16 = arith.constant 2 : i32
    return
  }
}

#map = affine_map<(d0, d1) -> (0, 0)>
#map1 = affine_map<(d0, d1) -> (0)>
module attributes {stable_mosaic.version = 14 : i64} {
  func.func @gather_k(%arg0: i32, %arg1: i32, %arg2: memref<10240x64xf32, #tpu.memory_space<hbm>>, %arg3: memref<327680xi32, #tpu.memory_space<hbm>>, %arg4: memref<327680x64xf32, #tpu.memory_space<hbm>>, %arg5: memref<10240xi32, #tpu.memory_space<vmem>>, %arg6: memref<128x64xf32, #tpu.memory_space<vmem>>, %arg7: memref<128x64xf32, #tpu.memory_space<vmem>>, %arg8: memref<!tpu.dma_semaphore, #tpu.memory_space<semaphore_mem>>, %arg9: memref<!tpu.dma_semaphore, #tpu.memory_space<semaphore_mem>>, %arg10: memref<!tpu.dma_semaphore, #tpu.memory_space<semaphore_mem>>, %arg11: memref<!tpu.dma_semaphore, #tpu.memory_space<semaphore_mem>>) attributes {dimension_semantics = [#tpu.dimension_semantics<core_parallel>, #tpu.dimension_semantics<subcore_parallel>], iteration_bounds = array<i64: 2, 16>, scalar_prefetch = 0 : i64, scratch_operands = 7 : i64, tpu.core_type = #tpu.core_type<sc_vector_subcore>, window_params = [{transform_indices = #map}, {transform_indices = #map1}, {transform_indices = #map}]} {
    %mul3A = arith.constant 2 : i32
    %mul3A_0 = arith.muli %arg1, %mul3A : i32
    %add3A = arith.addi %mul3A_0, %arg0 : i32
    %mul3A_1 = arith.constant 10240 : i32
    %mul3A_2 = arith.muli %add3A, %mul3A_1 : i32
    "tpu.region"() ({
      %run_scoped3A = tpu.sem_alloc : memref<!tpu.dma_semaphore, #tpu.memory_space<semaphore_mem>>
      %dma_start3A_17 = tpu.memref_slice %arg3[%mul3A_2] : memref<327680xi32, #tpu.memory_space<hbm>> -> memref<10240xi32, #tpu.memory_space<hbm>>
      %dma_start3A_18 = tpu.memref_slice %arg3[%mul3A_2] : memref<327680xi32, #tpu.memory_space<hbm>> -> memref<10240xi32, #tpu.memory_space<hbm>>
      tpu.enqueue_dma source(%dma_start3A_18 : memref<10240xi32, #tpu.memory_space<hbm>>) target(%arg5 : memref<10240xi32, #tpu.memory_space<vmem>>) target_semaphore(%run_scoped3A : memref<!tpu.dma_semaphore, #tpu.memory_space<semaphore_mem>>)
      %dma_wait3A = tpu.memref_slice %arg3[%mul3A_2] : memref<327680xi32, #tpu.memory_space<hbm>> -> memref<10240xi32, #tpu.memory_space<hbm>>
      %dma_wait3A_19 = tpu.memref_slice %arg3[%mul3A_2] : memref<327680xi32, #tpu.memory_space<hbm>> -> memref<10240xi32, #tpu.memory_space<hbm>>
      tpu.wait_dma2 semaphore(%run_scoped3A : memref<!tpu.dma_semaphore, #tpu.memory_space<semaphore_mem>>) src(%dma_wait3A_19 : memref<10240xi32, #tpu.memory_space<hbm>>) dst(%arg5 : memref<10240xi32, #tpu.memory_space<vmem>>)
      tpu.yield
    }) : () -> ()
    %dma_start3A = arith.constant 0 : i32
    %dma_start3A_3 = tpu.memref_slice %arg5[%dma_start3A] : memref<10240xi32, #tpu.memory_space<vmem>> -> memref<128xi32, #tpu.memory_space<vmem>>
    %dma_start3A_4 = arith.constant 0 : i32
    %dma_start3A_5 = arith.constant 0 : i32
    %dma_start3A_6 = tpu.memref_slice %arg2[%dma_start3A_4, %dma_start3A_5] : memref<10240x64xf32, #tpu.memory_space<hbm>> -> memref<10240x64xf32, #tpu.memory_space<hbm>>
    tpu.enqueue_indirect_dma source(%dma_start3A_6 : memref<10240x64xf32, #tpu.memory_space<hbm>>) target(%arg6 : memref<128x64xf32, #tpu.memory_space<vmem>>) offsets(%dma_start3A_3 : memref<128xi32, #tpu.memory_space<vmem>>) semaphore(%arg8 : memref<!tpu.dma_semaphore, #tpu.memory_space<semaphore_mem>>)
    %dma_start3A_7 = arith.constant 128 : i32
    %dma_start3A_8 = tpu.memref_slice %arg5[%dma_start3A_7] : memref<10240xi32, #tpu.memory_space<vmem>> -> memref<128xi32, #tpu.memory_space<vmem>>
    %dma_start3A_9 = arith.constant 0 : i32
    %dma_start3A_10 = arith.constant 0 : i32
    %dma_start3A_11 = tpu.memref_slice %arg2[%dma_start3A_9, %dma_start3A_10] : memref<10240x64xf32, #tpu.memory_space<hbm>> -> memref<10240x64xf32, #tpu.memory_space<hbm>>
    tpu.enqueue_indirect_dma source(%dma_start3A_11 : memref<10240x64xf32, #tpu.memory_space<hbm>>) target(%arg7 : memref<128x64xf32, #tpu.memory_space<vmem>>) offsets(%dma_start3A_8 : memref<128xi32, #tpu.memory_space<vmem>>) semaphore(%arg9 : memref<!tpu.dma_semaphore, #tpu.memory_space<semaphore_mem>>)
    %scan3A = arith.constant 0 : i32
    %scan3A_12 = arith.constant 0 : i32
    %scan3A_13 = arith.constant 40 : i32
    %scan3A_14 = arith.addi %scan3A_12, %scan3A_13 : i32
    %scan3A_15 = arith.constant 1 : i32
    scf.for %scan3A_17 = %scan3A_12 to %scan3A_14 step %scan3A_15  : i32 {
      %mul3A_18 = arith.constant 2 : i32
      %mul3A_19 = arith.muli %scan3A_17, %mul3A_18 : i32
      %mul3A_20 = arith.constant 128 : i32
      %mul3A_21 = arith.muli %mul3A_19, %mul3A_20 : i32
      %dma_wait3A = tpu.memref_slice %arg5[%mul3A_21] : memref<10240xi32, #tpu.memory_space<vmem>> -> memref<128xi32, #tpu.memory_space<vmem>>
      %dma_wait3A_22 = arith.constant 0 : i32
      %dma_wait3A_23 = arith.constant 0 : i32
      %dma_wait3A_24 = tpu.memref_slice %arg2[%dma_wait3A_22, %dma_wait3A_23] : memref<10240x64xf32, #tpu.memory_space<hbm>> -> memref<10240x64xf32, #tpu.memory_space<hbm>>
      tpu.wait_indirect_dma semaphore(%arg8 : memref<!tpu.dma_semaphore, #tpu.memory_space<semaphore_mem>>) src(%dma_wait3A_24 : memref<10240x64xf32, #tpu.memory_space<hbm>>) dst(%arg6 : memref<128x64xf32, #tpu.memory_space<vmem>>)
      %mul3A_25 = arith.constant 128 : i32
      %mul3A_26 = arith.muli %mul3A_19, %mul3A_25 : i32
      %add3A_27 = arith.addi %mul3A_2, %mul3A_26 : i32
      %dma_start3A_28 = arith.constant 0 : i32
      %dma_start3A_29 = tpu.memref_slice %arg4[%add3A_27, %dma_start3A_28] : memref<327680x64xf32, #tpu.memory_space<hbm>> -> memref<128x64xf32, #tpu.memory_space<hbm>>
      %dma_start3A_30 = arith.constant 0 : i32
      %dma_start3A_31 = tpu.memref_slice %arg4[%add3A_27, %dma_start3A_30] : memref<327680x64xf32, #tpu.memory_space<hbm>> -> memref<128x64xf32, #tpu.memory_space<hbm>>
      tpu.enqueue_dma source(%arg6 : memref<128x64xf32, #tpu.memory_space<vmem>>) target(%dma_start3A_31 : memref<128x64xf32, #tpu.memory_space<hbm>>) target_semaphore(%arg10 : memref<!tpu.dma_semaphore, #tpu.memory_space<semaphore_mem>>)
      %dma_wait3A_32 = arith.constant 0 : i32
      %dma_wait3A_33 = tpu.memref_slice %arg4[%add3A_27, %dma_wait3A_32] : memref<327680x64xf32, #tpu.memory_space<hbm>> -> memref<128x64xf32, #tpu.memory_space<hbm>>
      %dma_wait3A_34 = arith.constant 0 : i32
      %dma_wait3A_35 = tpu.memref_slice %arg4[%add3A_27, %dma_wait3A_34] : memref<327680x64xf32, #tpu.memory_space<hbm>> -> memref<128x64xf32, #tpu.memory_space<hbm>>
      tpu.wait_dma2 semaphore(%arg10 : memref<!tpu.dma_semaphore, #tpu.memory_space<semaphore_mem>>) src(%arg6 : memref<128x64xf32, #tpu.memory_space<vmem>>) dst(%dma_wait3A_35 : memref<128x64xf32, #tpu.memory_space<hbm>>)
      %add3A_36 = arith.constant 2 : i32
      %add3A_37 = arith.addi %mul3A_19, %add3A_36 : i32
      %lt3A = arith.constant 80 : i32
      %lt3A_38 = arith.cmpi slt, %add3A_37, %lt3A : i32
      %convert_element_type3A = arith.extui %lt3A_38 : i1 to i32
      %cond3A = arith.constant 0 : i32
      %cond3A_39 = arith.cmpi ne, %convert_element_type3A, %cond3A : i32
      scf.if %cond3A_39 {
        %add3A_68 = arith.constant 2 : i32
        %add3A_69 = arith.addi %mul3A_19, %add3A_68 : i32
        %mul3A_70 = arith.constant 128 : i32
        %mul3A_71 = arith.muli %add3A_69, %mul3A_70 : i32
        %dma_start3A_72 = tpu.memref_slice %arg5[%mul3A_71] : memref<10240xi32, #tpu.memory_space<vmem>> -> memref<128xi32, #tpu.memory_space<vmem>>
        %dma_start3A_73 = arith.constant 0 : i32
        %dma_start3A_74 = arith.constant 0 : i32
        %dma_start3A_75 = tpu.memref_slice %arg2[%dma_start3A_73, %dma_start3A_74] : memref<10240x64xf32, #tpu.memory_space<hbm>> -> memref<10240x64xf32, #tpu.memory_space<hbm>>
        tpu.enqueue_indirect_dma source(%dma_start3A_75 : memref<10240x64xf32, #tpu.memory_space<hbm>>) target(%arg6 : memref<128x64xf32, #tpu.memory_space<vmem>>) offsets(%dma_start3A_72 : memref<128xi32, #tpu.memory_space<vmem>>) semaphore(%arg8 : memref<!tpu.dma_semaphore, #tpu.memory_space<semaphore_mem>>)
      } else {
      }
      %mul3A_40 = arith.constant 2 : i32
      %mul3A_41 = arith.muli %scan3A_17, %mul3A_40 : i32
      %add3A_42 = arith.constant 1 : i32
      %add3A_43 = arith.addi %mul3A_41, %add3A_42 : i32
      %mul3A_44 = arith.constant 128 : i32
      %mul3A_45 = arith.muli %add3A_43, %mul3A_44 : i32
      %dma_wait3A_46 = tpu.memref_slice %arg5[%mul3A_45] : memref<10240xi32, #tpu.memory_space<vmem>> -> memref<128xi32, #tpu.memory_space<vmem>>
      %dma_wait3A_47 = arith.constant 0 : i32
      %dma_wait3A_48 = arith.constant 0 : i32
      %dma_wait3A_49 = tpu.memref_slice %arg2[%dma_wait3A_47, %dma_wait3A_48] : memref<10240x64xf32, #tpu.memory_space<hbm>> -> memref<10240x64xf32, #tpu.memory_space<hbm>>
      tpu.wait_indirect_dma semaphore(%arg9 : memref<!tpu.dma_semaphore, #tpu.memory_space<semaphore_mem>>) src(%dma_wait3A_49 : memref<10240x64xf32, #tpu.memory_space<hbm>>) dst(%arg7 : memref<128x64xf32, #tpu.memory_space<vmem>>)
      %mul3A_50 = arith.constant 128 : i32
      %mul3A_51 = arith.muli %add3A_43, %mul3A_50 : i32
      %add3A_52 = arith.addi %mul3A_2, %mul3A_51 : i32
      %dma_start3A_53 = arith.constant 0 : i32
      %dma_start3A_54 = tpu.memref_slice %arg4[%add3A_52, %dma_start3A_53] : memref<327680x64xf32, #tpu.memory_space<hbm>> -> memref<128x64xf32, #tpu.memory_space<hbm>>
      %dma_start3A_55 = arith.constant 0 : i32
      %dma_start3A_56 = tpu.memref_slice %arg4[%add3A_52, %dma_start3A_55] : memref<327680x64xf32, #tpu.memory_space<hbm>> -> memref<128x64xf32, #tpu.memory_space<hbm>>
      tpu.enqueue_dma source(%arg7 : memref<128x64xf32, #tpu.memory_space<vmem>>) target(%dma_start3A_56 : memref<128x64xf32, #tpu.memory_space<hbm>>) target_semaphore(%arg11 : memref<!tpu.dma_semaphore, #tpu.memory_space<semaphore_mem>>)
      %dma_wait3A_57 = arith.constant 0 : i32
      %dma_wait3A_58 = tpu.memref_slice %arg4[%add3A_52, %dma_wait3A_57] : memref<327680x64xf32, #tpu.memory_space<hbm>> -> memref<128x64xf32, #tpu.memory_space<hbm>>
      %dma_wait3A_59 = arith.constant 0 : i32
      %dma_wait3A_60 = tpu.memref_slice %arg4[%add3A_52, %dma_wait3A_59] : memref<327680x64xf32, #tpu.memory_space<hbm>> -> memref<128x64xf32, #tpu.memory_space<hbm>>
      tpu.wait_dma2 semaphore(%arg11 : memref<!tpu.dma_semaphore, #tpu.memory_space<semaphore_mem>>) src(%arg7 : memref<128x64xf32, #tpu.memory_space<vmem>>) dst(%dma_wait3A_60 : memref<128x64xf32, #tpu.memory_space<hbm>>)
      %add3A_61 = arith.constant 2 : i32
      %add3A_62 = arith.addi %add3A_43, %add3A_61 : i32
      %lt3A_63 = arith.constant 80 : i32
      %lt3A_64 = arith.cmpi slt, %add3A_62, %lt3A_63 : i32
      %convert_element_type3A_65 = arith.extui %lt3A_64 : i1 to i32
      %cond3A_66 = arith.constant 0 : i32
      %cond3A_67 = arith.cmpi ne, %convert_element_type3A_65, %cond3A_66 : i32
      scf.if %cond3A_67 {
        %add3A_68 = arith.constant 2 : i32
        %add3A_69 = arith.addi %add3A_43, %add3A_68 : i32
        %mul3A_70 = arith.constant 128 : i32
        %mul3A_71 = arith.muli %add3A_69, %mul3A_70 : i32
        %dma_start3A_72 = tpu.memref_slice %arg5[%mul3A_71] : memref<10240xi32, #tpu.memory_space<vmem>> -> memref<128xi32, #tpu.memory_space<vmem>>
        %dma_start3A_73 = arith.constant 0 : i32
        %dma_start3A_74 = arith.constant 0 : i32
        %dma_start3A_75 = tpu.memref_slice %arg2[%dma_start3A_73, %dma_start3A_74] : memref<10240x64xf32, #tpu.memory_space<hbm>> -> memref<10240x64xf32, #tpu.memory_space<hbm>>
        tpu.enqueue_indirect_dma source(%dma_start3A_75 : memref<10240x64xf32, #tpu.memory_space<hbm>>) target(%arg7 : memref<128x64xf32, #tpu.memory_space<vmem>>) offsets(%dma_start3A_72 : memref<128xi32, #tpu.memory_space<vmem>>) semaphore(%arg9 : memref<!tpu.dma_semaphore, #tpu.memory_space<semaphore_mem>>)
      } else {
      }
    }
    %scan3A_16 = arith.constant 40 : i32
    return
  }
}

#map = affine_map<(d0, d1) -> (0, 0)>
#map1 = affine_map<(d0, d1) -> (0)>
module attributes {stable_mosaic.version = 14 : i64} {
  func.func @gather_k(%arg0: i32, %arg1: i32, %arg2: memref<10240x64xf32, #tpu.memory_space<hbm>>, %arg3: memref<327680xi32, #tpu.memory_space<hbm>>, %arg4: memref<327680x64xf32, #tpu.memory_space<hbm>>, %arg5: memref<10240xi32, #tpu.memory_space<vmem>>, %arg6: memref<128x64xf32, #tpu.memory_space<vmem>>, %arg7: memref<128x64xf32, #tpu.memory_space<vmem>>, %arg8: memref<!tpu.dma_semaphore, #tpu.memory_space<semaphore_mem>>, %arg9: memref<!tpu.dma_semaphore, #tpu.memory_space<semaphore_mem>>, %arg10: memref<!tpu.dma_semaphore, #tpu.memory_space<semaphore_mem>>, %arg11: memref<!tpu.dma_semaphore, #tpu.memory_space<semaphore_mem>>) attributes {dimension_semantics = [#tpu.dimension_semantics<core_parallel>, #tpu.dimension_semantics<subcore_parallel>], iteration_bounds = array<i64: 2, 16>, scalar_prefetch = 0 : i64, scratch_operands = 7 : i64, tpu.core_type = #tpu.core_type<sc_vector_subcore>, window_params = [{transform_indices = #map}, {transform_indices = #map1}, {transform_indices = #map}]} {
    %mul3A = arith.constant 2 : i32
    %mul3A_0 = arith.muli %arg1, %mul3A : i32
    %add3A = arith.addi %mul3A_0, %arg0 : i32
    %mul3A_1 = arith.constant 10240 : i32
    %mul3A_2 = arith.muli %add3A, %mul3A_1 : i32
    "tpu.region"() ({
      %run_scoped3A = tpu.sem_alloc : memref<!tpu.dma_semaphore, #tpu.memory_space<semaphore_mem>>
      %dma_start3A_17 = tpu.memref_slice %arg3[%mul3A_2] : memref<327680xi32, #tpu.memory_space<hbm>> -> memref<10240xi32, #tpu.memory_space<hbm>>
      %dma_start3A_18 = tpu.memref_slice %arg3[%mul3A_2] : memref<327680xi32, #tpu.memory_space<hbm>> -> memref<10240xi32, #tpu.memory_space<hbm>>
      tpu.enqueue_dma source(%dma_start3A_18 : memref<10240xi32, #tpu.memory_space<hbm>>) target(%arg5 : memref<10240xi32, #tpu.memory_space<vmem>>) target_semaphore(%run_scoped3A : memref<!tpu.dma_semaphore, #tpu.memory_space<semaphore_mem>>)
      %dma_wait3A = tpu.memref_slice %arg3[%mul3A_2] : memref<327680xi32, #tpu.memory_space<hbm>> -> memref<10240xi32, #tpu.memory_space<hbm>>
      %dma_wait3A_19 = tpu.memref_slice %arg3[%mul3A_2] : memref<327680xi32, #tpu.memory_space<hbm>> -> memref<10240xi32, #tpu.memory_space<hbm>>
      tpu.wait_dma2 semaphore(%run_scoped3A : memref<!tpu.dma_semaphore, #tpu.memory_space<semaphore_mem>>) src(%dma_wait3A_19 : memref<10240xi32, #tpu.memory_space<hbm>>) dst(%arg5 : memref<10240xi32, #tpu.memory_space<vmem>>)
      tpu.yield
    }) : () -> ()
    %dma_start3A = arith.constant 0 : i32
    %dma_start3A_3 = tpu.memref_slice %arg5[%dma_start3A] : memref<10240xi32, #tpu.memory_space<vmem>> -> memref<128xi32, #tpu.memory_space<vmem>>
    %dma_start3A_4 = arith.constant 0 : i32
    %dma_start3A_5 = arith.constant 0 : i32
    %dma_start3A_6 = tpu.memref_slice %arg2[%dma_start3A_4, %dma_start3A_5] : memref<10240x64xf32, #tpu.memory_space<hbm>> -> memref<10240x64xf32, #tpu.memory_space<hbm>>
    tpu.enqueue_indirect_dma source(%dma_start3A_6 : memref<10240x64xf32, #tpu.memory_space<hbm>>) target(%arg6 : memref<128x64xf32, #tpu.memory_space<vmem>>) offsets(%dma_start3A_3 : memref<128xi32, #tpu.memory_space<vmem>>) semaphore(%arg8 : memref<!tpu.dma_semaphore, #tpu.memory_space<semaphore_mem>>)
    %dma_start3A_7 = arith.constant 128 : i32
    %dma_start3A_8 = tpu.memref_slice %arg5[%dma_start3A_7] : memref<10240xi32, #tpu.memory_space<vmem>> -> memref<128xi32, #tpu.memory_space<vmem>>
    %dma_start3A_9 = arith.constant 0 : i32
    %dma_start3A_10 = arith.constant 0 : i32
    %dma_start3A_11 = tpu.memref_slice %arg2[%dma_start3A_9, %dma_start3A_10] : memref<10240x64xf32, #tpu.memory_space<hbm>> -> memref<10240x64xf32, #tpu.memory_space<hbm>>
    tpu.enqueue_indirect_dma source(%dma_start3A_11 : memref<10240x64xf32, #tpu.memory_space<hbm>>) target(%arg7 : memref<128x64xf32, #tpu.memory_space<vmem>>) offsets(%dma_start3A_8 : memref<128xi32, #tpu.memory_space<vmem>>) semaphore(%arg9 : memref<!tpu.dma_semaphore, #tpu.memory_space<semaphore_mem>>)
    %scan3A = arith.constant 0 : i32
    %scan3A_12 = arith.constant 0 : i32
    %scan3A_13 = arith.constant 40 : i32
    %scan3A_14 = arith.addi %scan3A_12, %scan3A_13 : i32
    %scan3A_15 = arith.constant 1 : i32
    scf.for %scan3A_17 = %scan3A_12 to %scan3A_14 step %scan3A_15  : i32 {
      %mul3A_18 = arith.constant 2 : i32
      %mul3A_19 = arith.muli %scan3A_17, %mul3A_18 : i32
      %mul3A_20 = arith.constant 128 : i32
      %mul3A_21 = arith.muli %mul3A_19, %mul3A_20 : i32
      %dma_wait3A = tpu.memref_slice %arg5[%mul3A_21] : memref<10240xi32, #tpu.memory_space<vmem>> -> memref<128xi32, #tpu.memory_space<vmem>>
      %dma_wait3A_22 = arith.constant 0 : i32
      %dma_wait3A_23 = arith.constant 0 : i32
      %dma_wait3A_24 = tpu.memref_slice %arg2[%dma_wait3A_22, %dma_wait3A_23] : memref<10240x64xf32, #tpu.memory_space<hbm>> -> memref<10240x64xf32, #tpu.memory_space<hbm>>
      tpu.wait_indirect_dma semaphore(%arg8 : memref<!tpu.dma_semaphore, #tpu.memory_space<semaphore_mem>>) src(%dma_wait3A_24 : memref<10240x64xf32, #tpu.memory_space<hbm>>) dst(%arg6 : memref<128x64xf32, #tpu.memory_space<vmem>>)
      %mul3A_25 = arith.constant 128 : i32
      %mul3A_26 = arith.muli %mul3A_19, %mul3A_25 : i32
      %add3A_27 = arith.addi %mul3A_2, %mul3A_26 : i32
      %dma_start3A_28 = arith.constant 0 : i32
      %dma_start3A_29 = tpu.memref_slice %arg4[%add3A_27, %dma_start3A_28] : memref<327680x64xf32, #tpu.memory_space<hbm>> -> memref<128x64xf32, #tpu.memory_space<hbm>>
      %dma_start3A_30 = arith.constant 0 : i32
      %dma_start3A_31 = tpu.memref_slice %arg4[%add3A_27, %dma_start3A_30] : memref<327680x64xf32, #tpu.memory_space<hbm>> -> memref<128x64xf32, #tpu.memory_space<hbm>>
      tpu.enqueue_dma source(%arg6 : memref<128x64xf32, #tpu.memory_space<vmem>>) target(%dma_start3A_31 : memref<128x64xf32, #tpu.memory_space<hbm>>) target_semaphore(%arg10 : memref<!tpu.dma_semaphore, #tpu.memory_space<semaphore_mem>>)
      %dma_wait3A_32 = arith.constant 0 : i32
      %dma_wait3A_33 = tpu.memref_slice %arg4[%add3A_27, %dma_wait3A_32] : memref<327680x64xf32, #tpu.memory_space<hbm>> -> memref<128x64xf32, #tpu.memory_space<hbm>>
      %dma_wait3A_34 = arith.constant 0 : i32
      %dma_wait3A_35 = tpu.memref_slice %arg4[%add3A_27, %dma_wait3A_34] : memref<327680x64xf32, #tpu.memory_space<hbm>> -> memref<128x64xf32, #tpu.memory_space<hbm>>
      tpu.wait_dma2 semaphore(%arg10 : memref<!tpu.dma_semaphore, #tpu.memory_space<semaphore_mem>>) src(%arg6 : memref<128x64xf32, #tpu.memory_space<vmem>>) dst(%dma_wait3A_35 : memref<128x64xf32, #tpu.memory_space<hbm>>)
      %add3A_36 = arith.constant 2 : i32
      %add3A_37 = arith.addi %mul3A_19, %add3A_36 : i32
      %lt3A = arith.constant 80 : i32
      %lt3A_38 = arith.cmpi slt, %add3A_37, %lt3A : i32
      %convert_element_type3A = arith.extui %lt3A_38 : i1 to i32
      %cond3A = arith.constant 0 : i32
      %cond3A_39 = arith.cmpi ne, %convert_element_type3A, %cond3A : i32
      scf.if %cond3A_39 {
        %add3A_68 = arith.constant 2 : i32
        %add3A_69 = arith.addi %mul3A_19, %add3A_68 : i32
        %mul3A_70 = arith.constant 128 : i32
        %mul3A_71 = arith.muli %add3A_69, %mul3A_70 : i32
        %dma_start3A_72 = tpu.memref_slice %arg5[%mul3A_71] : memref<10240xi32, #tpu.memory_space<vmem>> -> memref<128xi32, #tpu.memory_space<vmem>>
        %dma_start3A_73 = arith.constant 0 : i32
        %dma_start3A_74 = arith.constant 0 : i32
        %dma_start3A_75 = tpu.memref_slice %arg2[%dma_start3A_73, %dma_start3A_74] : memref<10240x64xf32, #tpu.memory_space<hbm>> -> memref<10240x64xf32, #tpu.memory_space<hbm>>
        tpu.enqueue_indirect_dma source(%dma_start3A_75 : memref<10240x64xf32, #tpu.memory_space<hbm>>) target(%arg6 : memref<128x64xf32, #tpu.memory_space<vmem>>) offsets(%dma_start3A_72 : memref<128xi32, #tpu.memory_space<vmem>>) semaphore(%arg8 : memref<!tpu.dma_semaphore, #tpu.memory_space<semaphore_mem>>)
      } else {
      }
      %mul3A_40 = arith.constant 2 : i32
      %mul3A_41 = arith.muli %scan3A_17, %mul3A_40 : i32
      %add3A_42 = arith.constant 1 : i32
      %add3A_43 = arith.addi %mul3A_41, %add3A_42 : i32
      %mul3A_44 = arith.constant 128 : i32
      %mul3A_45 = arith.muli %add3A_43, %mul3A_44 : i32
      %dma_wait3A_46 = tpu.memref_slice %arg5[%mul3A_45] : memref<10240xi32, #tpu.memory_space<vmem>> -> memref<128xi32, #tpu.memory_space<vmem>>
      %dma_wait3A_47 = arith.constant 0 : i32
      %dma_wait3A_48 = arith.constant 0 : i32
      %dma_wait3A_49 = tpu.memref_slice %arg2[%dma_wait3A_47, %dma_wait3A_48] : memref<10240x64xf32, #tpu.memory_space<hbm>> -> memref<10240x64xf32, #tpu.memory_space<hbm>>
      tpu.wait_indirect_dma semaphore(%arg9 : memref<!tpu.dma_semaphore, #tpu.memory_space<semaphore_mem>>) src(%dma_wait3A_49 : memref<10240x64xf32, #tpu.memory_space<hbm>>) dst(%arg7 : memref<128x64xf32, #tpu.memory_space<vmem>>)
      %mul3A_50 = arith.constant 128 : i32
      %mul3A_51 = arith.muli %add3A_43, %mul3A_50 : i32
      %add3A_52 = arith.addi %mul3A_2, %mul3A_51 : i32
      %dma_start3A_53 = arith.constant 0 : i32
      %dma_start3A_54 = tpu.memref_slice %arg4[%add3A_52, %dma_start3A_53] : memref<327680x64xf32, #tpu.memory_space<hbm>> -> memref<128x64xf32, #tpu.memory_space<hbm>>
      %dma_start3A_55 = arith.constant 0 : i32
      %dma_start3A_56 = tpu.memref_slice %arg4[%add3A_52, %dma_start3A_55] : memref<327680x64xf32, #tpu.memory_space<hbm>> -> memref<128x64xf32, #tpu.memory_space<hbm>>
      tpu.enqueue_dma source(%arg7 : memref<128x64xf32, #tpu.memory_space<vmem>>) target(%dma_start3A_56 : memref<128x64xf32, #tpu.memory_space<hbm>>) target_semaphore(%arg11 : memref<!tpu.dma_semaphore, #tpu.memory_space<semaphore_mem>>)
      %dma_wait3A_57 = arith.constant 0 : i32
      %dma_wait3A_58 = tpu.memref_slice %arg4[%add3A_52, %dma_wait3A_57] : memref<327680x64xf32, #tpu.memory_space<hbm>> -> memref<128x64xf32, #tpu.memory_space<hbm>>
      %dma_wait3A_59 = arith.constant 0 : i32
      %dma_wait3A_60 = tpu.memref_slice %arg4[%add3A_52, %dma_wait3A_59] : memref<327680x64xf32, #tpu.memory_space<hbm>> -> memref<128x64xf32, #tpu.memory_space<hbm>>
      tpu.wait_dma2 semaphore(%arg11 : memref<!tpu.dma_semaphore, #tpu.memory_space<semaphore_mem>>) src(%arg7 : memref<128x64xf32, #tpu.memory_space<vmem>>) dst(%dma_wait3A_60 : memref<128x64xf32, #tpu.memory_space<hbm>>)
      %add3A_61 = arith.constant 2 : i32
      %add3A_62 = arith.addi %add3A_43, %add3A_61 : i32
      %lt3A_63 = arith.constant 80 : i32
      %lt3A_64 = arith.cmpi slt, %add3A_62, %lt3A_63 : i32
      %convert_element_type3A_65 = arith.extui %lt3A_64 : i1 to i32
      %cond3A_66 = arith.constant 0 : i32
      %cond3A_67 = arith.cmpi ne, %convert_element_type3A_65, %cond3A_66 : i32
      scf.if %cond3A_67 {
        %add3A_68 = arith.constant 2 : i32
        %add3A_69 = arith.addi %add3A_43, %add3A_68 : i32
        %mul3A_70 = arith.constant 128 : i32
        %mul3A_71 = arith.muli %add3A_69, %mul3A_70 : i32
        %dma_start3A_72 = tpu.memref_slice %arg5[%mul3A_71] : memref<10240xi32, #tpu.memory_space<vmem>> -> memref<128xi32, #tpu.memory_space<vmem>>
        %dma_start3A_73 = arith.constant 0 : i32
        %dma_start3A_74 = arith.constant 0 : i32
        %dma_start3A_75 = tpu.memref_slice %arg2[%dma_start3A_73, %dma_start3A_74] : memref<10240x64xf32, #tpu.memory_space<hbm>> -> memref<10240x64xf32, #tpu.memory_space<hbm>>
        tpu.enqueue_indirect_dma source(%dma_start3A_75 : memref<10240x64xf32, #tpu.memory_space<hbm>>) target(%arg7 : memref<128x64xf32, #tpu.memory_space<vmem>>) offsets(%dma_start3A_72 : memref<128xi32, #tpu.memory_space<vmem>>) semaphore(%arg9 : memref<!tpu.dma_semaphore, #tpu.memory_space<semaphore_mem>>)
      } else {
      }
    }
    %scan3A_16 = arith.constant 40 : i32
    return
  }
}

#map = affine_map<(d0, d1) -> (0, 0)>
#map1 = affine_map<(d0, d1) -> (0)>
module attributes {stable_mosaic.version = 14 : i64} {
  func.func @gather_k(%arg0: i32, %arg1: i32, %arg2: memref<10240x64xf32, #tpu.memory_space<hbm>>, %arg3: memref<327680xi32, #tpu.memory_space<hbm>>, %arg4: memref<327680x64xf32, #tpu.memory_space<hbm>>, %arg5: memref<10240xi32, #tpu.memory_space<vmem>>, %arg6: memref<128x64xf32, #tpu.memory_space<vmem>>, %arg7: memref<128x64xf32, #tpu.memory_space<vmem>>, %arg8: memref<!tpu.dma_semaphore, #tpu.memory_space<semaphore_mem>>, %arg9: memref<!tpu.dma_semaphore, #tpu.memory_space<semaphore_mem>>, %arg10: memref<!tpu.dma_semaphore, #tpu.memory_space<semaphore_mem>>, %arg11: memref<!tpu.dma_semaphore, #tpu.memory_space<semaphore_mem>>) attributes {dimension_semantics = [#tpu.dimension_semantics<core_parallel>, #tpu.dimension_semantics<subcore_parallel>], iteration_bounds = array<i64: 2, 16>, scalar_prefetch = 0 : i64, scratch_operands = 7 : i64, tpu.core_type = #tpu.core_type<sc_vector_subcore>, window_params = [{transform_indices = #map}, {transform_indices = #map1}, {transform_indices = #map}]} {
    %mul3A = arith.constant 2 : i32
    %mul3A_0 = arith.muli %arg1, %mul3A : i32
    %add3A = arith.addi %mul3A_0, %arg0 : i32
    %mul3A_1 = arith.constant 10240 : i32
    %mul3A_2 = arith.muli %add3A, %mul3A_1 : i32
    "tpu.region"() ({
      %run_scoped3A = tpu.sem_alloc : memref<!tpu.dma_semaphore, #tpu.memory_space<semaphore_mem>>
      %dma_start3A_17 = tpu.memref_slice %arg3[%mul3A_2] : memref<327680xi32, #tpu.memory_space<hbm>> -> memref<10240xi32, #tpu.memory_space<hbm>>
      %dma_start3A_18 = tpu.memref_slice %arg3[%mul3A_2] : memref<327680xi32, #tpu.memory_space<hbm>> -> memref<10240xi32, #tpu.memory_space<hbm>>
      tpu.enqueue_dma source(%dma_start3A_18 : memref<10240xi32, #tpu.memory_space<hbm>>) target(%arg5 : memref<10240xi32, #tpu.memory_space<vmem>>) target_semaphore(%run_scoped3A : memref<!tpu.dma_semaphore, #tpu.memory_space<semaphore_mem>>)
      %dma_wait3A = tpu.memref_slice %arg3[%mul3A_2] : memref<327680xi32, #tpu.memory_space<hbm>> -> memref<10240xi32, #tpu.memory_space<hbm>>
      %dma_wait3A_19 = tpu.memref_slice %arg3[%mul3A_2] : memref<327680xi32, #tpu.memory_space<hbm>> -> memref<10240xi32, #tpu.memory_space<hbm>>
      tpu.wait_dma2 semaphore(%run_scoped3A : memref<!tpu.dma_semaphore, #tpu.memory_space<semaphore_mem>>) src(%dma_wait3A_19 : memref<10240xi32, #tpu.memory_space<hbm>>) dst(%arg5 : memref<10240xi32, #tpu.memory_space<vmem>>)
      tpu.yield
    }) : () -> ()
    %dma_start3A = arith.constant 0 : i32
    %dma_start3A_3 = tpu.memref_slice %arg5[%dma_start3A] : memref<10240xi32, #tpu.memory_space<vmem>> -> memref<128xi32, #tpu.memory_space<vmem>>
    %dma_start3A_4 = arith.constant 0 : i32
    %dma_start3A_5 = arith.constant 0 : i32
    %dma_start3A_6 = tpu.memref_slice %arg2[%dma_start3A_4, %dma_start3A_5] : memref<10240x64xf32, #tpu.memory_space<hbm>> -> memref<10240x64xf32, #tpu.memory_space<hbm>>
    tpu.enqueue_indirect_dma source(%dma_start3A_6 : memref<10240x64xf32, #tpu.memory_space<hbm>>) target(%arg6 : memref<128x64xf32, #tpu.memory_space<vmem>>) offsets(%dma_start3A_3 : memref<128xi32, #tpu.memory_space<vmem>>) semaphore(%arg8 : memref<!tpu.dma_semaphore, #tpu.memory_space<semaphore_mem>>)
    %dma_start3A_7 = arith.constant 128 : i32
    %dma_start3A_8 = tpu.memref_slice %arg5[%dma_start3A_7] : memref<10240xi32, #tpu.memory_space<vmem>> -> memref<128xi32, #tpu.memory_space<vmem>>
    %dma_start3A_9 = arith.constant 0 : i32
    %dma_start3A_10 = arith.constant 0 : i32
    %dma_start3A_11 = tpu.memref_slice %arg2[%dma_start3A_9, %dma_start3A_10] : memref<10240x64xf32, #tpu.memory_space<hbm>> -> memref<10240x64xf32, #tpu.memory_space<hbm>>
    tpu.enqueue_indirect_dma source(%dma_start3A_11 : memref<10240x64xf32, #tpu.memory_space<hbm>>) target(%arg7 : memref<128x64xf32, #tpu.memory_space<vmem>>) offsets(%dma_start3A_8 : memref<128xi32, #tpu.memory_space<vmem>>) semaphore(%arg9 : memref<!tpu.dma_semaphore, #tpu.memory_space<semaphore_mem>>)
    %scan3A = arith.constant 0 : i32
    %scan3A_12 = arith.constant 0 : i32
    %scan3A_13 = arith.constant 40 : i32
    %scan3A_14 = arith.addi %scan3A_12, %scan3A_13 : i32
    %scan3A_15 = arith.constant 1 : i32
    scf.for %scan3A_17 = %scan3A_12 to %scan3A_14 step %scan3A_15  : i32 {
      %mul3A_18 = arith.constant 2 : i32
      %mul3A_19 = arith.muli %scan3A_17, %mul3A_18 : i32
      %mul3A_20 = arith.constant 128 : i32
      %mul3A_21 = arith.muli %mul3A_19, %mul3A_20 : i32
      %dma_wait3A = tpu.memref_slice %arg5[%mul3A_21] : memref<10240xi32, #tpu.memory_space<vmem>> -> memref<128xi32, #tpu.memory_space<vmem>>
      %dma_wait3A_22 = arith.constant 0 : i32
      %dma_wait3A_23 = arith.constant 0 : i32
      %dma_wait3A_24 = tpu.memref_slice %arg2[%dma_wait3A_22, %dma_wait3A_23] : memref<10240x64xf32, #tpu.memory_space<hbm>> -> memref<10240x64xf32, #tpu.memory_space<hbm>>
      tpu.wait_indirect_dma semaphore(%arg8 : memref<!tpu.dma_semaphore, #tpu.memory_space<semaphore_mem>>) src(%dma_wait3A_24 : memref<10240x64xf32, #tpu.memory_space<hbm>>) dst(%arg6 : memref<128x64xf32, #tpu.memory_space<vmem>>)
      %mul3A_25 = arith.constant 128 : i32
      %mul3A_26 = arith.muli %mul3A_19, %mul3A_25 : i32
      %add3A_27 = arith.addi %mul3A_2, %mul3A_26 : i32
      %dma_start3A_28 = arith.constant 0 : i32
      %dma_start3A_29 = tpu.memref_slice %arg4[%add3A_27, %dma_start3A_28] : memref<327680x64xf32, #tpu.memory_space<hbm>> -> memref<128x64xf32, #tpu.memory_space<hbm>>
      %dma_start3A_30 = arith.constant 0 : i32
      %dma_start3A_31 = tpu.memref_slice %arg4[%add3A_27, %dma_start3A_30] : memref<327680x64xf32, #tpu.memory_space<hbm>> -> memref<128x64xf32, #tpu.memory_space<hbm>>
      tpu.enqueue_dma source(%arg6 : memref<128x64xf32, #tpu.memory_space<vmem>>) target(%dma_start3A_31 : memref<128x64xf32, #tpu.memory_space<hbm>>) target_semaphore(%arg10 : memref<!tpu.dma_semaphore, #tpu.memory_space<semaphore_mem>>)
      %dma_wait3A_32 = arith.constant 0 : i32
      %dma_wait3A_33 = tpu.memref_slice %arg4[%add3A_27, %dma_wait3A_32] : memref<327680x64xf32, #tpu.memory_space<hbm>> -> memref<128x64xf32, #tpu.memory_space<hbm>>
      %dma_wait3A_34 = arith.constant 0 : i32
      %dma_wait3A_35 = tpu.memref_slice %arg4[%add3A_27, %dma_wait3A_34] : memref<327680x64xf32, #tpu.memory_space<hbm>> -> memref<128x64xf32, #tpu.memory_space<hbm>>
      tpu.wait_dma2 semaphore(%arg10 : memref<!tpu.dma_semaphore, #tpu.memory_space<semaphore_mem>>) src(%arg6 : memref<128x64xf32, #tpu.memory_space<vmem>>) dst(%dma_wait3A_35 : memref<128x64xf32, #tpu.memory_space<hbm>>)
      %add3A_36 = arith.constant 2 : i32
      %add3A_37 = arith.addi %mul3A_19, %add3A_36 : i32
      %lt3A = arith.constant 80 : i32
      %lt3A_38 = arith.cmpi slt, %add3A_37, %lt3A : i32
      %convert_element_type3A = arith.extui %lt3A_38 : i1 to i32
      %cond3A = arith.constant 0 : i32
      %cond3A_39 = arith.cmpi ne, %convert_element_type3A, %cond3A : i32
      scf.if %cond3A_39 {
        %add3A_68 = arith.constant 2 : i32
        %add3A_69 = arith.addi %mul3A_19, %add3A_68 : i32
        %mul3A_70 = arith.constant 128 : i32
        %mul3A_71 = arith.muli %add3A_69, %mul3A_70 : i32
        %dma_start3A_72 = tpu.memref_slice %arg5[%mul3A_71] : memref<10240xi32, #tpu.memory_space<vmem>> -> memref<128xi32, #tpu.memory_space<vmem>>
        %dma_start3A_73 = arith.constant 0 : i32
        %dma_start3A_74 = arith.constant 0 : i32
        %dma_start3A_75 = tpu.memref_slice %arg2[%dma_start3A_73, %dma_start3A_74] : memref<10240x64xf32, #tpu.memory_space<hbm>> -> memref<10240x64xf32, #tpu.memory_space<hbm>>
        tpu.enqueue_indirect_dma source(%dma_start3A_75 : memref<10240x64xf32, #tpu.memory_space<hbm>>) target(%arg6 : memref<128x64xf32, #tpu.memory_space<vmem>>) offsets(%dma_start3A_72 : memref<128xi32, #tpu.memory_space<vmem>>) semaphore(%arg8 : memref<!tpu.dma_semaphore, #tpu.memory_space<semaphore_mem>>)
      } else {
      }
      %mul3A_40 = arith.constant 2 : i32
      %mul3A_41 = arith.muli %scan3A_17, %mul3A_40 : i32
      %add3A_42 = arith.constant 1 : i32
      %add3A_43 = arith.addi %mul3A_41, %add3A_42 : i32
      %mul3A_44 = arith.constant 128 : i32
      %mul3A_45 = arith.muli %add3A_43, %mul3A_44 : i32
      %dma_wait3A_46 = tpu.memref_slice %arg5[%mul3A_45] : memref<10240xi32, #tpu.memory_space<vmem>> -> memref<128xi32, #tpu.memory_space<vmem>>
      %dma_wait3A_47 = arith.constant 0 : i32
      %dma_wait3A_48 = arith.constant 0 : i32
      %dma_wait3A_49 = tpu.memref_slice %arg2[%dma_wait3A_47, %dma_wait3A_48] : memref<10240x64xf32, #tpu.memory_space<hbm>> -> memref<10240x64xf32, #tpu.memory_space<hbm>>
      tpu.wait_indirect_dma semaphore(%arg9 : memref<!tpu.dma_semaphore, #tpu.memory_space<semaphore_mem>>) src(%dma_wait3A_49 : memref<10240x64xf32, #tpu.memory_space<hbm>>) dst(%arg7 : memref<128x64xf32, #tpu.memory_space<vmem>>)
      %mul3A_50 = arith.constant 128 : i32
      %mul3A_51 = arith.muli %add3A_43, %mul3A_50 : i32
      %add3A_52 = arith.addi %mul3A_2, %mul3A_51 : i32
      %dma_start3A_53 = arith.constant 0 : i32
      %dma_start3A_54 = tpu.memref_slice %arg4[%add3A_52, %dma_start3A_53] : memref<327680x64xf32, #tpu.memory_space<hbm>> -> memref<128x64xf32, #tpu.memory_space<hbm>>
      %dma_start3A_55 = arith.constant 0 : i32
      %dma_start3A_56 = tpu.memref_slice %arg4[%add3A_52, %dma_start3A_55] : memref<327680x64xf32, #tpu.memory_space<hbm>> -> memref<128x64xf32, #tpu.memory_space<hbm>>
      tpu.enqueue_dma source(%arg7 : memref<128x64xf32, #tpu.memory_space<vmem>>) target(%dma_start3A_56 : memref<128x64xf32, #tpu.memory_space<hbm>>) target_semaphore(%arg11 : memref<!tpu.dma_semaphore, #tpu.memory_space<semaphore_mem>>)
      %dma_wait3A_57 = arith.constant 0 : i32
      %dma_wait3A_58 = tpu.memref_slice %arg4[%add3A_52, %dma_wait3A_57] : memref<327680x64xf32, #tpu.memory_space<hbm>> -> memref<128x64xf32, #tpu.memory_space<hbm>>
      %dma_wait3A_59 = arith.constant 0 : i32
      %dma_wait3A_60 = tpu.memref_slice %arg4[%add3A_52, %dma_wait3A_59] : memref<327680x64xf32, #tpu.memory_space<hbm>> -> memref<128x64xf32, #tpu.memory_space<hbm>>
      tpu.wait_dma2 semaphore(%arg11 : memref<!tpu.dma_semaphore, #tpu.memory_space<semaphore_mem>>) src(%arg7 : memref<128x64xf32, #tpu.memory_space<vmem>>) dst(%dma_wait3A_60 : memref<128x64xf32, #tpu.memory_space<hbm>>)
      %add3A_61 = arith.constant 2 : i32
      %add3A_62 = arith.addi %add3A_43, %add3A_61 : i32
      %lt3A_63 = arith.constant 80 : i32
      %lt3A_64 = arith.cmpi slt, %add3A_62, %lt3A_63 : i32
      %convert_element_type3A_65 = arith.extui %lt3A_64 : i1 to i32
      %cond3A_66 = arith.constant 0 : i32
      %cond3A_67 = arith.cmpi ne, %convert_element_type3A_65, %cond3A_66 : i32
      scf.if %cond3A_67 {
        %add3A_68 = arith.constant 2 : i32
        %add3A_69 = arith.addi %add3A_43, %add3A_68 : i32
        %mul3A_70 = arith.constant 128 : i32
        %mul3A_71 = arith.muli %add3A_69, %mul3A_70 : i32
        %dma_start3A_72 = tpu.memref_slice %arg5[%mul3A_71] : memref<10240xi32, #tpu.memory_space<vmem>> -> memref<128xi32, #tpu.memory_space<vmem>>
        %dma_start3A_73 = arith.constant 0 : i32
        %dma_start3A_74 = arith.constant 0 : i32
        %dma_start3A_75 = tpu.memref_slice %arg2[%dma_start3A_73, %dma_start3A_74] : memref<10240x64xf32, #tpu.memory_space<hbm>> -> memref<10240x64xf32, #tpu.memory_space<hbm>>
        tpu.enqueue_indirect_dma source(%dma_start3A_75 : memref<10240x64xf32, #tpu.memory_space<hbm>>) target(%arg7 : memref<128x64xf32, #tpu.memory_space<vmem>>) offsets(%dma_start3A_72 : memref<128xi32, #tpu.memory_space<vmem>>) semaphore(%arg9 : memref<!tpu.dma_semaphore, #tpu.memory_space<semaphore_mem>>)
      } else {
      }
    }
    %scan3A_16 = arith.constant 40 : i32
    return
  }
}

#map = affine_map<(d0, d1) -> (0, 0)>
#map1 = affine_map<(d0, d1) -> (0)>
module attributes {stable_mosaic.version = 14 : i64} {
  func.func @gather_k(%arg0: i32, %arg1: i32, %arg2: memref<10240x256xf32, #tpu.memory_space<hbm>>, %arg3: memref<8192xi32, #tpu.memory_space<hbm>>, %arg4: memref<8192x256xf32, #tpu.memory_space<hbm>>, %arg5: memref<256xi32, #tpu.memory_space<vmem>>, %arg6: memref<128x256xf32, #tpu.memory_space<vmem>>, %arg7: memref<128x256xf32, #tpu.memory_space<vmem>>, %arg8: memref<!tpu.dma_semaphore, #tpu.memory_space<semaphore_mem>>, %arg9: memref<!tpu.dma_semaphore, #tpu.memory_space<semaphore_mem>>, %arg10: memref<!tpu.dma_semaphore, #tpu.memory_space<semaphore_mem>>, %arg11: memref<!tpu.dma_semaphore, #tpu.memory_space<semaphore_mem>>) attributes {dimension_semantics = [#tpu.dimension_semantics<core_parallel>, #tpu.dimension_semantics<subcore_parallel>], iteration_bounds = array<i64: 2, 16>, scalar_prefetch = 0 : i64, scratch_operands = 7 : i64, tpu.core_type = #tpu.core_type<sc_vector_subcore>, window_params = [{transform_indices = #map}, {transform_indices = #map1}, {transform_indices = #map}]} {
    %mul3A = arith.constant 2 : i32
    %mul3A_0 = arith.muli %arg1, %mul3A : i32
    %add3A = arith.addi %mul3A_0, %arg0 : i32
    %mul3A_1 = arith.constant 256 : i32
    %mul3A_2 = arith.muli %add3A, %mul3A_1 : i32
    "tpu.region"() ({
      %run_scoped3A = tpu.sem_alloc : memref<!tpu.dma_semaphore, #tpu.memory_space<semaphore_mem>>
      %dma_start3A_64 = tpu.memref_slice %arg3[%mul3A_2] : memref<8192xi32, #tpu.memory_space<hbm>> -> memref<256xi32, #tpu.memory_space<hbm>>
      %dma_start3A_65 = tpu.memref_slice %arg3[%mul3A_2] : memref<8192xi32, #tpu.memory_space<hbm>> -> memref<256xi32, #tpu.memory_space<hbm>>
      tpu.enqueue_dma source(%dma_start3A_65 : memref<256xi32, #tpu.memory_space<hbm>>) target(%arg5 : memref<256xi32, #tpu.memory_space<vmem>>) target_semaphore(%run_scoped3A : memref<!tpu.dma_semaphore, #tpu.memory_space<semaphore_mem>>)
      %dma_wait3A_66 = tpu.memref_slice %arg3[%mul3A_2] : memref<8192xi32, #tpu.memory_space<hbm>> -> memref<256xi32, #tpu.memory_space<hbm>>
      %dma_wait3A_67 = tpu.memref_slice %arg3[%mul3A_2] : memref<8192xi32, #tpu.memory_space<hbm>> -> memref<256xi32, #tpu.memory_space<hbm>>
      tpu.wait_dma2 semaphore(%run_scoped3A : memref<!tpu.dma_semaphore, #tpu.memory_space<semaphore_mem>>) src(%dma_wait3A_67 : memref<256xi32, #tpu.memory_space<hbm>>) dst(%arg5 : memref<256xi32, #tpu.memory_space<vmem>>)
      tpu.yield
    }) : () -> ()
    %dma_start3A = arith.constant 0 : i32
    %dma_start3A_3 = tpu.memref_slice %arg5[%dma_start3A] : memref<256xi32, #tpu.memory_space<vmem>> -> memref<128xi32, #tpu.memory_space<vmem>>
    %dma_start3A_4 = arith.constant 0 : i32
    %dma_start3A_5 = arith.constant 0 : i32
    %dma_start3A_6 = tpu.memref_slice %arg2[%dma_start3A_4, %dma_start3A_5] : memref<10240x256xf32, #tpu.memory_space<hbm>> -> memref<10240x256xf32, #tpu.memory_space<hbm>>
    tpu.enqueue_indirect_dma source(%dma_start3A_6 : memref<10240x256xf32, #tpu.memory_space<hbm>>) target(%arg6 : memref<128x256xf32, #tpu.memory_space<vmem>>) offsets(%dma_start3A_3 : memref<128xi32, #tpu.memory_space<vmem>>) semaphore(%arg8 : memref<!tpu.dma_semaphore, #tpu.memory_space<semaphore_mem>>)
    %dma_start3A_7 = arith.constant 128 : i32
    %dma_start3A_8 = tpu.memref_slice %arg5[%dma_start3A_7] : memref<256xi32, #tpu.memory_space<vmem>> -> memref<128xi32, #tpu.memory_space<vmem>>
    %dma_start3A_9 = arith.constant 0 : i32
    %dma_start3A_10 = arith.constant 0 : i32
    %dma_start3A_11 = tpu.memref_slice %arg2[%dma_start3A_9, %dma_start3A_10] : memref<10240x256xf32, #tpu.memory_space<hbm>> -> memref<10240x256xf32, #tpu.memory_space<hbm>>
    tpu.enqueue_indirect_dma source(%dma_start3A_11 : memref<10240x256xf32, #tpu.memory_space<hbm>>) target(%arg7 : memref<128x256xf32, #tpu.memory_space<vmem>>) offsets(%dma_start3A_8 : memref<128xi32, #tpu.memory_space<vmem>>) semaphore(%arg9 : memref<!tpu.dma_semaphore, #tpu.memory_space<semaphore_mem>>)
    %scan3A = arith.constant 0 : i32
    %scan3A_12 = arith.constant 0 : i32
    %mul3A_13 = arith.constant 2 : i32
    %mul3A_14 = arith.muli %scan3A_12, %mul3A_13 : i32
    %mul3A_15 = arith.constant 128 : i32
    %mul3A_16 = arith.muli %mul3A_14, %mul3A_15 : i32
    %dma_wait3A = tpu.memref_slice %arg5[%mul3A_16] : memref<256xi32, #tpu.memory_space<vmem>> -> memref<128xi32, #tpu.memory_space<vmem>>
    %dma_wait3A_17 = arith.constant 0 : i32
    %dma_wait3A_18 = arith.constant 0 : i32
    %dma_wait3A_19 = tpu.memref_slice %arg2[%dma_wait3A_17, %dma_wait3A_18] : memref<10240x256xf32, #tpu.memory_space<hbm>> -> memref<10240x256xf32, #tpu.memory_space<hbm>>
    tpu.wait_indirect_dma semaphore(%arg8 : memref<!tpu.dma_semaphore, #tpu.memory_space<semaphore_mem>>) src(%dma_wait3A_19 : memref<10240x256xf32, #tpu.memory_space<hbm>>) dst(%arg6 : memref<128x256xf32, #tpu.memory_space<vmem>>)
    %mul3A_20 = arith.constant 128 : i32
    %mul3A_21 = arith.muli %mul3A_14, %mul3A_20 : i32
    %add3A_22 = arith.addi %mul3A_2, %mul3A_21 : i32
    %dma_start3A_23 = arith.constant 0 : i32
    %dma_start3A_24 = tpu.memref_slice %arg4[%add3A_22, %dma_start3A_23] : memref<8192x256xf32, #tpu.memory_space<hbm>> -> memref<128x256xf32, #tpu.memory_space<hbm>>
    %dma_start3A_25 = arith.constant 0 : i32
    %dma_start3A_26 = tpu.memref_slice %arg4[%add3A_22, %dma_start3A_25] : memref<8192x256xf32, #tpu.memory_space<hbm>> -> memref<128x256xf32, #tpu.memory_space<hbm>>
    tpu.enqueue_dma source(%arg6 : memref<128x256xf32, #tpu.memory_space<vmem>>) target(%dma_start3A_26 : memref<128x256xf32, #tpu.memory_space<hbm>>) target_semaphore(%arg10 : memref<!tpu.dma_semaphore, #tpu.memory_space<semaphore_mem>>)
    %dma_wait3A_27 = arith.constant 0 : i32
    %dma_wait3A_28 = tpu.memref_slice %arg4[%add3A_22, %dma_wait3A_27] : memref<8192x256xf32, #tpu.memory_space<hbm>> -> memref<128x256xf32, #tpu.memory_space<hbm>>
    %dma_wait3A_29 = arith.constant 0 : i32
    %dma_wait3A_30 = tpu.memref_slice %arg4[%add3A_22, %dma_wait3A_29] : memref<8192x256xf32, #tpu.memory_space<hbm>> -> memref<128x256xf32, #tpu.memory_space<hbm>>
    tpu.wait_dma2 semaphore(%arg10 : memref<!tpu.dma_semaphore, #tpu.memory_space<semaphore_mem>>) src(%arg6 : memref<128x256xf32, #tpu.memory_space<vmem>>) dst(%dma_wait3A_30 : memref<128x256xf32, #tpu.memory_space<hbm>>)
    %add3A_31 = arith.constant 2 : i32
    %add3A_32 = arith.addi %mul3A_14, %add3A_31 : i32
    %lt3A = arith.constant 2 : i32
    %lt3A_33 = arith.cmpi slt, %add3A_32, %lt3A : i32
    %convert_element_type3A = arith.extui %lt3A_33 : i1 to i32
    %cond3A = arith.constant 0 : i32
    %cond3A_34 = arith.cmpi ne, %convert_element_type3A, %cond3A : i32
    scf.if %cond3A_34 {
      %add3A_64 = arith.constant 2 : i32
      %add3A_65 = arith.addi %mul3A_14, %add3A_64 : i32
      %mul3A_66 = arith.constant 128 : i32
      %mul3A_67 = arith.muli %add3A_65, %mul3A_66 : i32
      %dma_start3A_68 = tpu.memref_slice %arg5[%mul3A_67] : memref<256xi32, #tpu.memory_space<vmem>> -> memref<128xi32, #tpu.memory_space<vmem>>
      %dma_start3A_69 = arith.constant 0 : i32
      %dma_start3A_70 = arith.constant 0 : i32
      %dma_start3A_71 = tpu.memref_slice %arg2[%dma_start3A_69, %dma_start3A_70] : memref<10240x256xf32, #tpu.memory_space<hbm>> -> memref<10240x256xf32, #tpu.memory_space<hbm>>
      tpu.enqueue_indirect_dma source(%dma_start3A_71 : memref<10240x256xf32, #tpu.memory_space<hbm>>) target(%arg6 : memref<128x256xf32, #tpu.memory_space<vmem>>) offsets(%dma_start3A_68 : memref<128xi32, #tpu.memory_space<vmem>>) semaphore(%arg8 : memref<!tpu.dma_semaphore, #tpu.memory_space<semaphore_mem>>)
    } else {
    }
    %mul3A_35 = arith.constant 2 : i32
    %mul3A_36 = arith.muli %scan3A_12, %mul3A_35 : i32
    %add3A_37 = arith.constant 1 : i32
    %add3A_38 = arith.addi %mul3A_36, %add3A_37 : i32
    %mul3A_39 = arith.constant 128 : i32
    %mul3A_40 = arith.muli %add3A_38, %mul3A_39 : i32
    %dma_wait3A_41 = tpu.memref_slice %arg5[%mul3A_40] : memref<256xi32, #tpu.memory_space<vmem>> -> memref<128xi32, #tpu.memory_space<vmem>>
    %dma_wait3A_42 = arith.constant 0 : i32
    %dma_wait3A_43 = arith.constant 0 : i32
    %dma_wait3A_44 = tpu.memref_slice %arg2[%dma_wait3A_42, %dma_wait3A_43] : memref<10240x256xf32, #tpu.memory_space<hbm>> -> memref<10240x256xf32, #tpu.memory_space<hbm>>
    tpu.wait_indirect_dma semaphore(%arg9 : memref<!tpu.dma_semaphore, #tpu.memory_space<semaphore_mem>>) src(%dma_wait3A_44 : memref<10240x256xf32, #tpu.memory_space<hbm>>) dst(%arg7 : memref<128x256xf32, #tpu.memory_space<vmem>>)
    %mul3A_45 = arith.constant 128 : i32
    %mul3A_46 = arith.muli %add3A_38, %mul3A_45 : i32
    %add3A_47 = arith.addi %mul3A_2, %mul3A_46 : i32
    %dma_start3A_48 = arith.constant 0 : i32
    %dma_start3A_49 = tpu.memref_slice %arg4[%add3A_47, %dma_start3A_48] : memref<8192x256xf32, #tpu.memory_space<hbm>> -> memref<128x256xf32, #tpu.memory_space<hbm>>
    %dma_start3A_50 = arith.constant 0 : i32
    %dma_start3A_51 = tpu.memref_slice %arg4[%add3A_47, %dma_start3A_50] : memref<8192x256xf32, #tpu.memory_space<hbm>> -> memref<128x256xf32, #tpu.memory_space<hbm>>
    tpu.enqueue_dma source(%arg7 : memref<128x256xf32, #tpu.memory_space<vmem>>) target(%dma_start3A_51 : memref<128x256xf32, #tpu.memory_space<hbm>>) target_semaphore(%arg11 : memref<!tpu.dma_semaphore, #tpu.memory_space<semaphore_mem>>)
    %dma_wait3A_52 = arith.constant 0 : i32
    %dma_wait3A_53 = tpu.memref_slice %arg4[%add3A_47, %dma_wait3A_52] : memref<8192x256xf32, #tpu.memory_space<hbm>> -> memref<128x256xf32, #tpu.memory_space<hbm>>
    %dma_wait3A_54 = arith.constant 0 : i32
    %dma_wait3A_55 = tpu.memref_slice %arg4[%add3A_47, %dma_wait3A_54] : memref<8192x256xf32, #tpu.memory_space<hbm>> -> memref<128x256xf32, #tpu.memory_space<hbm>>
    tpu.wait_dma2 semaphore(%arg11 : memref<!tpu.dma_semaphore, #tpu.memory_space<semaphore_mem>>) src(%arg7 : memref<128x256xf32, #tpu.memory_space<vmem>>) dst(%dma_wait3A_55 : memref<128x256xf32, #tpu.memory_space<hbm>>)
    %add3A_56 = arith.constant 2 : i32
    %add3A_57 = arith.addi %add3A_38, %add3A_56 : i32
    %lt3A_58 = arith.constant 2 : i32
    %lt3A_59 = arith.cmpi slt, %add3A_57, %lt3A_58 : i32
    %convert_element_type3A_60 = arith.extui %lt3A_59 : i1 to i32
    %cond3A_61 = arith.constant 0 : i32
    %cond3A_62 = arith.cmpi ne, %convert_element_type3A_60, %cond3A_61 : i32
    scf.if %cond3A_62 {
      %add3A_64 = arith.constant 2 : i32
      %add3A_65 = arith.addi %add3A_38, %add3A_64 : i32
      %mul3A_66 = arith.constant 128 : i32
      %mul3A_67 = arith.muli %add3A_65, %mul3A_66 : i32
      %dma_start3A_68 = tpu.memref_slice %arg5[%mul3A_67] : memref<256xi32, #tpu.memory_space<vmem>> -> memref<128xi32, #tpu.memory_space<vmem>>
      %dma_start3A_69 = arith.constant 0 : i32
      %dma_start3A_70 = arith.constant 0 : i32
      %dma_start3A_71 = tpu.memref_slice %arg2[%dma_start3A_69, %dma_start3A_70] : memref<10240x256xf32, #tpu.memory_space<hbm>> -> memref<10240x256xf32, #tpu.memory_space<hbm>>
      tpu.enqueue_indirect_dma source(%dma_start3A_71 : memref<10240x256xf32, #tpu.memory_space<hbm>>) target(%arg7 : memref<128x256xf32, #tpu.memory_space<vmem>>) offsets(%dma_start3A_68 : memref<128xi32, #tpu.memory_space<vmem>>) semaphore(%arg9 : memref<!tpu.dma_semaphore, #tpu.memory_space<semaphore_mem>>)
    } else {
    }
    %scan3A_63 = arith.constant 1 : i32
    return
  }
}

module attributes {stable_mosaic.version = 14 : i64} {
  func.func @_k0_body(%arg0: i32, %arg1: memref<512x128xf32, #tpu.memory_space<vmem>>, %arg2: memref<128x256xf32, #tpu.memory_space<vmem>>, %arg3: memref<1x256xf32, #tpu.memory_space<vmem>>, %arg4: memref<512x256xf32, #tpu.memory_space<vmem>>, %arg5: memref<512x64xf32, #tpu.memory_space<vmem>>) attributes {dimension_semantics = [#tpu.dimension_semantics<arbitrary>], iteration_bounds = array<i64: 20>, scalar_prefetch = 0 : i64, scratch_operands = 0 : i64, tpu.core_type = #tpu.core_type<tc>, window_params = [{transform_indices = @transform_0, window_bounds = array<i64: 512, 128>}, {pipeline_mode = #tpu.pipeline_mode<synchronous>, transform_indices = @transform_1, window_bounds = array<i64: 128, 256>}, {pipeline_mode = #tpu.pipeline_mode<synchronous>, transform_indices = @transform_2, window_bounds = array<i64: 1, 256>}, {transform_indices = @transform_3, window_bounds = array<i64: 512, 256>}, {transform_indices = @transform_4, window_bounds = array<i64: 512, 64>}]} {
    %get3A = arith.constant 0 : index
    %get3A_0 = arith.constant 0 : index
    %get3A_1 = vector.load %arg1[%get3A, %get3A_0] : memref<512x128xf32, #tpu.memory_space<vmem>>, vector<512x128xf32>
    %mul3A = arith.constant 512 : i32
    %mul3A_2 = arith.muli %arg0, %mul3A : i32
    %iota3A = tpu.iota {dimensions = array<i32: 0>} : vector<512x1xi32>
    %add3A = vector.broadcast %mul3A_2 : i32 to vector<512x1xi32>
    %add3A_3 = arith.addi %add3A, %iota3A : vector<512x1xi32>
    %lt3A = arith.constant 10000 : i32
    %lt3A_4 = vector.broadcast %lt3A : i32 to vector<512x1xi32>
    %lt3A_5 = arith.cmpi slt, %add3A_3, %lt3A_4 : vector<512x1xi32>
    %convert_element_type3A = arith.extui %lt3A_5 : vector<512x1xi1> to vector<512x1xi32>
    %convert_element_type3A_6 = arith.sitofp %convert_element_type3A : vector<512x1xi32> to vector<512x1xf32>
    %mul3A_7 = vector.broadcast %convert_element_type3A_6 : vector<512x1xf32> to vector<512x128xf32>
    %mul3A_8 = arith.mulf %get3A_1, %mul3A_7 : vector<512x128xf32>
    %get3A_9 = arith.constant 0 : index
    %get3A_10 = arith.constant 0 : index
    %get3A_11 = vector.load %arg2[%get3A_9, %get3A_10] : memref<128x256xf32, #tpu.memory_space<vmem>>, vector<128x256xf32>
    %dot_general3A = arith.constant dense<0.000000e+00> : vector<512x256xf32>
    %dot_general3A_12 = tpu.matmul %mul3A_8, %get3A_11, %dot_general3A {dimension_numbers = #tpu.dot_dimension_numbers<[1], [0], [0], [1], [0, 0, 1, 1], [], []>, transpose_lhs_hint = false} : vector<512x128xf32>, vector<128x256xf32>, vector<512x256xf32> -> vector<512x256xf32>
    %get3A_13 = arith.constant 0 : index
    %get3A_14 = arith.constant 0 : index
    %get3A_15 = vector.load %arg3[%get3A_13, %get3A_14] : memref<1x256xf32, #tpu.memory_space<vmem>>, vector<1x256xf32>
    %add3A_16 = vector.broadcast %get3A_15 : vector<1x256xf32> to vector<512x256xf32>
    %add3A_17 = arith.addf %dot_general3A_12, %add3A_16 : vector<512x256xf32>
    %mul3A_18 = arith.constant 512 : i32
    %mul3A_19 = arith.muli %arg0, %mul3A_18 : i32
    %iota3A_20 = tpu.iota {dimensions = array<i32: 0>} : vector<512x1xi32>
    %add3A_21 = vector.broadcast %mul3A_19 : i32 to vector<512x1xi32>
    %add3A_22 = arith.addi %add3A_21, %iota3A_20 : vector<512x1xi32>
    %lt3A_23 = arith.constant 10000 : i32
    %lt3A_24 = vector.broadcast %lt3A_23 : i32 to vector<512x1xi32>
    %lt3A_25 = arith.cmpi slt, %add3A_22, %lt3A_24 : vector<512x1xi32>
    %convert_element_type3A_26 = arith.extui %lt3A_25 : vector<512x1xi1> to vector<512x1xi32>
    %convert_element_type3A_27 = arith.sitofp %convert_element_type3A_26 : vector<512x1xi32> to vector<512x1xf32>
    %mul3A_28 = vector.broadcast %convert_element_type3A_27 : vector<512x1xf32> to vector<512x256xf32>
    %mul3A_29 = arith.mulf %add3A_17, %mul3A_28 : vector<512x256xf32>
    %swap3A = arith.constant 0 : index
    %swap3A_30 = arith.constant 0 : index
    %swap3A_31 = vector.load %arg4[%swap3A, %swap3A_30] : memref<512x256xf32, #tpu.memory_space<vmem>>, vector<512x256xf32>
    tpu.vector_store %arg4[%swap3A, %swap3A_30], %mul3A_29 {strides = array<i32>} : memref<512x256xf32, #tpu.memory_space<vmem>>, vector<512x256xf32>,
    %bitcast_convert_type3A = tpu.bitcast %mul3A_8 : vector<512x128xf32> -> vector<512x128xi32>
    %add3A_32 = arith.constant 32767 : i32
    %add3A_33 = vector.broadcast %add3A_32 : i32 to vector<512x128xi32>
    %add3A_34 = arith.addi %bitcast_convert_type3A, %add3A_33 : vector<512x128xi32>
    %shift_right_logical3A = arith.constant 16 : i32
    %shift_right_logical3A_35 = vector.broadcast %shift_right_logical3A : i32 to vector<512x128xi32>
    %shift_right_logical3A_36 = arith.shrui %bitcast_convert_type3A, %shift_right_logical3A_35 : vector<512x128xi32>
    %and3A = arith.constant 1 : i32
    %and3A_37 = vector.broadcast %and3A : i32 to vector<512x128xi32>
    %and3A_38 = arith.andi %shift_right_logical3A_36, %and3A_37 : vector<512x128xi32>
    %add3A_39 = arith.addi %add3A_34, %and3A_38 : vector<512x128xi32>
    %slice3A = vector.extract_strided_slice %add3A_39 {offsets = [0, 0], sizes = [512, 64], strides = [1, 1]} : vector<512x128xi32> to vector<512x64xi32>
    %shift_right_logical3A_40 = arith.constant 16 : i32
    %shift_right_logical3A_41 = vector.broadcast %shift_right_logical3A_40 : i32 to vector<512x64xi32>
    %shift_right_logical3A_42 = arith.shrui %slice3A, %shift_right_logical3A_41 : vector<512x64xi32>
    %slice3A_43 = vector.extract_strided_slice %add3A_39 {offsets = [0, 64], sizes = [512, 64], strides = [1, 1]} : vector<512x128xi32> to vector<512x64xi32>
    %and3A_44 = arith.constant -65536 : i32
    %and3A_45 = vector.broadcast %and3A_44 : i32 to vector<512x64xi32>
    %and3A_46 = arith.andi %slice3A_43, %and3A_45 : vector<512x64xi32>
    %or3A = arith.ori %shift_right_logical3A_42, %and3A_46 : vector<512x64xi32>
    %bitcast_convert_type3A_47 = tpu.bitcast %or3A : vector<512x64xi32> -> vector<512x64xf32>
    %swap3A_48 = arith.constant 0 : index
    %swap3A_49 = arith.constant 0 : index
    %swap3A_50 = vector.load %arg5[%swap3A_48, %swap3A_49] : memref<512x64xf32, #tpu.memory_space<vmem>>, vector<512x64xf32>
    tpu.vector_store %arg5[%swap3A_48, %swap3A_49], %bitcast_convert_type3A_47 {strides = array<i32>} : memref<512x64xf32, #tpu.memory_space<vmem>>, vector<512x64xf32>,
    return
  }
  func.func @transform_0(%arg0: i32) -> (i32, i32) {
    %c0_i32 = arith.constant 0 : i32
    %c0_i32_0 = arith.constant 0 : i32
    return %arg0, %c0_i32 : i32, i32
  }
  func.func @transform_1(%arg0: i32) -> (i32, i32) {
    %c0_i32 = arith.constant 0 : i32
    %c0_i32_0 = arith.constant 0 : i32
    %c0_i32_1 = arith.constant 0 : i32
    return %c0_i32, %c0_i32_0 : i32, i32
  }
  func.func @transform_2(%arg0: i32) -> (i32, i32) {
    %c0_i32 = arith.constant 0 : i32
    %c0_i32_0 = arith.constant 0 : i32
    %c0_i32_1 = arith.constant 0 : i32
    return %c0_i32, %c0_i32_0 : i32, i32
  }
  func.func @transform_3(%arg0: i32) -> (i32, i32) {
    %c0_i32 = arith.constant 0 : i32
    %c0_i32_0 = arith.constant 0 : i32
    return %arg0, %c0_i32 : i32, i32
  }
  func.func @transform_4(%arg0: i32) -> (i32, i32) {
    %c0_i32 = arith.constant 0 : i32
    %c0_i32_0 = arith.constant 0 : i32
    return %arg0, %c0_i32 : i32, i32
  }
}

module attributes {stable_mosaic.version = 14 : i64} {
  func.func @_stats_body(%arg0: i32, %arg1: memref<2048x128xf32, #tpu.memory_space<vmem>>, %arg2: memref<16x2048xf32, #tpu.memory_space<vmem>>, %arg3: memref<16x2048xf32, #tpu.memory_space<vmem>>, %arg4: memref<64x256xf32, #tpu.memory_space<vmem>>, %arg5: memref<64x256xf32, #tpu.memory_space<vmem>>, %arg6: memref<128x256xbf16, #tpu.memory_space<vmem>>, %arg7: memref<16x256xf32, #tpu.memory_space<vmem>>, %arg8: memref<1x256xf32, #tpu.memory_space<vmem>>, %arg9: memref<1x256xf32, #tpu.memory_space<vmem>>) attributes {dimension_semantics = [#tpu.dimension_semantics<arbitrary>], iteration_bounds = array<i64: 80>, scalar_prefetch = 0 : i64, scratch_operands = 0 : i64, tpu.core_type = #tpu.core_type<tc>, window_params = [{transform_indices = @transform_0, window_bounds = array<i64: 2048, 128>}, {transform_indices = @transform_1, window_bounds = array<i64: 16, 2048>}, {transform_indices = @transform_2, window_bounds = array<i64: 16, 2048>}, {transform_indices = @transform_3, window_bounds = array<i64: 64, 256>}, {transform_indices = @transform_4, window_bounds = array<i64: 64, 256>}, {pipeline_mode = #tpu.pipeline_mode<synchronous>, transform_indices = @transform_5, window_bounds = array<i64: 128, 256>}, {pipeline_mode = #tpu.pipeline_mode<synchronous>, transform_indices = @transform_6, window_bounds = array<i64: 16, 256>}, {pipeline_mode = #tpu.pipeline_mode<synchronous>, transform_indices = @transform_7, window_bounds = array<i64: 1, 256>}, {pipeline_mode = #tpu.pipeline_mode<synchronous>, transform_indices = @transform_8, window_bounds = array<i64: 1, 256>}]} {
    %eq3A = arith.constant 0 : i32
    %eq3A_0 = arith.cmpi eq, %arg0, %eq3A : i32
    %convert_element_type3A = arith.extui %eq3A_0 : i1 to i32
    %cond3A = arith.constant 0 : i32
    %cond3A_1 = arith.cmpi ne, %convert_element_type3A, %cond3A : i32
    scf.if %cond3A_1 {
      %broadcast_in_dim3A_85 = arith.constant 0.000000e+00 : f32
      %broadcast_in_dim3A_86 = vector.broadcast %broadcast_in_dim3A_85 : f32 to vector<1x256xf32>
      %swap3A_87 = arith.constant 0 : index
      %swap3A_88 = arith.constant 0 : index
      %swap3A_89 = vector.load %arg8[%swap3A_87, %swap3A_88] : memref<1x256xf32, #tpu.memory_space<vmem>>, vector<1x256xf32>
      tpu.vector_store %arg8[%swap3A_87, %swap3A_88], %broadcast_in_dim3A_86 {strides = array<i32>} : memref<1x256xf32, #tpu.memory_space<vmem>>, vector<1x256xf32>,
      %broadcast_in_dim3A_90 = arith.constant 0.000000e+00 : f32
      %broadcast_in_dim3A_91 = vector.broadcast %broadcast_in_dim3A_90 : f32 to vector<1x256xf32>
      %swap3A_92 = arith.constant 0 : index
      %swap3A_93 = arith.constant 0 : index
      %swap3A_94 = vector.load %arg9[%swap3A_92, %swap3A_93] : memref<1x256xf32, #tpu.memory_space<vmem>>, vector<1x256xf32>
      tpu.vector_store %arg9[%swap3A_92, %swap3A_93], %broadcast_in_dim3A_91 {strides = array<i32>} : memref<1x256xf32, #tpu.memory_space<vmem>>, vector<1x256xf32>,
    } else {
    }
    %get3A = arith.constant 0 : index
    %get3A_2 = arith.constant 0 : index
    %get3A_3 = vector.load %arg1[%get3A, %get3A_2] : memref<2048x128xf32, #tpu.memory_space<vmem>>, vector<2048x128xf32>
    %get3A_4 = arith.constant 0 : index
    %get3A_5 = arith.constant 0 : index
    %get3A_6 = vector.load %arg6[%get3A_4, %get3A_5] : memref<128x256xbf16, #tpu.memory_space<vmem>>, vector<128x256xbf16>
    %bitcast_convert_type3A = tpu.bitcast %get3A_3 : vector<2048x128xf32> -> vector<2048x128xi32>
    %shift_left3A = arith.constant 16 : i32
    %shift_left3A_7 = vector.broadcast %shift_left3A : i32 to vector<2048x128xi32>
    %shift_left3A_8 = arith.shli %bitcast_convert_type3A, %shift_left3A_7 : vector<2048x128xi32>
    %bitcast_convert_type3A_9 = tpu.bitcast %shift_left3A_8 : vector<2048x128xi32> -> vector<2048x128xf32>
    %convert_element_type3A_10 = arith.truncf %bitcast_convert_type3A_9 : vector<2048x128xf32> to vector<2048x128xbf16>
    %and3A = arith.constant -65536 : i32
    %and3A_11 = vector.broadcast %and3A : i32 to vector<2048x128xi32>
    %and3A_12 = arith.andi %bitcast_convert_type3A, %and3A_11 : vector<2048x128xi32>
    %bitcast_convert_type3A_13 = tpu.bitcast %and3A_12 : vector<2048x128xi32> -> vector<2048x128xf32>
    %convert_element_type3A_14 = arith.truncf %bitcast_convert_type3A_13 : vector<2048x128xf32> to vector<2048x128xbf16>
    %slice3A = vector.extract_strided_slice %convert_element_type3A_10 {offsets = [0, 0], sizes = [2048, 64], strides = [1, 1]} : vector<2048x128xbf16> to vector<2048x64xbf16>
    %slice3A_15 = vector.extract_strided_slice %get3A_6 {offsets = [0, 0], sizes = [64, 256], strides = [1, 1]} : vector<128x256xbf16> to vector<64x256xbf16>
    %dot_general3A = arith.constant dense<0.000000e+00> : vector<2048x256xf32>
    %dot_general3A_16 = tpu.matmul %slice3A, %slice3A_15, %dot_general3A {dimension_numbers = #tpu.dot_dimension_numbers<[1], [0], [0], [1], [0, 0, 1, 1], [], []>, transpose_lhs_hint = false} : vector<2048x64xbf16>, vector<64x256xbf16>, vector<2048x256xf32> -> vector<2048x256xf32>
    %slice3A_17 = vector.extract_strided_slice %convert_element_type3A_14 {offsets = [0, 0], sizes = [2048, 64], strides = [1, 1]} : vector<2048x128xbf16> to vector<2048x64xbf16>
    %slice3A_18 = vector.extract_strided_slice %get3A_6 {offsets = [64, 0], sizes = [64, 256], strides = [1, 1]} : vector<128x256xbf16> to vector<64x256xbf16>
    %dot_general3A_19 = arith.constant dense<0.000000e+00> : vector<2048x256xf32>
    %dot_general3A_20 = tpu.matmul %slice3A_17, %slice3A_18, %dot_general3A_19 {dimension_numbers = #tpu.dot_dimension_numbers<[1], [0], [0], [1], [0, 0, 1, 1], [], []>, transpose_lhs_hint = false} : vector<2048x64xbf16>, vector<64x256xbf16>, vector<2048x256xf32> -> vector<2048x256xf32>
    %add3A = arith.addf %dot_general3A_16, %dot_general3A_20 : vector<2048x256xf32>
    %slice3A_21 = vector.extract_strided_slice %convert_element_type3A_10 {offsets = [0, 64], sizes = [2048, 64], strides = [1, 1]} : vector<2048x128xbf16> to vector<2048x64xbf16>
    %slice3A_22 = vector.extract_strided_slice %get3A_6 {offsets = [0, 0], sizes = [64, 256], strides = [1, 1]} : vector<128x256xbf16> to vector<64x256xbf16>
    %dot_general3A_23 = arith.constant dense<0.000000e+00> : vector<2048x256xf32>
    %dot_general3A_24 = tpu.matmul %slice3A_21, %slice3A_22, %dot_general3A_23 {dimension_numbers = #tpu.dot_dimension_numbers<[1], [0], [0], [1], [0, 0, 1, 1], [], []>, transpose_lhs_hint = false} : vector<2048x64xbf16>, vector<64x256xbf16>, vector<2048x256xf32> -> vector<2048x256xf32>
    %slice3A_25 = vector.extract_strided_slice %convert_element_type3A_14 {offsets = [0, 64], sizes = [2048, 64], strides = [1, 1]} : vector<2048x128xbf16> to vector<2048x64xbf16>
    %slice3A_26 = vector.extract_strided_slice %get3A_6 {offsets = [64, 0], sizes = [64, 256], strides = [1, 1]} : vector<128x256xbf16> to vector<64x256xbf16>
    %dot_general3A_27 = arith.constant dense<0.000000e+00> : vector<2048x256xf32>
    %dot_general3A_28 = tpu.matmul %slice3A_25, %slice3A_26, %dot_general3A_27 {dimension_numbers = #tpu.dot_dimension_numbers<[1], [0], [0], [1], [0, 0, 1, 1], [], []>, transpose_lhs_hint = false} : vector<2048x64xbf16>, vector<64x256xbf16>, vector<2048x256xf32> -> vector<2048x256xf32>
    %add3A_29 = arith.addf %dot_general3A_24, %dot_general3A_28 : vector<2048x256xf32>
    %get3A_30 = arith.constant 0 : index
    %get3A_31 = arith.constant 0 : index
    %get3A_32 = vector.load %arg2[%get3A_30, %get3A_31] : memref<16x2048xf32, #tpu.memory_space<vmem>>, vector<16x2048xf32>
    %get3A_33 = arith.constant 0 : index
    %get3A_34 = arith.constant 0 : index
    %get3A_35 = vector.load %arg7[%get3A_33, %get3A_34] : memref<16x256xf32, #tpu.memory_space<vmem>>, vector<16x256xf32>
    %dot_general3A_36 = arith.constant dense<0.000000e+00> : vector<2048x256xf32>
    %dot_general3A_37 = tpu.matmul %get3A_32, %get3A_35, %dot_general3A_36 {dimension_numbers = #tpu.dot_dimension_numbers<[0], [0], [1], [1], [0, 1, 1, 1], [], []>, transpose_lhs_hint = false} : vector<16x2048xf32>, vector<16x256xf32>, vector<2048x256xf32> -> vector<2048x256xf32>
    %get3A_38 = arith.constant 0 : index
    %get3A_39 = arith.constant 0 : index
    %get3A_40 = vector.load %arg3[%get3A_38, %get3A_39] : memref<16x2048xf32, #tpu.memory_space<vmem>>, vector<16x2048xf32>
    %get3A_41 = arith.constant 0 : index
    %get3A_42 = arith.constant 0 : index
    %get3A_43 = vector.load %arg7[%get3A_41, %get3A_42] : memref<16x256xf32, #tpu.memory_space<vmem>>, vector<16x256xf32>
    %dot_general3A_44 = arith.constant dense<0.000000e+00> : vector<2048x256xf32>
    %dot_general3A_45 = tpu.matmul %get3A_40, %get3A_43, %dot_general3A_44 {dimension_numbers = #tpu.dot_dimension_numbers<[0], [0], [1], [1], [0, 1, 1, 1], [], []>, transpose_lhs_hint = false} : vector<16x2048xf32>, vector<16x256xf32>, vector<2048x256xf32> -> vector<2048x256xf32>
    %add3A_46 = arith.addf %add3A, %dot_general3A_37 : vector<2048x256xf32>
    %reshape3A = vector.shape_cast %add3A_46 : vector<2048x256xf32> to vector<64x32x256xf32>
    %get3A_47 = arith.constant 0 : index
    %get3A_48 = arith.constant 0 : index
    %get3A_49 = vector.load %arg4[%get3A_47, %get3A_48] : memref<64x256xf32, #tpu.memory_space<vmem>>, vector<64x256xf32>
    %broadcast_in_dim3A = vector.shape_cast %get3A_49 : vector<64x256xf32> to vector<64x1x256xf32>
    %add3A_50 = vector.broadcast %broadcast_in_dim3A : vector<64x1x256xf32> to vector<64x32x256xf32>
    %add3A_51 = arith.addf %reshape3A, %add3A_50 : vector<64x32x256xf32>
    %add3A_52 = arith.addf %add3A_29, %dot_general3A_45 : vector<2048x256xf32>
    %reshape3A_53 = vector.shape_cast %add3A_52 : vector<2048x256xf32> to vector<64x32x256xf32>
    %get3A_54 = arith.constant 0 : index
    %get3A_55 = arith.constant 0 : index
    %get3A_56 = vector.load %arg5[%get3A_54, %get3A_55] : memref<64x256xf32, #tpu.memory_space<vmem>>, vector<64x256xf32>
    %broadcast_in_dim3A_57 = vector.shape_cast %get3A_56 : vector<64x256xf32> to vector<64x1x256xf32>
    %add3A_58 = vector.broadcast %broadcast_in_dim3A_57 : vector<64x1x256xf32> to vector<64x32x256xf32>
    %add3A_59 = arith.addf %reshape3A_53, %add3A_58 : vector<64x32x256xf32>
    %get3A_60 = arith.constant 0 : index
    %get3A_61 = arith.constant 0 : index
    %get3A_62 = vector.load %arg8[%get3A_60, %get3A_61] : memref<1x256xf32, #tpu.memory_space<vmem>>, vector<1x256xf32>
    %reduce_sum3A = arith.constant dense<0.000000e+00> : vector<256xf32>
    %reduce_sum3A_63 = vector.multi_reduction <add>, %add3A_51, %reduce_sum3A [0, 1] : vector<64x32x256xf32> to vector<256xf32>
    %reduce_sum3A_64 = arith.constant dense<0.000000e+00> : vector<256xf32>
    %reduce_sum3A_65 = vector.multi_reduction <add>, %add3A_59, %reduce_sum3A_64 [0, 1] : vector<64x32x256xf32> to vector<256xf32>
    %add3A_66 = arith.addf %reduce_sum3A_63, %reduce_sum3A_65 : vector<256xf32>
    %broadcast_in_dim3A_67 = vector.shape_cast %add3A_66 : vector<256xf32> to vector<1x256xf32>
    %add3A_68 = arith.addf %get3A_62, %broadcast_in_dim3A_67 : vector<1x256xf32>
    %swap3A = arith.constant 0 : index
    %swap3A_69 = arith.constant 0 : index
    %swap3A_70 = vector.load %arg8[%swap3A, %swap3A_69] : memref<1x256xf32, #tpu.memory_space<vmem>>, vector<1x256xf32>
    tpu.vector_store %arg8[%swap3A, %swap3A_69], %add3A_68 {strides = array<i32>} : memref<1x256xf32, #tpu.memory_space<vmem>>, vector<1x256xf32>,
    %get3A_71 = arith.constant 0 : index
    %get3A_72 = arith.constant 0 : index
    %get3A_73 = vector.load %arg9[%get3A_71, %get3A_72] : memref<1x256xf32, #tpu.memory_space<vmem>>, vector<1x256xf32>
    %mul3A = arith.mulf %add3A_51, %add3A_51 : vector<64x32x256xf32>
    %reduce_sum3A_74 = arith.constant dense<0.000000e+00> : vector<256xf32>
    %reduce_sum3A_75 = vector.multi_reduction <add>, %mul3A, %reduce_sum3A_74 [0, 1] : vector<64x32x256xf32> to vector<256xf32>
    %mul3A_76 = arith.mulf %add3A_59, %add3A_59 : vector<64x32x256xf32>
    %reduce_sum3A_77 = arith.constant dense<0.000000e+00> : vector<256xf32>
    %reduce_sum3A_78 = vector.multi_reduction <add>, %mul3A_76, %reduce_sum3A_77 [0, 1] : vector<64x32x256xf32> to vector<256xf32>
    %add3A_79 = arith.addf %reduce_sum3A_75, %reduce_sum3A_78 : vector<256xf32>
    %broadcast_in_dim3A_80 = vector.shape_cast %add3A_79 : vector<256xf32> to vector<1x256xf32>
    %add3A_81 = arith.addf %get3A_73, %broadcast_in_dim3A_80 : vector<1x256xf32>
    %swap3A_82 = arith.constant 0 : index
    %swap3A_83 = arith.constant 0 : index
    %swap3A_84 = vector.load %arg9[%swap3A_82, %swap3A_83] : memref<1x256xf32, #tpu.memory_space<vmem>>, vector<1x256xf32>
    tpu.vector_store %arg9[%swap3A_82, %swap3A_83], %add3A_81 {strides = array<i32>} : memref<1x256xf32, #tpu.memory_space<vmem>>, vector<1x256xf32>,
    return
  }
  func.func @transform_0(%arg0: i32) -> (i32, i32) {
    %c0_i32 = arith.constant 0 : i32
    %c0_i32_0 = arith.constant 0 : i32
    return %arg0, %c0_i32 : i32, i32
  }
  func.func @transform_1(%arg0: i32) -> (i32, i32) {
    %c0_i32 = arith.constant 0 : i32
    %c0_i32_0 = arith.constant 0 : i32
    return %c0_i32, %arg0 : i32, i32
  }
  func.func @transform_2(%arg0: i32) -> (i32, i32) {
    %add3A = arith.constant 80 : i32
    %add3A_0 = arith.addi %arg0, %add3A : i32
    %c0_i32 = arith.constant 0 : i32
    %c0_i32_1 = arith.constant 0 : i32
    return %c0_i32, %add3A_0 : i32, i32
  }
  func.func @transform_3(%arg0: i32) -> (i32, i32) {
    %c0_i32 = arith.constant 0 : i32
    %c0_i32_0 = arith.constant 0 : i32
    return %arg0, %c0_i32 : i32, i32
  }
  func.func @transform_4(%arg0: i32) -> (i32, i32) {
    %add3A = arith.constant 80 : i32
    %add3A_0 = arith.addi %arg0, %add3A : i32
    %c0_i32 = arith.constant 0 : i32
    %c0_i32_1 = arith.constant 0 : i32
    return %add3A_0, %c0_i32 : i32, i32
  }
  func.func @transform_5(%arg0: i32) -> (i32, i32) {
    %c0_i32 = arith.constant 0 : i32
    %c0_i32_0 = arith.constant 0 : i32
    %c0_i32_1 = arith.constant 0 : i32
    return %c0_i32, %c0_i32_0 : i32, i32
  }
  func.func @transform_6(%arg0: i32) -> (i32, i32) {
    %c0_i32 = arith.constant 0 : i32
    %c0_i32_0 = arith.constant 0 : i32
    %c0_i32_1 = arith.constant 0 : i32
    return %c0_i32, %c0_i32_0 : i32, i32
  }
  func.func @transform_7(%arg0: i32) -> (i32, i32) {
    %c0_i32 = arith.constant 0 : i32
    %c0_i32_0 = arith.constant 0 : i32
    %c0_i32_1 = arith.constant 0 : i32
    return %c0_i32, %c0_i32_0 : i32, i32
  }
  func.func @transform_8(%arg0: i32) -> (i32, i32) {
    %c0_i32 = arith.constant 0 : i32
    %c0_i32_0 = arith.constant 0 : i32
    %c0_i32_1 = arith.constant 0 : i32
    return %c0_i32, %c0_i32_0 : i32, i32
  }
}

module attributes {stable_mosaic.version = 14 : i64} {
  func.func @_apply_body(%arg0: i32, %arg1: memref<2048x128xf32, #tpu.memory_space<vmem>>, %arg2: memref<16x2048xf32, #tpu.memory_space<vmem>>, %arg3: memref<16x2048xf32, #tpu.memory_space<vmem>>, %arg4: memref<64x256xf32, #tpu.memory_space<vmem>>, %arg5: memref<64x256xf32, #tpu.memory_space<vmem>>, %arg6: memref<128x256xbf16, #tpu.memory_space<vmem>>, %arg7: memref<16x256xf32, #tpu.memory_space<vmem>>, %arg8: memref<2x256xf32, #tpu.memory_space<vmem>>, %arg9: memref<64x128xf32, #tpu.memory_space<vmem>>, %arg10: memref<64x128xf32, #tpu.memory_space<vmem>>, %arg11: memref<1x128xf32, #tpu.memory_space<vmem>>, %arg12: memref<1x128xf32, #tpu.memory_space<vmem>>) attributes {dimension_semantics = [#tpu.dimension_semantics<arbitrary>], iteration_bounds = array<i64: 80>, scalar_prefetch = 0 : i64, scratch_operands = 0 : i64, tpu.core_type = #tpu.core_type<tc>, window_params = [{transform_indices = @transform_0, window_bounds = array<i64: 2048, 128>}, {transform_indices = @transform_1, window_bounds = array<i64: 16, 2048>}, {transform_indices = @transform_2, window_bounds = array<i64: 16, 2048>}, {transform_indices = @transform_3, window_bounds = array<i64: 64, 256>}, {transform_indices = @transform_4, window_bounds = array<i64: 64, 256>}, {pipeline_mode = #tpu.pipeline_mode<synchronous>, transform_indices = @transform_5, window_bounds = array<i64: 128, 256>}, {pipeline_mode = #tpu.pipeline_mode<synchronous>, transform_indices = @transform_6, window_bounds = array<i64: 16, 256>}, {pipeline_mode = #tpu.pipeline_mode<synchronous>, transform_indices = @transform_7, window_bounds = array<i64: 2, 256>}, {transform_indices = @transform_8, window_bounds = array<i64: 64, 128>}, {transform_indices = @transform_9, window_bounds = array<i64: 64, 128>}, {pipeline_mode = #tpu.pipeline_mode<synchronous>, transform_indices = @transform_10, window_bounds = array<i64: 1, 128>}, {pipeline_mode = #tpu.pipeline_mode<synchronous>, transform_indices = @transform_11, window_bounds = array<i64: 1, 128>}]} {
    %eq3A = arith.constant 0 : i32
    %eq3A_0 = arith.cmpi eq, %arg0, %eq3A : i32
    %convert_element_type3A = arith.extui %eq3A_0 : i1 to i32
    %cond3A = arith.constant 0 : i32
    %cond3A_1 = arith.cmpi ne, %convert_element_type3A, %cond3A : i32
    scf.if %cond3A_1 {
      %broadcast_in_dim3A_153 = arith.constant 0.000000e+00 : f32
      %broadcast_in_dim3A_154 = vector.broadcast %broadcast_in_dim3A_153 : f32 to vector<1x128xf32>
      %swap3A_155 = arith.constant 0 : index
      %swap3A_156 = arith.constant 0 : index
      %swap3A_157 = vector.load %arg11[%swap3A_155, %swap3A_156] : memref<1x128xf32, #tpu.memory_space<vmem>>, vector<1x128xf32>
      tpu.vector_store %arg11[%swap3A_155, %swap3A_156], %broadcast_in_dim3A_154 {strides = array<i32>} : memref<1x128xf32, #tpu.memory_space<vmem>>, vector<1x128xf32>,
      %broadcast_in_dim3A_158 = arith.constant 0.000000e+00 : f32
      %broadcast_in_dim3A_159 = vector.broadcast %broadcast_in_dim3A_158 : f32 to vector<1x128xf32>
      %swap3A_160 = arith.constant 0 : index
      %swap3A_161 = arith.constant 0 : index
      %swap3A_162 = vector.load %arg12[%swap3A_160, %swap3A_161] : memref<1x128xf32, #tpu.memory_space<vmem>>, vector<1x128xf32>
      tpu.vector_store %arg12[%swap3A_160, %swap3A_161], %broadcast_in_dim3A_159 {strides = array<i32>} : memref<1x128xf32, #tpu.memory_space<vmem>>, vector<1x128xf32>,
    } else {
    }
    %get3A = arith.constant 0 : index
    %get3A_2 = arith.constant 0 : index
    %get3A_3 = vector.load %arg1[%get3A, %get3A_2] : memref<2048x128xf32, #tpu.memory_space<vmem>>, vector<2048x128xf32>
    %get3A_4 = arith.constant 0 : index
    %get3A_5 = arith.constant 0 : index
    %get3A_6 = vector.load %arg6[%get3A_4, %get3A_5] : memref<128x256xbf16, #tpu.memory_space<vmem>>, vector<128x256xbf16>
    %bitcast_convert_type3A = tpu.bitcast %get3A_3 : vector<2048x128xf32> -> vector<2048x128xi32>
    %shift_left3A = arith.constant 16 : i32
    %shift_left3A_7 = vector.broadcast %shift_left3A : i32 to vector<2048x128xi32>
    %shift_left3A_8 = arith.shli %bitcast_convert_type3A, %shift_left3A_7 : vector<2048x128xi32>
    %bitcast_convert_type3A_9 = tpu.bitcast %shift_left3A_8 : vector<2048x128xi32> -> vector<2048x128xf32>
    %convert_element_type3A_10 = arith.truncf %bitcast_convert_type3A_9 : vector<2048x128xf32> to vector<2048x128xbf16>
    %and3A = arith.constant -65536 : i32
    %and3A_11 = vector.broadcast %and3A : i32 to vector<2048x128xi32>
    %and3A_12 = arith.andi %bitcast_convert_type3A, %and3A_11 : vector<2048x128xi32>
    %bitcast_convert_type3A_13 = tpu.bitcast %and3A_12 : vector<2048x128xi32> -> vector<2048x128xf32>
    %convert_element_type3A_14 = arith.truncf %bitcast_convert_type3A_13 : vector<2048x128xf32> to vector<2048x128xbf16>
    %slice3A = vector.extract_strided_slice %convert_element_type3A_10 {offsets = [0, 0], sizes = [2048, 64], strides = [1, 1]} : vector<2048x128xbf16> to vector<2048x64xbf16>
    %slice3A_15 = vector.extract_strided_slice %get3A_6 {offsets = [0, 0], sizes = [64, 256], strides = [1, 1]} : vector<128x256xbf16> to vector<64x256xbf16>
    %dot_general3A = arith.constant dense<0.000000e+00> : vector<2048x256xf32>
    %dot_general3A_16 = tpu.matmul %slice3A, %slice3A_15, %dot_general3A {dimension_numbers = #tpu.dot_dimension_numbers<[1], [0], [0], [1], [0, 0, 1, 1], [], []>, transpose_lhs_hint = false} : vector<2048x64xbf16>, vector<64x256xbf16>, vector<2048x256xf32> -> vector<2048x256xf32>
    %slice3A_17 = vector.extract_strided_slice %convert_element_type3A_14 {offsets = [0, 0], sizes = [2048, 64], strides = [1, 1]} : vector<2048x128xbf16> to vector<2048x64xbf16>
    %slice3A_18 = vector.extract_strided_slice %get3A_6 {offsets = [64, 0], sizes = [64, 256], strides = [1, 1]} : vector<128x256xbf16> to vector<64x256xbf16>
    %dot_general3A_19 = arith.constant dense<0.000000e+00> : vector<2048x256xf32>
    %dot_general3A_20 = tpu.matmul %slice3A_17, %slice3A_18, %dot_general3A_19 {dimension_numbers = #tpu.dot_dimension_numbers<[1], [0], [0], [1], [0, 0, 1, 1], [], []>, transpose_lhs_hint = false} : vector<2048x64xbf16>, vector<64x256xbf16>, vector<2048x256xf32> -> vector<2048x256xf32>
    %add3A = arith.addf %dot_general3A_16, %dot_general3A_20 : vector<2048x256xf32>
    %slice3A_21 = vector.extract_strided_slice %convert_element_type3A_10 {offsets = [0, 64], sizes = [2048, 64], strides = [1, 1]} : vector<2048x128xbf16> to vector<2048x64xbf16>
    %slice3A_22 = vector.extract_strided_slice %get3A_6 {offsets = [0, 0], sizes = [64, 256], strides = [1, 1]} : vector<128x256xbf16> to vector<64x256xbf16>
    %dot_general3A_23 = arith.constant dense<0.000000e+00> : vector<2048x256xf32>
    %dot_general3A_24 = tpu.matmul %slice3A_21, %slice3A_22, %dot_general3A_23 {dimension_numbers = #tpu.dot_dimension_numbers<[1], [0], [0], [1], [0, 0, 1, 1], [], []>, transpose_lhs_hint = false} : vector<2048x64xbf16>, vector<64x256xbf16>, vector<2048x256xf32> -> vector<2048x256xf32>
    %slice3A_25 = vector.extract_strided_slice %convert_element_type3A_14 {offsets = [0, 64], sizes = [2048, 64], strides = [1, 1]} : vector<2048x128xbf16> to vector<2048x64xbf16>
    %slice3A_26 = vector.extract_strided_slice %get3A_6 {offsets = [64, 0], sizes = [64, 256], strides = [1, 1]} : vector<128x256xbf16> to vector<64x256xbf16>
    %dot_general3A_27 = arith.constant dense<0.000000e+00> : vector<2048x256xf32>
    %dot_general3A_28 = tpu.matmul %slice3A_25, %slice3A_26, %dot_general3A_27 {dimension_numbers = #tpu.dot_dimension_numbers<[1], [0], [0], [1], [0, 0, 1, 1], [], []>, transpose_lhs_hint = false} : vector<2048x64xbf16>, vector<64x256xbf16>, vector<2048x256xf32> -> vector<2048x256xf32>
    %add3A_29 = arith.addf %dot_general3A_24, %dot_general3A_28 : vector<2048x256xf32>
    %get3A_30 = arith.constant 0 : index
    %get3A_31 = arith.constant 0 : index
    %get3A_32 = vector.load %arg2[%get3A_30, %get3A_31] : memref<16x2048xf32, #tpu.memory_space<vmem>>, vector<16x2048xf32>
    %get3A_33 = arith.constant 0 : index
    %get3A_34 = arith.constant 0 : index
    %get3A_35 = vector.load %arg7[%get3A_33, %get3A_34] : memref<16x256xf32, #tpu.memory_space<vmem>>, vector<16x256xf32>
    %dot_general3A_36 = arith.constant dense<0.000000e+00> : vector<2048x256xf32>
    %dot_general3A_37 = tpu.matmul %get3A_32, %get3A_35, %dot_general3A_36 {dimension_numbers = #tpu.dot_dimension_numbers<[0], [0], [1], [1], [0, 1, 1, 1], [], []>, transpose_lhs_hint = false} : vector<16x2048xf32>, vector<16x256xf32>, vector<2048x256xf32> -> vector<2048x256xf32>
    %get3A_38 = arith.constant 0 : index
    %get3A_39 = arith.constant 0 : index
    %get3A_40 = vector.load %arg3[%get3A_38, %get3A_39] : memref<16x2048xf32, #tpu.memory_space<vmem>>, vector<16x2048xf32>
    %get3A_41 = arith.constant 0 : index
    %get3A_42 = arith.constant 0 : index
    %get3A_43 = vector.load %arg7[%get3A_41, %get3A_42] : memref<16x256xf32, #tpu.memory_space<vmem>>, vector<16x256xf32>
    %dot_general3A_44 = arith.constant dense<0.000000e+00> : vector<2048x256xf32>
    %dot_general3A_45 = tpu.matmul %get3A_40, %get3A_43, %dot_general3A_44 {dimension_numbers = #tpu.dot_dimension_numbers<[0], [0], [1], [1], [0, 1, 1, 1], [], []>, transpose_lhs_hint = false} : vector<16x2048xf32>, vector<16x256xf32>, vector<2048x256xf32> -> vector<2048x256xf32>
    %get3A_46 = arith.constant 0 : index
    %get3A_47 = arith.constant 0 : index
    %get3A_48 = vector.load %arg8[%get3A_46, %get3A_47] : memref<2x256xf32, #tpu.memory_space<vmem>>, vector<1x256xf32>
    %get3A_49 = arith.constant 1 : index
    %get3A_50 = arith.constant 0 : index
    %get3A_51 = vector.load %arg8[%get3A_49, %get3A_50] : memref<2x256xf32, #tpu.memory_space<vmem>>, vector<1x256xf32>
    %get3A_52 = arith.constant 0 : index
    %get3A_53 = arith.constant 0 : index
    %get3A_54 = vector.load %arg4[%get3A_52, %get3A_53] : memref<64x256xf32, #tpu.memory_space<vmem>>, vector<64x256xf32>
    %mul3A = vector.broadcast %get3A_48 : vector<1x256xf32> to vector<64x256xf32>
    %mul3A_55 = arith.mulf %get3A_54, %mul3A : vector<64x256xf32>
    %add3A_56 = vector.broadcast %get3A_51 : vector<1x256xf32> to vector<64x256xf32>
    %add3A_57 = arith.addf %mul3A_55, %add3A_56 : vector<64x256xf32>
    %broadcast_in_dim3A = vector.shape_cast %add3A_57 : vector<64x256xf32> to vector<64x1x256xf32>
    %get3A_58 = arith.constant 0 : index
    %get3A_59 = arith.constant 0 : index
    %get3A_60 = vector.load %arg5[%get3A_58, %get3A_59] : memref<64x256xf32, #tpu.memory_space<vmem>>, vector<64x256xf32>
    %mul3A_61 = vector.broadcast %get3A_48 : vector<1x256xf32> to vector<64x256xf32>
    %mul3A_62 = arith.mulf %get3A_60, %mul3A_61 : vector<64x256xf32>
    %add3A_63 = vector.broadcast %get3A_51 : vector<1x256xf32> to vector<64x256xf32>
    %add3A_64 = arith.addf %mul3A_62, %add3A_63 : vector<64x256xf32>
    %broadcast_in_dim3A_65 = vector.shape_cast %add3A_64 : vector<64x256xf32> to vector<64x1x256xf32>
    %add3A_66 = arith.addf %add3A, %dot_general3A_37 : vector<2048x256xf32>
    %reshape3A = vector.shape_cast %add3A_66 : vector<2048x256xf32> to vector<64x32x256xf32>
    %add3A_67 = vector.broadcast %broadcast_in_dim3A : vector<64x1x256xf32> to vector<64x32x256xf32>
    %add3A_68 = arith.addf %reshape3A, %add3A_67 : vector<64x32x256xf32>
    %add3A_69 = arith.addf %add3A_29, %dot_general3A_45 : vector<2048x256xf32>
    %reshape3A_70 = vector.shape_cast %add3A_69 : vector<2048x256xf32> to vector<64x32x256xf32>
    %add3A_71 = vector.broadcast %broadcast_in_dim3A_65 : vector<64x1x256xf32> to vector<64x32x256xf32>
    %add3A_72 = arith.addf %reshape3A_70, %add3A_71 : vector<64x32x256xf32>
    %slice3A_73 = vector.extract_strided_slice %add3A_68 {offsets = [0, 0, 0], sizes = [64, 32, 128], strides = [1, 1, 1]} : vector<64x32x256xf32> to vector<64x32x128xf32>
    %logistic3A = arith.negf %slice3A_73 : vector<64x32x128xf32>
    %logistic3A_74 = math.exp %logistic3A : vector<64x32x128xf32>
    %logistic3A_75 = arith.constant 1.000000e+00 : f32
    %logistic3A_76 = vector.broadcast %logistic3A_75 : f32 to vector<64x32x128xf32>
    %logistic3A_77 = arith.addf %logistic3A_76, %logistic3A_74 : vector<64x32x128xf32>
    %logistic3A_78 = arith.divf %logistic3A_76, %logistic3A_77 : vector<64x32x128xf32>
    %slice3A_79 = vector.extract_strided_slice %add3A_68 {offsets = [0, 0, 128], sizes = [64, 32, 128], strides = [1, 1, 1]} : vector<64x32x256xf32> to vector<64x32x128xf32>
    %max3A = arith.constant 0.000000e+00 : f32
    %max3A_80 = vector.broadcast %max3A : f32 to vector<64x32x128xf32>
    %max3A_81 = arith.maximumf %slice3A_79, %max3A_80 : vector<64x32x128xf32>
    %abs3A = math.absf %slice3A_79 : vector<64x32x128xf32>
    %neg3A = arith.constant 0.000000e+00 : f32
    %neg3A_82 = vector.broadcast %neg3A : f32 to vector<64x32x128xf32>
    %neg3A_83 = arith.subf %neg3A_82, %abs3A : vector<64x32x128xf32>
    %exp3A = math.exp %neg3A_83 : vector<64x32x128xf32>
    %log1p3A = math.log1p %exp3A : vector<64x32x128xf32>
    %add3A_84 = arith.addf %max3A_81, %log1p3A : vector<64x32x128xf32>
    %mul3A_85 = arith.mulf %logistic3A_78, %add3A_84 : vector<64x32x128xf32>
    %reduce_sum3A = arith.constant dense<0.000000e+00> : vector<64x128xf32>
    %reduce_sum3A_86 = vector.multi_reduction <add>, %mul3A_85, %reduce_sum3A [1] : vector<64x32x128xf32> to vector<64x128xf32>
    %slice3A_87 = vector.extract_strided_slice %add3A_72 {offsets = [0, 0, 0], sizes = [64, 32, 128], strides = [1, 1, 1]} : vector<64x32x256xf32> to vector<64x32x128xf32>
    %logistic3A_88 = arith.negf %slice3A_87 : vector<64x32x128xf32>
    %logistic3A_89 = math.exp %logistic3A_88 : vector<64x32x128xf32>
    %logistic3A_90 = arith.constant 1.000000e+00 : f32
    %logistic3A_91 = vector.broadcast %logistic3A_90 : f32 to vector<64x32x128xf32>
    %logistic3A_92 = arith.addf %logistic3A_91, %logistic3A_89 : vector<64x32x128xf32>
    %logistic3A_93 = arith.divf %logistic3A_91, %logistic3A_92 : vector<64x32x128xf32>
    %slice3A_94 = vector.extract_strided_slice %add3A_72 {offsets = [0, 0, 128], sizes = [64, 32, 128], strides = [1, 1, 1]} : vector<64x32x256xf32> to vector<64x32x128xf32>
    %max3A_95 = arith.constant 0.000000e+00 : f32
    %max3A_96 = vector.broadcast %max3A_95 : f32 to vector<64x32x128xf32>
    %max3A_97 = arith.maximumf %slice3A_94, %max3A_96 : vector<64x32x128xf32>
    %abs3A_98 = math.absf %slice3A_94 : vector<64x32x128xf32>
    %neg3A_99 = arith.constant 0.000000e+00 : f32
    %neg3A_100 = vector.broadcast %neg3A_99 : f32 to vector<64x32x128xf32>
    %neg3A_101 = arith.subf %neg3A_100, %abs3A_98 : vector<64x32x128xf32>
    %exp3A_102 = math.exp %neg3A_101 : vector<64x32x128xf32>
    %log1p3A_103 = math.log1p %exp3A_102 : vector<64x32x128xf32>
    %add3A_104 = arith.addf %max3A_97, %log1p3A_103 : vector<64x32x128xf32>
    %mul3A_105 = arith.mulf %logistic3A_93, %add3A_104 : vector<64x32x128xf32>
    %reduce_sum3A_106 = arith.constant dense<0.000000e+00> : vector<64x128xf32>
    %reduce_sum3A_107 = vector.multi_reduction <add>, %mul3A_105, %reduce_sum3A_106 [1] : vector<64x32x128xf32> to vector<64x128xf32>
    %swap3A = arith.constant 0 : index
    %swap3A_108 = arith.constant 0 : index
    %swap3A_109 = vector.load %arg9[%swap3A, %swap3A_108] : memref<64x128xf32, #tpu.memory_space<vmem>>, vector<64x128xf32>
    tpu.vector_store %arg9[%swap3A, %swap3A_108], %reduce_sum3A_86 {strides = array<i32>} : memref<64x128xf32, #tpu.memory_space<vmem>>, vector<64x128xf32>,
    %swap3A_110 = arith.constant 0 : index
    %swap3A_111 = arith.constant 0 : index
    %swap3A_112 = vector.load %arg10[%swap3A_110, %swap3A_111] : memref<64x128xf32, #tpu.memory_space<vmem>>, vector<64x128xf32>
    tpu.vector_store %arg10[%swap3A_110, %swap3A_111], %reduce_sum3A_107 {strides = array<i32>} : memref<64x128xf32, #tpu.memory_space<vmem>>, vector<64x128xf32>,
    %mul3A_113 = arith.constant 64 : i32
    %mul3A_114 = arith.muli %arg0, %mul3A_113 : i32
    %add3A_115 = arith.constant 5120 : i32
    %add3A_116 = arith.addi %add3A_115, %mul3A_114 : i32
    %iota3A = tpu.iota {dimensions = array<i32: 0>} : vector<64x1xi32>
    %add3A_117 = vector.broadcast %add3A_116 : i32 to vector<64x1xi32>
    %add3A_118 = arith.addi %add3A_117, %iota3A : vector<64x1xi32>
    %lt3A = arith.constant 10000 : i32
    %lt3A_119 = vector.broadcast %lt3A : i32 to vector<64x1xi32>
    %lt3A_120 = arith.cmpi slt, %add3A_118, %lt3A_119 : vector<64x1xi32>
    %convert_element_type3A_121 = arith.extui %lt3A_120 : vector<64x1xi1> to vector<64x1xi32>
    %convert_element_type3A_122 = arith.sitofp %convert_element_type3A_121 : vector<64x1xi32> to vector<64x1xf32>
    %mul3A_123 = vector.broadcast %convert_element_type3A_122 : vector<64x1xf32> to vector<64x128xf32>
    %mul3A_124 = arith.mulf %reduce_sum3A_107, %mul3A_123 : vector<64x128xf32>
    %get3A_125 = arith.constant 0 : index
    %get3A_126 = arith.constant 0 : index
    %get3A_127 = vector.load %arg11[%get3A_125, %get3A_126] : memref<1x128xf32, #tpu.memory_space<vmem>>, vector<1x128xf32>
    %reduce_sum3A_128 = arith.constant dense<0.000000e+00> : vector<128xf32>
    %reduce_sum3A_129 = vector.multi_reduction <add>, %reduce_sum3A_86, %reduce_sum3A_128 [0] : vector<64x128xf32> to vector<128xf32>
    %reduce_sum3A_130 = arith.constant dense<0.000000e+00> : vector<128xf32>
    %reduce_sum3A_131 = vector.multi_reduction <add>, %mul3A_124, %reduce_sum3A_130 [0] : vector<64x128xf32> to vector<128xf32>
    %add3A_132 = arith.addf %reduce_sum3A_129, %reduce_sum3A_131 : vector<128xf32>
    %broadcast_in_dim3A_133 = vector.shape_cast %add3A_132 : vector<128xf32> to vector<1x128xf32>
    %add3A_134 = arith.addf %get3A_127, %broadcast_in_dim3A_133 : vector<1x128xf32>
    %swap3A_135 = arith.constant 0 : index
    %swap3A_136 = arith.constant 0 : index
    %swap3A_137 = vector.load %arg11[%swap3A_135, %swap3A_136] : memref<1x128xf32, #tpu.memory_space<vmem>>, vector<1x128xf32>
    tpu.vector_store %arg11[%swap3A_135, %swap3A_136], %add3A_134 {strides = array<i32>} : memref<1x128xf32, #tpu.memory_space<vmem>>, vector<1x128xf32>,
    %get3A_138 = arith.constant 0 : index
    %get3A_139 = arith.constant 0 : index
    %get3A_140 = vector.load %arg12[%get3A_138, %get3A_139] : memref<1x128xf32, #tpu.memory_space<vmem>>, vector<1x128xf32>
    %mul3A_141 = arith.mulf %reduce_sum3A_86, %reduce_sum3A_86 : vector<64x128xf32>
    %reduce_sum3A_142 = arith.constant dense<0.000000e+00> : vector<128xf32>
    %reduce_sum3A_143 = vector.multi_reduction <add>, %mul3A_141, %reduce_sum3A_142 [0] : vector<64x128xf32> to vector<128xf32>
    %mul3A_144 = arith.mulf %mul3A_124, %reduce_sum3A_107 : vector<64x128xf32>
    %reduce_sum3A_145 = arith.constant dense<0.000000e+00> : vector<128xf32>
    %reduce_sum3A_146 = vector.multi_reduction <add>, %mul3A_144, %reduce_sum3A_145 [0] : vector<64x128xf32> to vector<128xf32>
    %add3A_147 = arith.addf %reduce_sum3A_143, %reduce_sum3A_146 : vector<128xf32>
    %broadcast_in_dim3A_148 = vector.shape_cast %add3A_147 : vector<128xf32> to vector<1x128xf32>
    %add3A_149 = arith.addf %get3A_140, %broadcast_in_dim3A_148 : vector<1x128xf32>
    %swap3A_150 = arith.constant 0 : index
    %swap3A_151 = arith.constant 0 : index
    %swap3A_152 = vector.load %arg12[%swap3A_150, %swap3A_151] : memref<1x128xf32, #tpu.memory_space<vmem>>, vector<1x128xf32>
    tpu.vector_store %arg12[%swap3A_150, %swap3A_151], %add3A_149 {strides = array<i32>} : memref<1x128xf32, #tpu.memory_space<vmem>>, vector<1x128xf32>,
    return
  }
  func.func @transform_0(%arg0: i32) -> (i32, i32) {
    %c0_i32 = arith.constant 0 : i32
    %c0_i32_0 = arith.constant 0 : i32
    return %arg0, %c0_i32 : i32, i32
  }
  func.func @transform_1(%arg0: i32) -> (i32, i32) {
    %c0_i32 = arith.constant 0 : i32
    %c0_i32_0 = arith.constant 0 : i32
    return %c0_i32, %arg0 : i32, i32
  }
  func.func @transform_2(%arg0: i32) -> (i32, i32) {
    %add3A = arith.constant 80 : i32
    %add3A_0 = arith.addi %arg0, %add3A : i32
    %c0_i32 = arith.constant 0 : i32
    %c0_i32_1 = arith.constant 0 : i32
    return %c0_i32, %add3A_0 : i32, i32
  }
  func.func @transform_3(%arg0: i32) -> (i32, i32) {
    %c0_i32 = arith.constant 0 : i32
    %c0_i32_0 = arith.constant 0 : i32
    return %arg0, %c0_i32 : i32, i32
  }
  func.func @transform_4(%arg0: i32) -> (i32, i32) {
    %add3A = arith.constant 80 : i32
    %add3A_0 = arith.addi %arg0, %add3A : i32
    %c0_i32 = arith.constant 0 : i32
    %c0_i32_1 = arith.constant 0 : i32
    return %add3A_0, %c0_i32 : i32, i32
  }
  func.func @transform_5(%arg0: i32) -> (i32, i32) {
    %c0_i32 = arith.constant 0 : i32
    %c0_i32_0 = arith.constant 0 : i32
    %c0_i32_1 = arith.constant 0 : i32
    return %c0_i32, %c0_i32_0 : i32, i32
  }
  func.func @transform_6(%arg0: i32) -> (i32, i32) {
    %c0_i32 = arith.constant 0 : i32
    %c0_i32_0 = arith.constant 0 : i32
    %c0_i32_1 = arith.constant 0 : i32
    return %c0_i32, %c0_i32_0 : i32, i32
  }
  func.func @transform_7(%arg0: i32) -> (i32, i32) {
    %c0_i32 = arith.constant 0 : i32
    %c0_i32_0 = arith.constant 0 : i32
    %c0_i32_1 = arith.constant 0 : i32
    return %c0_i32, %c0_i32_0 : i32, i32
  }
  func.func @transform_8(%arg0: i32) -> (i32, i32) {
    %c0_i32 = arith.constant 0 : i32
    %c0_i32_0 = arith.constant 0 : i32
    return %arg0, %c0_i32 : i32, i32
  }
  func.func @transform_9(%arg0: i32) -> (i32, i32) {
    %c0_i32 = arith.constant 0 : i32
    %c0_i32_0 = arith.constant 0 : i32
    return %arg0, %c0_i32 : i32, i32
  }
  func.func @transform_10(%arg0: i32) -> (i32, i32) {
    %c0_i32 = arith.constant 0 : i32
    %c0_i32_0 = arith.constant 0 : i32
    %c0_i32_1 = arith.constant 0 : i32
    return %c0_i32, %c0_i32_0 : i32, i32
  }
  func.func @transform_11(%arg0: i32) -> (i32, i32) {
    %c0_i32 = arith.constant 0 : i32
    %c0_i32_0 = arith.constant 0 : i32
    %c0_i32_1 = arith.constant 0 : i32
    return %c0_i32, %c0_i32_0 : i32, i32
  }
}

module attributes {stable_mosaic.version = 14 : i64} {
  func.func @_update_body(%arg0: i32, %arg1: memref<512x128xf32, #tpu.memory_space<vmem>>, %arg2: memref<512x128xf32, #tpu.memory_space<vmem>>, %arg3: memref<2x128xf32, #tpu.memory_space<vmem>>, %arg4: memref<128x256xf32, #tpu.memory_space<vmem>>, %arg5: memref<1x256xf32, #tpu.memory_space<vmem>>, %arg6: memref<512x128xf32, #tpu.memory_space<vmem>>, %arg7: memref<512x256xf32, #tpu.memory_space<vmem>>, %arg8: memref<512x64xf32, #tpu.memory_space<vmem>>) attributes {dimension_semantics = [#tpu.dimension_semantics<arbitrary>], iteration_bounds = array<i64: 20>, scalar_prefetch = 0 : i64, scratch_operands = 0 : i64, tpu.core_type = #tpu.core_type<tc>, window_params = [{transform_indices = @transform_0, window_bounds = array<i64: 512, 128>}, {transform_indices = @transform_1, window_bounds = array<i64: 512, 128>}, {pipeline_mode = #tpu.pipeline_mode<synchronous>, transform_indices = @transform_2, window_bounds = array<i64: 2, 128>}, {pipeline_mode = #tpu.pipeline_mode<synchronous>, transform_indices = @transform_3, window_bounds = array<i64: 128, 256>}, {pipeline_mode = #tpu.pipeline_mode<synchronous>, transform_indices = @transform_4, window_bounds = array<i64: 1, 256>}, {transform_indices = @transform_5, window_bounds = array<i64: 512, 128>}, {transform_indices = @transform_6, window_bounds = array<i64: 512, 256>}, {transform_indices = @transform_7, window_bounds = array<i64: 512, 64>}]} {
    %get3A = arith.constant 0 : index
    %get3A_0 = arith.constant 0 : index
    %get3A_1 = vector.load %arg3[%get3A, %get3A_0] : memref<2x128xf32, #tpu.memory_space<vmem>>, vector<1x128xf32>
    %get3A_2 = arith.constant 1 : index
    %get3A_3 = arith.constant 0 : index
    %get3A_4 = vector.load %arg3[%get3A_2, %get3A_3] : memref<2x128xf32, #tpu.memory_space<vmem>>, vector<1x128xf32>
    %mul3A = arith.constant 512 : i32
    %mul3A_5 = arith.muli %arg0, %mul3A : i32
    %iota3A = tpu.iota {dimensions = array<i32: 0>} : vector<512x1xi32>
    %add3A = vector.broadcast %mul3A_5 : i32 to vector<512x1xi32>
    %add3A_6 = arith.addi %add3A, %iota3A : vector<512x1xi32>
    %lt3A = arith.constant 10000 : i32
    %lt3A_7 = vector.broadcast %lt3A : i32 to vector<512x1xi32>
    %lt3A_8 = arith.cmpi slt, %add3A_6, %lt3A_7 : vector<512x1xi32>
    %convert_element_type3A = arith.extui %lt3A_8 : vector<512x1xi1> to vector<512x1xi32>
    %convert_element_type3A_9 = arith.sitofp %convert_element_type3A : vector<512x1xi32> to vector<512x1xf32>
    %get3A_10 = arith.constant 0 : index
    %get3A_11 = arith.constant 0 : index
    %get3A_12 = vector.load %arg1[%get3A_10, %get3A_11] : memref<512x128xf32, #tpu.memory_space<vmem>>, vector<512x128xf32>
    %get3A_13 = arith.constant 0 : index
    %get3A_14 = arith.constant 0 : index
    %get3A_15 = vector.load %arg2[%get3A_13, %get3A_14] : memref<512x128xf32, #tpu.memory_space<vmem>>, vector<512x128xf32>
    %mul3A_16 = vector.broadcast %get3A_1 : vector<1x128xf32> to vector<512x128xf32>
    %mul3A_17 = arith.mulf %get3A_15, %mul3A_16 : vector<512x128xf32>
    %add3A_18 = arith.addf %get3A_12, %mul3A_17 : vector<512x128xf32>
    %add3A_19 = vector.broadcast %get3A_4 : vector<1x128xf32> to vector<512x128xf32>
    %add3A_20 = arith.addf %add3A_18, %add3A_19 : vector<512x128xf32>
    %max3A = arith.constant 0.000000e+00 : f32
    %max3A_21 = vector.broadcast %max3A : f32 to vector<512x128xf32>
    %max3A_22 = arith.maximumf %add3A_20, %max3A_21 : vector<512x128xf32>
    %abs3A = math.absf %add3A_20 : vector<512x128xf32>
    %neg3A = arith.constant 0.000000e+00 : f32
    %neg3A_23 = vector.broadcast %neg3A : f32 to vector<512x128xf32>
    %neg3A_24 = arith.subf %neg3A_23, %abs3A : vector<512x128xf32>
    %exp3A = math.exp %neg3A_24 : vector<512x128xf32>
    %log1p3A = math.log1p %exp3A : vector<512x128xf32>
    %add3A_25 = arith.addf %max3A_22, %log1p3A : vector<512x128xf32>
    %mul3A_26 = vector.broadcast %convert_element_type3A_9 : vector<512x1xf32> to vector<512x128xf32>
    %mul3A_27 = arith.mulf %add3A_25, %mul3A_26 : vector<512x128xf32>
    %swap3A = arith.constant 0 : index
    %swap3A_28 = arith.constant 0 : index
    %swap3A_29 = vector.load %arg6[%swap3A, %swap3A_28] : memref<512x128xf32, #tpu.memory_space<vmem>>, vector<512x128xf32>
    tpu.vector_store %arg6[%swap3A, %swap3A_28], %mul3A_27 {strides = array<i32>} : memref<512x128xf32, #tpu.memory_space<vmem>>, vector<512x128xf32>,
    %bitcast_convert_type3A = tpu.bitcast %mul3A_27 : vector<512x128xf32> -> vector<512x128xi32>
    %add3A_30 = arith.constant 32767 : i32
    %add3A_31 = vector.broadcast %add3A_30 : i32 to vector<512x128xi32>
    %add3A_32 = arith.addi %bitcast_convert_type3A, %add3A_31 : vector<512x128xi32>
    %shift_right_logical3A = arith.constant 16 : i32
    %shift_right_logical3A_33 = vector.broadcast %shift_right_logical3A : i32 to vector<512x128xi32>
    %shift_right_logical3A_34 = arith.shrui %bitcast_convert_type3A, %shift_right_logical3A_33 : vector<512x128xi32>
    %and3A = arith.constant 1 : i32
    %and3A_35 = vector.broadcast %and3A : i32 to vector<512x128xi32>
    %and3A_36 = arith.andi %shift_right_logical3A_34, %and3A_35 : vector<512x128xi32>
    %add3A_37 = arith.addi %add3A_32, %and3A_36 : vector<512x128xi32>
    %slice3A = vector.extract_strided_slice %add3A_37 {offsets = [0, 0], sizes = [512, 64], strides = [1, 1]} : vector<512x128xi32> to vector<512x64xi32>
    %shift_right_logical3A_38 = arith.constant 16 : i32
    %shift_right_logical3A_39 = vector.broadcast %shift_right_logical3A_38 : i32 to vector<512x64xi32>
    %shift_right_logical3A_40 = arith.shrui %slice3A, %shift_right_logical3A_39 : vector<512x64xi32>
    %slice3A_41 = vector.extract_strided_slice %add3A_37 {offsets = [0, 64], sizes = [512, 64], strides = [1, 1]} : vector<512x128xi32> to vector<512x64xi32>
    %and3A_42 = arith.constant -65536 : i32
    %and3A_43 = vector.broadcast %and3A_42 : i32 to vector<512x64xi32>
    %and3A_44 = arith.andi %slice3A_41, %and3A_43 : vector<512x64xi32>
    %or3A = arith.ori %shift_right_logical3A_40, %and3A_44 : vector<512x64xi32>
    %bitcast_convert_type3A_45 = tpu.bitcast %or3A : vector<512x64xi32> -> vector<512x64xf32>
    %swap3A_46 = arith.constant 0 : index
    %swap3A_47 = arith.constant 0 : index
    %swap3A_48 = vector.load %arg8[%swap3A_46, %swap3A_47] : memref<512x64xf32, #tpu.memory_space<vmem>>, vector<512x64xf32>
    tpu.vector_store %arg8[%swap3A_46, %swap3A_47], %bitcast_convert_type3A_45 {strides = array<i32>} : memref<512x64xf32, #tpu.memory_space<vmem>>, vector<512x64xf32>,
    %get3A_49 = arith.constant 0 : index
    %get3A_50 = arith.constant 0 : index
    %get3A_51 = vector.load %arg4[%get3A_49, %get3A_50] : memref<128x256xf32, #tpu.memory_space<vmem>>, vector<128x256xf32>
    %dot_general3A = arith.constant dense<0.000000e+00> : vector<512x256xf32>
    %dot_general3A_52 = tpu.matmul %mul3A_27, %get3A_51, %dot_general3A {dimension_numbers = #tpu.dot_dimension_numbers<[1], [0], [0], [1], [0, 0, 1, 1], [], []>, transpose_lhs_hint = false} : vector<512x128xf32>, vector<128x256xf32>, vector<512x256xf32> -> vector<512x256xf32>
    %get3A_53 = arith.constant 0 : index
    %get3A_54 = arith.constant 0 : index
    %get3A_55 = vector.load %arg5[%get3A_53, %get3A_54] : memref<1x256xf32, #tpu.memory_space<vmem>>, vector<1x256xf32>
    %add3A_56 = vector.broadcast %get3A_55 : vector<1x256xf32> to vector<512x256xf32>
    %add3A_57 = arith.addf %dot_general3A_52, %add3A_56 : vector<512x256xf32>
    %mul3A_58 = vector.broadcast %convert_element_type3A_9 : vector<512x1xf32> to vector<512x256xf32>
    %mul3A_59 = arith.mulf %add3A_57, %mul3A_58 : vector<512x256xf32>
    %swap3A_60 = arith.constant 0 : index
    %swap3A_61 = arith.constant 0 : index
    %swap3A_62 = vector.load %arg7[%swap3A_60, %swap3A_61] : memref<512x256xf32, #tpu.memory_space<vmem>>, vector<512x256xf32>
    tpu.vector_store %arg7[%swap3A_60, %swap3A_61], %mul3A_59 {strides = array<i32>} : memref<512x256xf32, #tpu.memory_space<vmem>>, vector<512x256xf32>,
    return
  }
  func.func @transform_0(%arg0: i32) -> (i32, i32) {
    %c0_i32 = arith.constant 0 : i32
    %c0_i32_0 = arith.constant 0 : i32
    return %arg0, %c0_i32 : i32, i32
  }
  func.func @transform_1(%arg0: i32) -> (i32, i32) {
    %c0_i32 = arith.constant 0 : i32
    %c0_i32_0 = arith.constant 0 : i32
    return %arg0, %c0_i32 : i32, i32
  }
  func.func @transform_2(%arg0: i32) -> (i32, i32) {
    %c0_i32 = arith.constant 0 : i32
    %c0_i32_0 = arith.constant 0 : i32
    %c0_i32_1 = arith.constant 0 : i32
    return %c0_i32, %c0_i32_0 : i32, i32
  }
  func.func @transform_3(%arg0: i32) -> (i32, i32) {
    %c0_i32 = arith.constant 0 : i32
    %c0_i32_0 = arith.constant 0 : i32
    %c0_i32_1 = arith.constant 0 : i32
    return %c0_i32, %c0_i32_0 : i32, i32
  }
  func.func @transform_4(%arg0: i32) -> (i32, i32) {
    %c0_i32 = arith.constant 0 : i32
    %c0_i32_0 = arith.constant 0 : i32
    %c0_i32_1 = arith.constant 0 : i32
    return %c0_i32, %c0_i32_0 : i32, i32
  }
  func.func @transform_5(%arg0: i32) -> (i32, i32) {
    %c0_i32 = arith.constant 0 : i32
    %c0_i32_0 = arith.constant 0 : i32
    return %arg0, %c0_i32 : i32, i32
  }
  func.func @transform_6(%arg0: i32) -> (i32, i32) {
    %c0_i32 = arith.constant 0 : i32
    %c0_i32_0 = arith.constant 0 : i32
    return %arg0, %c0_i32 : i32, i32
  }
  func.func @transform_7(%arg0: i32) -> (i32, i32) {
    %c0_i32 = arith.constant 0 : i32
    %c0_i32_0 = arith.constant 0 : i32
    return %arg0, %c0_i32 : i32, i32
  }
}

module attributes {stable_mosaic.version = 14 : i64} {
  func.func @_update_body(%arg0: i32, %arg1: memref<512x128xf32, #tpu.memory_space<vmem>>, %arg2: memref<512x128xf32, #tpu.memory_space<vmem>>, %arg3: memref<2x128xf32, #tpu.memory_space<vmem>>, %arg4: memref<128x256xf32, #tpu.memory_space<vmem>>, %arg5: memref<1x256xf32, #tpu.memory_space<vmem>>, %arg6: memref<512x128xf32, #tpu.memory_space<vmem>>, %arg7: memref<512x256xf32, #tpu.memory_space<vmem>>, %arg8: memref<512x64xf32, #tpu.memory_space<vmem>>) attributes {dimension_semantics = [#tpu.dimension_semantics<arbitrary>], iteration_bounds = array<i64: 20>, scalar_prefetch = 0 : i64, scratch_operands = 0 : i64, tpu.core_type = #tpu.core_type<tc>, window_params = [{transform_indices = @transform_0, window_bounds = array<i64: 512, 128>}, {transform_indices = @transform_1, window_bounds = array<i64: 512, 128>}, {pipeline_mode = #tpu.pipeline_mode<synchronous>, transform_indices = @transform_2, window_bounds = array<i64: 2, 128>}, {pipeline_mode = #tpu.pipeline_mode<synchronous>, transform_indices = @transform_3, window_bounds = array<i64: 128, 256>}, {pipeline_mode = #tpu.pipeline_mode<synchronous>, transform_indices = @transform_4, window_bounds = array<i64: 1, 256>}, {transform_indices = @transform_5, window_bounds = array<i64: 512, 128>}, {transform_indices = @transform_6, window_bounds = array<i64: 512, 256>}, {transform_indices = @transform_7, window_bounds = array<i64: 512, 64>}]} {
    %get3A = arith.constant 0 : index
    %get3A_0 = arith.constant 0 : index
    %get3A_1 = vector.load %arg3[%get3A, %get3A_0] : memref<2x128xf32, #tpu.memory_space<vmem>>, vector<1x128xf32>
    %get3A_2 = arith.constant 1 : index
    %get3A_3 = arith.constant 0 : index
    %get3A_4 = vector.load %arg3[%get3A_2, %get3A_3] : memref<2x128xf32, #tpu.memory_space<vmem>>, vector<1x128xf32>
    %mul3A = arith.constant 512 : i32
    %mul3A_5 = arith.muli %arg0, %mul3A : i32
    %iota3A = tpu.iota {dimensions = array<i32: 0>} : vector<512x1xi32>
    %add3A = vector.broadcast %mul3A_5 : i32 to vector<512x1xi32>
    %add3A_6 = arith.addi %add3A, %iota3A : vector<512x1xi32>
    %lt3A = arith.constant 10000 : i32
    %lt3A_7 = vector.broadcast %lt3A : i32 to vector<512x1xi32>
    %lt3A_8 = arith.cmpi slt, %add3A_6, %lt3A_7 : vector<512x1xi32>
    %convert_element_type3A = arith.extui %lt3A_8 : vector<512x1xi1> to vector<512x1xi32>
    %convert_element_type3A_9 = arith.sitofp %convert_element_type3A : vector<512x1xi32> to vector<512x1xf32>
    %get3A_10 = arith.constant 0 : index
    %get3A_11 = arith.constant 0 : index
    %get3A_12 = vector.load %arg1[%get3A_10, %get3A_11] : memref<512x128xf32, #tpu.memory_space<vmem>>, vector<512x128xf32>
    %get3A_13 = arith.constant 0 : index
    %get3A_14 = arith.constant 0 : index
    %get3A_15 = vector.load %arg2[%get3A_13, %get3A_14] : memref<512x128xf32, #tpu.memory_space<vmem>>, vector<512x128xf32>
    %mul3A_16 = vector.broadcast %get3A_1 : vector<1x128xf32> to vector<512x128xf32>
    %mul3A_17 = arith.mulf %get3A_15, %mul3A_16 : vector<512x128xf32>
    %add3A_18 = arith.addf %get3A_12, %mul3A_17 : vector<512x128xf32>
    %add3A_19 = vector.broadcast %get3A_4 : vector<1x128xf32> to vector<512x128xf32>
    %add3A_20 = arith.addf %add3A_18, %add3A_19 : vector<512x128xf32>
    %max3A = arith.constant 0.000000e+00 : f32
    %max3A_21 = vector.broadcast %max3A : f32 to vector<512x128xf32>
    %max3A_22 = arith.maximumf %add3A_20, %max3A_21 : vector<512x128xf32>
    %abs3A = math.absf %add3A_20 : vector<512x128xf32>
    %neg3A = arith.constant 0.000000e+00 : f32
    %neg3A_23 = vector.broadcast %neg3A : f32 to vector<512x128xf32>
    %neg3A_24 = arith.subf %neg3A_23, %abs3A : vector<512x128xf32>
    %exp3A = math.exp %neg3A_24 : vector<512x128xf32>
    %log1p3A = math.log1p %exp3A : vector<512x128xf32>
    %add3A_25 = arith.addf %max3A_22, %log1p3A : vector<512x128xf32>
    %mul3A_26 = vector.broadcast %convert_element_type3A_9 : vector<512x1xf32> to vector<512x128xf32>
    %mul3A_27 = arith.mulf %add3A_25, %mul3A_26 : vector<512x128xf32>
    %swap3A = arith.constant 0 : index
    %swap3A_28 = arith.constant 0 : index
    %swap3A_29 = vector.load %arg6[%swap3A, %swap3A_28] : memref<512x128xf32, #tpu.memory_space<vmem>>, vector<512x128xf32>
    tpu.vector_store %arg6[%swap3A, %swap3A_28], %mul3A_27 {strides = array<i32>} : memref<512x128xf32, #tpu.memory_space<vmem>>, vector<512x128xf32>,
    %bitcast_convert_type3A = tpu.bitcast %mul3A_27 : vector<512x128xf32> -> vector<512x128xi32>
    %add3A_30 = arith.constant 32767 : i32
    %add3A_31 = vector.broadcast %add3A_30 : i32 to vector<512x128xi32>
    %add3A_32 = arith.addi %bitcast_convert_type3A, %add3A_31 : vector<512x128xi32>
    %shift_right_logical3A = arith.constant 16 : i32
    %shift_right_logical3A_33 = vector.broadcast %shift_right_logical3A : i32 to vector<512x128xi32>
    %shift_right_logical3A_34 = arith.shrui %bitcast_convert_type3A, %shift_right_logical3A_33 : vector<512x128xi32>
    %and3A = arith.constant 1 : i32
    %and3A_35 = vector.broadcast %and3A : i32 to vector<512x128xi32>
    %and3A_36 = arith.andi %shift_right_logical3A_34, %and3A_35 : vector<512x128xi32>
    %add3A_37 = arith.addi %add3A_32, %and3A_36 : vector<512x128xi32>
    %slice3A = vector.extract_strided_slice %add3A_37 {offsets = [0, 0], sizes = [512, 64], strides = [1, 1]} : vector<512x128xi32> to vector<512x64xi32>
    %shift_right_logical3A_38 = arith.constant 16 : i32
    %shift_right_logical3A_39 = vector.broadcast %shift_right_logical3A_38 : i32 to vector<512x64xi32>
    %shift_right_logical3A_40 = arith.shrui %slice3A, %shift_right_logical3A_39 : vector<512x64xi32>
    %slice3A_41 = vector.extract_strided_slice %add3A_37 {offsets = [0, 64], sizes = [512, 64], strides = [1, 1]} : vector<512x128xi32> to vector<512x64xi32>
    %and3A_42 = arith.constant -65536 : i32
    %and3A_43 = vector.broadcast %and3A_42 : i32 to vector<512x64xi32>
    %and3A_44 = arith.andi %slice3A_41, %and3A_43 : vector<512x64xi32>
    %or3A = arith.ori %shift_right_logical3A_40, %and3A_44 : vector<512x64xi32>
    %bitcast_convert_type3A_45 = tpu.bitcast %or3A : vector<512x64xi32> -> vector<512x64xf32>
    %swap3A_46 = arith.constant 0 : index
    %swap3A_47 = arith.constant 0 : index
    %swap3A_48 = vector.load %arg8[%swap3A_46, %swap3A_47] : memref<512x64xf32, #tpu.memory_space<vmem>>, vector<512x64xf32>
    tpu.vector_store %arg8[%swap3A_46, %swap3A_47], %bitcast_convert_type3A_45 {strides = array<i32>} : memref<512x64xf32, #tpu.memory_space<vmem>>, vector<512x64xf32>,
    %get3A_49 = arith.constant 0 : index
    %get3A_50 = arith.constant 0 : index
    %get3A_51 = vector.load %arg4[%get3A_49, %get3A_50] : memref<128x256xf32, #tpu.memory_space<vmem>>, vector<128x256xf32>
    %dot_general3A = arith.constant dense<0.000000e+00> : vector<512x256xf32>
    %dot_general3A_52 = tpu.matmul %mul3A_27, %get3A_51, %dot_general3A {dimension_numbers = #tpu.dot_dimension_numbers<[1], [0], [0], [1], [0, 0, 1, 1], [], []>, transpose_lhs_hint = false} : vector<512x128xf32>, vector<128x256xf32>, vector<512x256xf32> -> vector<512x256xf32>
    %get3A_53 = arith.constant 0 : index
    %get3A_54 = arith.constant 0 : index
    %get3A_55 = vector.load %arg5[%get3A_53, %get3A_54] : memref<1x256xf32, #tpu.memory_space<vmem>>, vector<1x256xf32>
    %add3A_56 = vector.broadcast %get3A_55 : vector<1x256xf32> to vector<512x256xf32>
    %add3A_57 = arith.addf %dot_general3A_52, %add3A_56 : vector<512x256xf32>
    %mul3A_58 = vector.broadcast %convert_element_type3A_9 : vector<512x1xf32> to vector<512x256xf32>
    %mul3A_59 = arith.mulf %add3A_57, %mul3A_58 : vector<512x256xf32>
    %swap3A_60 = arith.constant 0 : index
    %swap3A_61 = arith.constant 0 : index
    %swap3A_62 = vector.load %arg7[%swap3A_60, %swap3A_61] : memref<512x256xf32, #tpu.memory_space<vmem>>, vector<512x256xf32>
    tpu.vector_store %arg7[%swap3A_60, %swap3A_61], %mul3A_59 {strides = array<i32>} : memref<512x256xf32, #tpu.memory_space<vmem>>, vector<512x256xf32>,
    return
  }
  func.func @transform_0(%arg0: i32) -> (i32, i32) {
    %c0_i32 = arith.constant 0 : i32
    %c0_i32_0 = arith.constant 0 : i32
    return %arg0, %c0_i32 : i32, i32
  }
  func.func @transform_1(%arg0: i32) -> (i32, i32) {
    %c0_i32 = arith.constant 0 : i32
    %c0_i32_0 = arith.constant 0 : i32
    return %arg0, %c0_i32 : i32, i32
  }
  func.func @transform_2(%arg0: i32) -> (i32, i32) {
    %c0_i32 = arith.constant 0 : i32
    %c0_i32_0 = arith.constant 0 : i32
    %c0_i32_1 = arith.constant 0 : i32
    return %c0_i32, %c0_i32_0 : i32, i32
  }
  func.func @transform_3(%arg0: i32) -> (i32, i32) {
    %c0_i32 = arith.constant 0 : i32
    %c0_i32_0 = arith.constant 0 : i32
    %c0_i32_1 = arith.constant 0 : i32
    return %c0_i32, %c0_i32_0 : i32, i32
  }
  func.func @transform_4(%arg0: i32) -> (i32, i32) {
    %c0_i32 = arith.constant 0 : i32
    %c0_i32_0 = arith.constant 0 : i32
    %c0_i32_1 = arith.constant 0 : i32
    return %c0_i32, %c0_i32_0 : i32, i32
  }
  func.func @transform_5(%arg0: i32) -> (i32, i32) {
    %c0_i32 = arith.constant 0 : i32
    %c0_i32_0 = arith.constant 0 : i32
    return %arg0, %c0_i32 : i32, i32
  }
  func.func @transform_6(%arg0: i32) -> (i32, i32) {
    %c0_i32 = arith.constant 0 : i32
    %c0_i32_0 = arith.constant 0 : i32
    return %arg0, %c0_i32 : i32, i32
  }
  func.func @transform_7(%arg0: i32) -> (i32, i32) {
    %c0_i32 = arith.constant 0 : i32
    %c0_i32_0 = arith.constant 0 : i32
    return %arg0, %c0_i32 : i32, i32
  }
}

</mosaic_0001>

<sc_bundles>
// kernel: kernel.17.cloned.1.call-start
scs
__scs_entry_jumppad:
0x0: {  	(pc) =	sbr.rel $0x88, $3  }
0x1: {  	(tag) =	ssettag $0x0;
	lr =	simm.s32 $0x1  }
0x2: {  	[smem:$0x3F94] =	sst lr;
	_ =	strace $0xD0000000  }
0x3: {  	_ = 	snop  }
0x4: {  	_ = 	snop  }
0x5: {  	_ = 	snop  }
0x6: {  	_ = 	snop  }
0x7: {  	_ = 	snop  }
__scs_overlays_trampoline_lowered:
0x8: {  	[smem:$0x3FA3] =	sst s0  }
0x9: {  	[smem:$0x3FA4] =	sst s1  }
0xa: {  	[smem:$0x3FA5] =	sst s2  }
0xb: {  	[smem:$0x3FA6] =	sst s3  }
0xc: {  	[smem:$0x3FA7] =	sst s4  }
0xd: {  	[smem:$0x3FA8] =	sst s5  }
0xe: {  	[smem:$0x3FA9] =	sst s6  }
0xf: {  	[smem:$0x3FAA] =	sst s7  }
0x10: {  	[smem:$0x3FAB] =	sst s8  }
0x11: {  	[smem:$0x3FAC] =	sst s9;
	s0 =	simm.s32 @!p0 $0x0  }
0x12: {  	s1 =	sld [smem:$0x3F92];
	s0 =	simm.s32 @p0 $0x1  }
0x13: {  	[smem:$0x3FAD] =	sst s0;
	s0 =	simm.s32 @!p1 $0x0  }
0x14: {  	s2 =	sld [smem:$0x3F91];
	s0 =	simm.s32 @p1 $0x1  }
0x15: {  	[smem:$0x3FAE] =	sst s0;
	s0 =	simm.s32 @!p2 $0x0  }
0x16: {  	s3 =	sld [smem:$0x3FDB];
	s0 =	simm.s32 @p2 $0x1  }
0x17: {  	s4 =	simm.s32 $0x1BF5;
	[smem:$0x3FB0] =	sst s0  }
0x18: {  	s0 =	sld [smem:$0x3F93];
	_ =	swait.ge [sflag:s4], $0x0  }
0x19: {  	s7 =	sld [smem:$0x3F94]  }
0x1a: {  	s8 =	sadd.s32 $0xFFFFE003, lr  }
0x1b: {  	s9 =	sadd.s32 $0xFFFFFEF7, lr;
	s5 =	simm.s32 $0xFFFFFFFF;
	p2 =	slt.u32 s8, $0xFFFFF086  }
0x1c: {  	p1 =	slt.u32 s9, $0xF7A;
	s5 =	simm.s32 @!p2 $0x0  }
0x1d: {  	s5 =	simm.s32 @p1 $0x1;
	p0 =	seq.s32 s7, s2  }
0x1e: {  	s7 =	smul.u32 @!p0 $0xF7A, s2;
	p2 =	seq.s32 @!p0 s5, $0x0  }
0x1f: {  	s9 =	smul.u32 $0xF7A, s1;
	s8 =	simm.s32 @!p0 $0x1BF5;
	p2 =	por !p2, p0  }
0x20: {  	[sflag:s8] =	ssyncset.s32 @!p0 $0xFFFFF086;
	s6 =	sadd.s32 @!p0 s3, s7;
	s7 =	simm.s32 @!p0 $0x108  }
0x21: {  	s3 =	sadd.s32 s3, s9;
	s6 =	sadd.s32 @!p0 $0x88, s6;
	s7 =	simm.s32 @p2 $0x1082  }
0x22: {  	[simem:s7], [sflag:s8] =	dma.local @!p0 [hbm:s6], $0xF7A  }
0x23: {  	s9 =	sor.u32 $0xD0000000, s2;
	s6 =	simm.s32 $0x108;
	_ =	swait.ge @!p0 [sflag:s8], $0x0  }
0x24: {  	s3 =	sadd.s32 $0x88, s3;
	s6 =	simm.s32 @!p1 $0x1082;
	[sflag:s4] =	ssyncset.s32 $0xFFFFF086  }
0x25: {  	[simem:s6], [sflag:s4] =	dma.local [hbm:s3], $0xF7A  }
0x26: {  	[smem:$0x3F94] =	sst s1;
	(tag) =	ssettag s2;
	_ =	strace s9  }
0x27: {  	s1 =	sld [smem:$0x3FA4]  }
0x28: {  	s2 =	sld [smem:$0x3FA5]  }
0x29: {  	s4 =	sld [smem:$0x3FA7]  }
0x2a: {  	p0 =	seq.s32 s5, $0x0;
	s5 =	sld [smem:$0x3FA8]  }
0x2b: {  	s6 =	sld [smem:$0x3FA9]  }
0x2c: {  	s7 =	sld [smem:$0x3FAA]  }
0x2d: {  	s3 =	simm.s32 $0x108;
	s8 =	sld [smem:$0x3FAB]  }
0x2e: {  	s3 =	simm.s32 @!p0 $0x1082;
	s9 =	sld [smem:$0x3FAC]  }
0x2f: {  	lr =	sadd.s32 s0, s3;
	s0 =	sld [smem:$0x3FA3]  }
0x30: {  	s3 =	sld [smem:$0x3FA6]  }
0x31: {  	[smem:$0x3FAF] =	sst s10  }
0x32: {  	s10 =	sld [smem:$0x3FAD];
	_ =	sdelay $0x3  }
0x33: {  	p0 =	seq.s32 s10, $0x1;
	s10 =	sld [smem:$0x3FAF];
	_ =	sdelay $0x3  }
0x34: {  	[smem:$0x3FAF] =	sst s10  }
0x35: {  	s10 =	sld [smem:$0x3FAE];
	_ =	sdelay $0x3  }
0x36: {  	p1 =	seq.s32 s10, $0x1;
	s10 =	sld [smem:$0x3FAF];
	_ =	sdelay $0x3  }
0x37: {  	[smem:$0x3FAF] =	sst s10  }
0x38: {  	s10 =	sld [smem:$0x3FB0]  }
0x39: {  	_ = 	snop;
	(pc) =	sbr.ind lr, $3  }
0x3a: {  	_ = 	snop  }
0x3b: {  	_ = 	snop  }
0x3c: {  	p2 =	seq.s32 s10, $0x1;
	s10 =	sld [smem:$0x3FAF]  }
0x3d: {  	_ =	shalt  }
0x3e: {  	_ =	shalt  }
0x3f: {  	_ =	shalt  }
0x40: {  	_ =	shalt  }
0x41: {  	_ =	shalt  }
0x42: {  	_ =	shalt  }
0x43: {  	_ =	shalt  }
0x44: {  	_ =	shalt  }
0x45: {  	_ =	shalt  }
0x46: {  	_ =	shalt  }
0x47: {  	_ =	shalt  }
0x48: {  	_ =	shalt  }
0x49: {  	_ =	shalt  }
0x4a: {  	_ =	shalt  }
0x4b: {  	_ =	shalt  }
0x4c: {  	_ =	shalt  }
0x4d: {  	_ =	shalt  }
0x4e: {  	_ =	shalt  }
0x4f: {  	_ =	shalt  }
0x50: {  	_ =	shalt  }
0x51: {  	_ =	shalt  }
0x52: {  	_ =	shalt  }
0x53: {  	_ =	shalt  }
0x54: {  	_ =	shalt  }
0x55: {  	_ =	shalt  }
0x56: {  	_ =	shalt  }
0x57: {  	_ =	shalt  }
0x58: {  	_ =	shalt  }
0x59: {  	_ =	shalt  }
0x5a: {  	_ =	shalt  }
0x5b: {  	_ =	shalt  }
0x5c: {  	_ =	shalt  }
0x5d: {  	_ =	shalt  }
0x5e: {  	_ =	shalt  }
0x5f: {  	_ =	shalt  }
0x60: {  	_ =	shalt  }
0x61: {  	_ =	shalt  }
0x62: {  	_ =	shalt  }
0x63: {  	_ =	shalt  }
0x64: {  	_ =	shalt  }
0x65: {  	_ =	shalt  }
0x66: {  	_ =	shalt  }
0x67: {  	_ =	shalt  }
0x68: {  	_ =	shalt  }
0x69: {  	_ =	shalt  }
0x6a: {  	_ =	shalt  }
0x6b: {  	_ =	shalt  }
0x6c: {  	_ =	shalt  }
0x6d: {  	_ =	shalt  }
0x6e: {  	_ =	shalt  }
0x6f: {  	_ =	shalt  }
0x70: {  	_ =	shalt  }
0x71: {  	_ =	shalt  }
0x72: {  	_ =	shalt  }
0x73: {  	_ =	shalt  }
0x74: {  	_ =	shalt  }
0x75: {  	_ =	shalt  }
0x76: {  	_ =	shalt  }
0x77: {  	_ =	shalt  }
0x78: {  	_ =	shalt  }
0x79: {  	_ =	shalt  }
0x7a: {  	_ =	shalt  }
0x7b: {  	_ =	shalt  }
0x7c: {  	_ =	shalt  }
0x7d: {  	_ =	shalt  }
0x7e: {  	_ =	shalt  }
0x7f: {  	_ =	shalt  }
0x80: {  	_ =	shalt  }
0x81: {  	_ =	shalt  }
0x82: {  	_ =	shalt  }
0x83: {  	_ =	shalt  }
0x84: {  	_ =	shalt  }
0x85: {  	_ =	shalt  }
0x86: {  	_ =	shalt  }
0x87: {  	_ =	shalt  }
.Lfunc_end0:
.L_simem_size_0:
called_computation_lowered:
.L_overlay_start_0:
0x88: {  	s2 =	sld [smem:$0x3FD9]  }
0x89: {  	s3 =	sld [smem:$0x3FFE];
	_ =	sdelay $0x1  }
0x8a: {  	s1 =	srdreg.scid  }
0x8b: {  	s0 =	sand.u32 $0x1, s1  }
0x8c: {  	s14 =	sshll.u32 s0, $0xA;
	s2 =	sadd.s32 s3, s2  }
0x8d: {  	s2 =	sadd.s32 s2, s14  }
0x8e: {  	[smem:$0x3FBB] =	sst s2  }
0x8f: {  	_ = 	snop  }
0x90: {  	s2 =	sld [smem:$0x3FD0];
	_ =	sdelay $0x2  }
0x91: {  	s4 =	simm.s32 $0xA;
	s5 =	simm.s32 $0x10;
	s15 =	sld [smem:$0x3FC5]  }
0x92: {  	[smem:s5], [sflag:s4] =	dma.local [hbm:s2], $0x1  }
0x93: {  	_ =	swait.eq [sflag:s4], $0x1  }
0x94: {  	[sflag:s4] =	ssyncset.done $0x0  }
0x95: {  	[sflag:s4] =	ssyncadd.s32 $0xFFFFFFFF  }
0x96: {  	s16 =	sld [smem:$0x11];
	(tm) =	ssettm $0x1  }
0x97: {  	s17 =	sld [smem:$0x3FFB];
	_ =	sdelay $0x3  }
0x98: {  	_ =	strace s17  }
0x99: {  	s4 =	sld [smem:$0x3FFC];
	_ =	sdelay $0x3  }
0x9a: {  	_ =	strace s4  }
0x9b: {  	s4 =	sld [smem:$0x3FFD];
	_ =	sdelay $0x3  }
0x9c: {  	_ =	strace s4  }
0x9d: {  	_ =	strace $0x8FFFFFFF  }
0x9e: {  	s18 =	sld [smem:$0x3FDB];
	_ =	sdelay $0x1  }
0x9f: {  	s19 =	simm.s32 $_scs_section_size  }
0xa0: {  	s6 =	simm.s32 $_size__tile_overlayer_lowered;
	s7 =	simm.s32 $_tile_overlayer_lowered  }
0xa1: {  	s22 =	simm.s32 $0x1BFF;
	s21 =	sshll.u32 s7, $0x1;
	s4 =	sadd.s32 s19, s18  }
0xa2: {  	s8 =	simm.s32 $0x0;
	s20 =	sshll.u32 s6, $0x1;
	s6 =	sadd.s32 s21, s4  }
0xa3: {  	[timem:s8], [sflag:s22] =	dma.local [hbm:s6], s20  }
0xa4: {  	_ =	swait.ge [sflag:s22], s20  }
0xa5: {  	s5 =	ssub.s32 $0x0, s20;
	[sflag:s22] =	ssyncset.done $0x0  }
0xa6: {  	[sflag:s22] =	ssyncadd.s32 s5;
	_ =	sdelay $0x1  }
0xa7: {  	s23 =	simm.s32 $0x1B8B  }
0xa8: {  	_ =	swait.ge [sflag:s23], $0x1  }
0xa9: {  	[sflag:s23] =	ssyncset.done $0x0  }
0xaa: {  	s25 =	simm.s32 $0x1B8E;
	s24 =	sld [smem:$0x3FFE];
	[sflag:s23] =	ssyncadd.s32 $0xFFFFFFFF  }
0xab: {  	s26 =	simm.s32 $execute0_lowered;
	[smem:$0x3FD2] =	sst s25  }
0xac: {  	s6 =	sshll.u32 s26, $0x1;
	_ =	strace $0x80000046;
	[dreg:$0x1] =	wrdreg $0xFFFFFFFF  }
0xad: {  	s28 =	simm.s32 $_size_execute0_lowered;
	s4 =	sadd.s32 s4, s6;
	[dreg:$0x0] =	wrdreg $0x0  }
0xae: {  	s6 =	sshll.u32 s28, $0x1;
	[dreg:$0x2] =	wrdreg s4  }
0xaf: {  	[dreg:$0x3] =	wrdreg s6  }
0xb0: {  	[dreg:$0x4] =	wrdreg $0xC0  }
0xb1: {  	_ =	task [dreg:s8], $0x5FFFF  }
0xb2: {  	[dreg:$0x1] =	wrdreg $0xFFFFFFFF  }
0xb3: {  	[dreg:$0x0] =	wrdreg $0x60  }
0xb4: {  	[dreg:$0x2] =	wrdreg s15  }
0xb5: {  	[dreg:$0x3] =	wrdreg s16  }
0xb6: {  	[dreg:$0x4] =	wrdreg s24  }
0xb7: {  	[dreg:$0x5] =	wrdreg $0x9  }
0xb8: {  	_ =	task.clear_ibuf [dreg:s8], $0x6FFFF;
	_ =	strace $0x90000046  }
0xb9: {  	s29 =	simm.s32 $0x9;
	_ =	strace $0x80000048  }
0xba: {  	_ =	swait.ge [sflag:s29], $0x1  }
0xbb: {  	[sflag:s29] =	ssyncadd.s32 $0xFFFFFFFF  }
0xbc: {  	_ =	strace $0x90000048  }
0xbd: {  	_ =	sfence  }
0xbe: {  	s30 =	sld [smem:$0x0];
	_ =	sdelay $0x2  }
0xbf: {  	s31 =	sshll.u32 s1, $0xD;
	s1 =	sshrl.u32 s1, $0x2  }
0xc0: {  	s3 =	sand.u32 $0x4000, s31;
	s1 =	sadd.s32 s1, s30  }
0xc1: {  	s0 =	sor.u32 s3, s0;
	s1 =	sshll.u32 s1, $0x11  }
0xc2: {  	s0 =	sor.u32 s1, s0  }
0xc3: {  	s0 =	sadd.s32 $0x8F2B, s0  }
0xc4: {  	[sflag:s0] =	ssyncadd.remote.s32 $0x1  }
0xc5: {  	_ =	sfence.sel $0xFFFF  }
0xc6: {  	[dreg:$0x0] =	wrdreg $0xFFFFFFFF;
	(pc) =	sbr.abs _section_cstart, $3  }
0xc7: {  	[dreg:$0x1] =	wrdreg $0xFFFFFFFF  }
0xc8: {  	_ =	task.clear_ibuf [dreg:s8], $0x2FFFF;
	_ =	strace $0x9FFFFFFF  }
0xc9: {  	(tm) =	ssettm $0x7FFFFFFF  }
tec
execute0_lowered:
.L_overlay_start_1:
0x0: {  	(tag) =	ssettag $0x1  }
0x1: {  	s1 =	rddreg [dreg:$0x0]  }
0x2: {  	s2 =	srdreg.scid;
	s0 =	stileid.u32  }
0x3: {  	s4 =	rddreg [dreg:$0x1];
	s18 =	sand.u32 $0x1, s2;
	s31 =	sshll.u32 s0, $0x1  }
0x4: {  	s10 =	rddreg [dreg:$0x2];
	s8 =	sor.u32 s18, s31  }
0x5: {  	s3 =	simm.s32 $0x0;
	s2 =	rddreg [dreg:$0x3];
	s5 =	smul.u32 $0x28, s8  }
0x6: {  	[smem:$0x7FF] =	sst s3  }
0x7: {  	_ =	strace $0x80000047;
	s4 =	sadd.s32 s4, s5;
	s5 =	simm.s32 $0x5  }
0x8: {  	[tilespmem:s3], [sflag:$0x5] =	stream.linear.gather [hbm4b:s4+s3], $0x140, $0x38;
	[tilespmem:$0x5140] =	vst v63  }
0x9: {  	_ =	swait.ge [sflag:s5], $0x140  }
0xa: {  	[sflag:s5] =	ssyncset.done $0x0  }
0xb: {  	s6 =	simm.s32 $0x50;
	s7 =	simm.s32 $0x140;
	[sflag:s5] =	ssyncadd.s32 $0xFFFFFEC0  }
0xc: {  	[tilespmem:s7], [sflag:$0x1] =	stream.indirect.gather [hbm4b:s1+s6], $0x80, s3, s6, $0xb8;
	[tilespmem:$0x5140] =	vst v63  }
0xd: {  	s9 =	simm.s32 $0x1;
	s11 =	smul.u32 $0x1400, s8;
	s8 =	simm.s32 $0x2940  }
0xe: {  	[tilespmem:s8], [sflag:$0x2] =	stream.indirect.gather [hbm4b:s1+s6], $0x80, s6, s6, $0xb8;
	[tilespmem:$0x5140] =	vst v63  }
0xf: {  	_ =	swait.ge [sflag:s9], $0x2800  }
0x10: {  	s19 =	sadd.s32 s11, s10;
	[sflag:s9] =	ssyncset.done $0x0  }
0x11: {  	s11 =	simm.s32 $0x3;
	s10 =	sadd.s32 $0xAE00, s19;
	[sflag:s9] =	ssyncadd.s32 $0xFFFFD800  }
0x12: {  	[hbm4b:s10+s3] =	stream.linear.scatter [tilespmem:s7], [sflag:$0x3], $0x2800, $0x38;
	[tilespmem:$0x5140] =	vst v63  }
0x13: {  	_ =	swait.ge [sflag:s11], $0x2800  }
0x14: {  	[sflag:s11] =	ssyncset.done $0x0  }
0x15: {  	s12 =	simm.s32 $0xA0;
	s13 =	simm.s32 $0x2;
	[sflag:s11] =	ssyncadd.s32 $0xFFFFD800  }
0x16: {  	[tilespmem:s7], [sflag:$0x1] =	stream.indirect.gather [hbm4b:s1+s6], $0x80, s12, s6, $0xb8;
	[tilespmem:$0x5140] =	vst v63  }
0x17: {  	_ =	swait.ge [sflag:s13], $0x2800  }
0x18: {  	[sflag:s13] =	ssyncset.done $0x0  }
0x19: {  	s14 =	simm.s32 $0x4;
	s15 =	sadd.s32 $0xB300, s19;
	[sflag:s13] =	ssyncadd.s32 $0xFFFFD800  }
0x1a: {  	[hbm4b:s15+s3] =	stream.linear.scatter [tilespmem:s8], [sflag:$0x4], $0x2800, $0x38;
	[tilespmem:$0x5140] =	vst v63  }
0x1b: {  	_ =	swait.ge [sflag:s14], $0x2800  }
0x1c: {  	[sflag:s14] =	ssyncset.done $0x0  }
0x1d: {  	s16 =	simm.s32 $0xF0;
	[sflag:s14] =	ssyncadd.s32 $0xFFFFD800  }
0x1e: {  	[tilespmem:s8], [sflag:$0x2] =	stream.indirect.gather [hbm4b:s1+s6], $0x80, s16, s6, $0xb8;
	[tilespmem:$0x5140] =	vst v63  }
0x1f: {  	_ =	swait.ge [sflag:s9], $0x2800  }
0x20: {  	[sflag:s9] =	ssyncset.done $0x0  }
0x21: {  	s18 =	ssub.s32 $0x2, s18;
	s17 =	sadd.s32 $0xB800, s19;
	[sflag:s9] =	ssyncadd.s32 $0xFFFFD800  }
0x22: {  	[hbm4b:s17+s3] =	stream.linear.scatter [tilespmem:s7], [sflag:$0x3], $0x2800, $0x38;
	[tilespmem:$0x5140] =	vst v63  }
0x23: {  	s20 =	sshrl.u32 s18, $0x1;
	_ =	swait.ge [sflag:s11], $0x2800  }
0x24: {  	s18 =	ssub.s32 s18, s20;
	[sflag:s11] =	ssyncset.done $0x0  }
0x25: {  	s20 =	smax.u32 s18, $0x1;
	[sflag:s11] =	ssyncadd.s32 $0xFFFFD800  }
0x26: {  	p0 =	sne.s32 s20, $0x1;
	_ =	swait.ge [sflag:s13], $0x2800  }
.Ltmp0:
0x27: {  	[sflag:s13] =	ssyncset.done $0x0;
	(pc) =	sbr.rel @!p0 .LBB2_2-.Ltmp0, $4  }
0x28: {  	s18 =	sadd.s32 $0xBD00, s19;
	[sflag:s13] =	ssyncadd.s32 $0xFFFFD800  }
0x29: {  	[hbm4b:s18+s3] =	stream.linear.scatter [tilespmem:s8], [sflag:$0x4], $0x2800, $0x38;
	[tilespmem:$0x5140] =	vst v63  }
0x2a: {  	_ =	swait.ge [sflag:s14], $0x2800  }
0x2b: {  	s19 =	sadd.s32 $0xFFFFFFFF, s20;
	[sflag:s14] =	ssyncset.done $0x0  }
.LBB2_1:
0x2c: {  	p0 =	sne.s32 s19, $0x1;
	s19 =	sadd.s32 $0xFFFFFFFF, s19;
	[sflag:s14] =	ssyncadd.s32 $0xFFFFD800  }
0x2d: {  	[tilespmem:s3], [sflag:$0x5] =	stream.linear.gather [hbm4b:s4+s3], $0x140, $0x38;
	[tilespmem:$0x5140] =	vst v63  }
0x2e: {  	_ =	swait.ge [sflag:s5], $0x140  }
0x2f: {  	[sflag:s5] =	ssyncset.done $0x0  }
0x30: {  	[sflag:s5] =	ssyncadd.s32 $0xFFFFFEC0  }
0x31: {  	[tilespmem:s7], [sflag:$0x1] =	stream.indirect.gather [hbm4b:s1+s6], $0x80, s3, s6, $0xb8;
	[tilespmem:$0x5140] =	vst v63  }
0x32: {  	_ = 	snop  }
0x33: {  	[tilespmem:s8], [sflag:$0x2] =	stream.indirect.gather [hbm4b:s1+s6], $0x80, s6, s6, $0xb8;
	[tilespmem:$0x5140] =	vst v63  }
0x34: {  	_ =	swait.ge [sflag:s9], $0x2800  }
0x35: {  	[sflag:s9] =	ssyncset.done $0x0  }
0x36: {  	[sflag:s9] =	ssyncadd.s32 $0xFFFFD800  }
0x37: {  	[hbm4b:s10+s3] =	stream.linear.scatter [tilespmem:s7], [sflag:$0x3], $0x2800, $0x38;
	[tilespmem:$0x5140] =	vst v63  }
0x38: {  	_ =	swait.ge [sflag:s11], $0x2800  }
0x39: {  	[sflag:s11] =	ssyncset.done $0x0  }
0x3a: {  	[sflag:s11] =	ssyncadd.s32 $0xFFFFD800  }
0x3b: {  	[tilespmem:s7], [sflag:$0x1] =	stream.indirect.gather [hbm4b:s1+s6], $0x80, s12, s6, $0xb8;
	[tilespmem:$0x5140] =	vst v63  }
0x3c: {  	_ =	swait.ge [sflag:s13], $0x2800  }
0x3d: {  	[sflag:s13] =	ssyncset.done $0x0  }
0x3e: {  	[sflag:s13] =	ssyncadd.s32 $0xFFFFD800  }
0x3f: {  	[hbm4b:s15+s3] =	stream.linear.scatter [tilespmem:s8], [sflag:$0x4], $0x2800, $0x38;
	[tilespmem:$0x5140] =	vst v63  }
0x40: {  	_ =	swait.ge [sflag:s14], $0x2800  }
0x41: {  	[sflag:s14] =	ssyncset.done $0x0  }
0x42: {  	[sflag:s14] =	ssyncadd.s32 $0xFFFFD800  }
0x43: {  	[tilespmem:s8], [sflag:$0x2] =	stream.indirect.gather [hbm4b:s1+s6], $0x80, s16, s6, $0xb8;
	[tilespmem:$0x5140] =	vst v63  }
0x44: {  	_ =	swait.ge [sflag:s9], $0x2800  }
0x45: {  	[sflag:s9] =	ssyncset.done $0x0  }
0x46: {  	[sflag:s9] =	ssyncadd.s32 $0xFFFFD800  }
0x47: {  	[hbm4b:s17+s3] =	stream.linear.scatter [tilespmem:s7], [sflag:$0x3], $0x2800, $0x38;
	[tilespmem:$0x5140] =	vst v63  }
0x48: {  	_ =	swait.ge [sflag:s11], $0x2800  }
0x49: {  	[sflag:s11] =	ssyncset.done $0x0  }
0x4a: {  	[sflag:s11] =	ssyncadd.s32 $0xFFFFD800  }
0x4b: {  	_ =	swait.ge [sflag:s13], $0x2800  }
.Ltmp1:
0x4c: {  	[sflag:s13] =	ssyncset.done $0x0;
	(pc) =	sbr.rel @p0 .LBB2_1-.Ltmp1, $4  }
0x4d: {  	[sflag:s13] =	ssyncadd.s32 $0xFFFFD800  }
0x4e: {  	[hbm4b:s18+s3] =	stream.linear.scatter [tilespmem:s8], [sflag:$0x4], $0x2800, $0x38;
	[tilespmem:$0x5140] =	vst v63  }
0x4f: {  	_ =	swait.ge [sflag:s14], $0x2800  }
0x50: {  	[sflag:s14] =	ssyncset.done $0x0  }
.LBB2_2:
0x51: {  	[sflag:s14] =	ssyncadd.s32 $0xFFFFD800  }
0x52: {  	_ =	sfence.sel $0x180000  }
0x53: {  	[bflag:$0x0] =	sbarrier.arrive $0xFFFF  }
0x54: {  	p0 =	sne.s32 s0, $0x0;
	_ =	strace $0x90000047  }
0x55: {  	s0 =	sadd.s32 @!p0 $0x100000, s2;
	[bflag:$0x2] =	sbarrier.arrive $0xFFFF  }
0x56: {  	[sflag:s0] =	ssyncadd.tile.s32 @!p0 $0x1;
	_ =	shalt  }
.Lfunc_end2:
_tile_overlayer_lowered:
.L_overlay_start_2:
0x57: {  	(tag) =	ssettag $0x2  }
0x58: {  	s0 =	rddreg [dreg:$0x0];
	s2 =	stileid.u32  }
0x59: {  	s1 =	rddreg [dreg:$0x1];
	p0 =	sne.s32 s2, $0x0  }
0x5a: {  	s3 =	rddreg [dreg:$0x2];
	[bflag:$0x3] =	sbarrier.arrive $0xFFFF;
	s2 =	simm.s32 @!p0 $0x1C05  }
0x5b: {  	[timem:s3], [sflag:s2] =	dma.local @!p0 [hbm:s0], s1  }
0x5c: {  	s0 =	simm.s32 @!p0 $0x5  }
0x5d: {  	_ =	swait.ge @!p0 [sflag:s0], s1  }
0x5e: {  	s1 =	ssub.s32 @!p0 $0x0, s1;
	[sflag:s0] =	ssyncset.done @!p0 $0x0  }
0x5f: {  	[sflag:s0] =	ssyncadd.s32 @!p0 s1  }
0x60: {  	[bflag:$0x3] =	sbarrier.arrive $0xFFFF  }
0x61: {  	_ =	shalt  }

// kernel: kernel.20.cloned.1.call-start
scs
__scs_entry_jumppad:
0x0: {  	(pc) =	sbr.rel $0x88, $3  }
0x1: {  	(tag) =	ssettag $0x0;
	lr =	simm.s32 $0x1  }
0x2: {  	[smem:$0x3F94] =	sst lr;
	_ =	strace $0xD0000000  }
0x3: {  	_ = 	snop  }
0x4: {  	_ = 	snop  }
0x5: {  	_ = 	snop  }
0x6: {  	_ = 	snop  }
0x7: {  	_ = 	snop  }
__scs_overlays_trampoline_lowered:
0x8: {  	[smem:$0x3FA3] =	sst s0  }
0x9: {  	[smem:$0x3FA4] =	sst s1  }
0xa: {  	[smem:$0x3FA5] =	sst s2  }
0xb: {  	[smem:$0x3FA6] =	sst s3  }
0xc: {  	[smem:$0x3FA7] =	sst s4  }
0xd: {  	[smem:$0x3FA8] =	sst s5  }
0xe: {  	[smem:$0x3FA9] =	sst s6  }
0xf: {  	[smem:$0x3FAA] =	sst s7  }
0x10: {  	[smem:$0x3FAB] =	sst s8  }
0x11: {  	[smem:$0x3FAC] =	sst s9;
	s0 =	simm.s32 @!p0 $0x0  }
0x12: {  	s1 =	sld [smem:$0x3F92];
	s0 =	simm.s32 @p0 $0x1  }
0x13: {  	[smem:$0x3FAD] =	sst s0;
	s0 =	simm.s32 @!p1 $0x0  }
0x14: {  	s2 =	sld [smem:$0x3F91];
	s0 =	simm.s32 @p1 $0x1  }
0x15: {  	[smem:$0x3FAE] =	sst s0;
	s0 =	simm.s32 @!p2 $0x0  }
0x16: {  	s3 =	sld [smem:$0x3FDB];
	s0 =	simm.s32 @p2 $0x1  }
0x17: {  	s4 =	simm.s32 $0x1BF5;
	[smem:$0x3FB0] =	sst s0  }
0x18: {  	s0 =	sld [smem:$0x3F93];
	_ =	swait.ge [sflag:s4], $0x0  }
0x19: {  	s7 =	sld [smem:$0x3F94]  }
0x1a: {  	s8 =	sadd.s32 $0xFFFFE003, lr  }
0x1b: {  	s9 =	sadd.s32 $0xFFFFFEF7, lr;
	s5 =	simm.s32 $0xFFFFFFFF;
	p2 =	slt.u32 s8, $0xFFFFF086  }
0x1c: {  	p1 =	slt.u32 s9, $0xF7A;
	s5 =	simm.s32 @!p2 $0x0  }
0x1d: {  	s5 =	simm.s32 @p1 $0x1;
	p0 =	seq.s32 s7, s2  }
0x1e: {  	s7 =	smul.u32 @!p0 $0xF7A, s2;
	p2 =	seq.s32 @!p0 s5, $0x0  }
0x1f: {  	s9 =	smul.u32 $0xF7A, s1;
	s8 =	simm.s32 @!p0 $0x1BF5;
	p2 =	por !p2, p0  }
0x20: {  	[sflag:s8] =	ssyncset.s32 @!p0 $0xFFFFF086;
	s6 =	sadd.s32 @!p0 s3, s7;
	s7 =	simm.s32 @!p0 $0x108  }
0x21: {  	s3 =	sadd.s32 s3, s9;
	s6 =	sadd.s32 @!p0 $0x88, s6;
	s7 =	simm.s32 @p2 $0x1082  }
0x22: {  	[simem:s7], [sflag:s8] =	dma.local @!p0 [hbm:s6], $0xF7A  }
0x23: {  	s9 =	sor.u32 $0xD0000000, s2;
	s6 =	simm.s32 $0x108;
	_ =	swait.ge @!p0 [sflag:s8], $0x0  }
0x24: {  	s3 =	sadd.s32 $0x88, s3;
	s6 =	simm.s32 @!p1 $0x1082;
	[sflag:s4] =	ssyncset.s32 $0xFFFFF086  }
0x25: {  	[simem:s6], [sflag:s4] =	dma.local [hbm:s3], $0xF7A  }
0x26: {  	[smem:$0x3F94] =	sst s1;
	(tag) =	ssettag s2;
	_ =	strace s9  }
0x27: {  	s1 =	sld [smem:$0x3FA4]  }
0x28: {  	s2 =	sld [smem:$0x3FA5]  }
0x29: {  	s4 =	sld [smem:$0x3FA7]  }
0x2a: {  	p0 =	seq.s32 s5, $0x0;
	s5 =	sld [smem:$0x3FA8]  }
0x2b: {  	s6 =	sld [smem:$0x3FA9]  }
0x2c: {  	s7 =	sld [smem:$0x3FAA]  }
0x2d: {  	s3 =	simm.s32 $0x108;
	s8 =	sld [smem:$0x3FAB]  }
0x2e: {  	s3 =	simm.s32 @!p0 $0x1082;
	s9 =	sld [smem:$0x3FAC]  }
0x2f: {  	lr =	sadd.s32 s0, s3;
	s0 =	sld [smem:$0x3FA3]  }
0x30: {  	s3 =	sld [smem:$0x3FA6]  }
0x31: {  	[smem:$0x3FAF] =	sst s10  }
0x32: {  	s10 =	sld [smem:$0x3FAD];
	_ =	sdelay $0x3  }
0x33: {  	p0 =	seq.s32 s10, $0x1;
	s10 =	sld [smem:$0x3FAF];
	_ =	sdelay $0x3  }
0x34: {  	[smem:$0x3FAF] =	sst s10  }
0x35: {  	s10 =	sld [smem:$0x3FAE];
	_ =	sdelay $0x3  }
0x36: {  	p1 =	seq.s32 s10, $0x1;
	s10 =	sld [smem:$0x3FAF];
	_ =	sdelay $0x3  }
0x37: {  	[smem:$0x3FAF] =	sst s10  }
0x38: {  	s10 =	sld [smem:$0x3FB0]  }
0x39: {  	_ = 	snop;
	(pc) =	sbr.ind lr, $3  }
0x3a: {  	_ = 	snop  }
0x3b: {  	_ = 	snop  }
0x3c: {  	p2 =	seq.s32 s10, $0x1;
	s10 =	sld [smem:$0x3FAF]  }
0x3d: {  	_ =	shalt  }
0x3e: {  	_ =	shalt  }
0x3f: {  	_ =	shalt  }
0x40: {  	_ =	shalt  }
0x41: {  	_ =	shalt  }
0x42: {  	_ =	shalt  }
0x43: {  	_ =	shalt  }
0x44: {  	_ =	shalt  }
0x45: {  	_ =	shalt  }
0x46: {  	_ =	shalt  }
0x47: {  	_ =	shalt  }
0x48: {  	_ =	shalt  }
0x49: {  	_ =	shalt  }
0x4a: {  	_ =	shalt  }
0x4b: {  	_ =	shalt  }
0x4c: {  	_ =	shalt  }
0x4d: {  	_ =	shalt  }
0x4e: {  	_ =	shalt  }
0x4f: {  	_ =	shalt  }
0x50: {  	_ =	shalt  }
0x51: {  	_ =	shalt  }
0x52: {  	_ =	shalt  }
0x53: {  	_ =	shalt  }
0x54: {  	_ =	shalt  }
0x55: {  	_ =	shalt  }
0x56: {  	_ =	shalt  }
0x57: {  	_ =	shalt  }
0x58: {  	_ =	shalt  }
0x59: {  	_ =	shalt  }
0x5a: {  	_ =	shalt  }
0x5b: {  	_ =	shalt  }
0x5c: {  	_ =	shalt  }
0x5d: {  	_ =	shalt  }
0x5e: {  	_ =	shalt  }
0x5f: {  	_ =	shalt  }
0x60: {  	_ =	shalt  }
0x61: {  	_ =	shalt  }
0x62: {  	_ =	shalt  }
0x63: {  	_ =	shalt  }
0x64: {  	_ =	shalt  }
0x65: {  	_ =	shalt  }
0x66: {  	_ =	shalt  }
0x67: {  	_ =	shalt  }
0x68: {  	_ =	shalt  }
0x69: {  	_ =	shalt  }
0x6a: {  	_ =	shalt  }
0x6b: {  	_ =	shalt  }
0x6c: {  	_ =	shalt  }
0x6d: {  	_ =	shalt  }
0x6e: {  	_ =	shalt  }
0x6f: {  	_ =	shalt  }
0x70: {  	_ =	shalt  }
0x71: {  	_ =	shalt  }
0x72: {  	_ =	shalt  }
0x73: {  	_ =	shalt  }
0x74: {  	_ =	shalt  }
0x75: {  	_ =	shalt  }
0x76: {  	_ =	shalt  }
0x77: {  	_ =	shalt  }
0x78: {  	_ =	shalt  }
0x79: {  	_ =	shalt  }
0x7a: {  	_ =	shalt  }
0x7b: {  	_ =	shalt  }
0x7c: {  	_ =	shalt  }
0x7d: {  	_ =	shalt  }
0x7e: {  	_ =	shalt  }
0x7f: {  	_ =	shalt  }
0x80: {  	_ =	shalt  }
0x81: {  	_ =	shalt  }
0x82: {  	_ =	shalt  }
0x83: {  	_ =	shalt  }
0x84: {  	_ =	shalt  }
0x85: {  	_ =	shalt  }
0x86: {  	_ =	shalt  }
0x87: {  	_ =	shalt  }
.Lfunc_end0:
.L_simem_size_0:
called_computation.1_lowered:
.L_overlay_start_0:
0x88: {  	s2 =	sld [smem:$0x3FD9]  }
0x89: {  	s3 =	sld [smem:$0x3FFE];
	_ =	sdelay $0x1  }
0x8a: {  	s1 =	srdreg.scid  }
0x8b: {  	s0 =	sand.u32 $0x1, s1  }
0x8c: {  	s16 =	sshll.u32 s0, $0xA;
	s2 =	sadd.s32 s3, s2  }
0x8d: {  	s2 =	sadd.s32 s2, s16  }
0x8e: {  	[smem:$0x3FBB] =	sst s2  }
0x8f: {  	_ = 	snop  }
0x90: {  	(tm) =	ssettm $0x1  }
0x91: {  	s17 =	sld [smem:$0x3FFB];
	_ =	sdelay $0x3  }
0x92: {  	_ =	strace s17  }
0x93: {  	s2 =	sld [smem:$0x3FFC];
	_ =	sdelay $0x3  }
0x94: {  	_ =	strace s2  }
0x95: {  	s2 =	sld [smem:$0x3FFD];
	_ =	sdelay $0x3  }
0x96: {  	_ =	strace s2  }
0x97: {  	_ =	strace $0x8FFFFFFF  }
0x98: {  	s18 =	sld [smem:$0x3FDB];
	_ =	sdelay $0x1  }
0x99: {  	s19 =	simm.s32 $_scs_section_size  }
0x9a: {  	s4 =	simm.s32 $_size__tile_overlayer_lowered;
	s5 =	simm.s32 $_tile_overlayer_lowered  }
0x9b: {  	s22 =	simm.s32 $0x1BFF;
	s21 =	sshll.u32 s5, $0x1;
	s2 =	sadd.s32 s19, s18  }
0x9c: {  	s6 =	simm.s32 $0x0;
	s20 =	sshll.u32 s4, $0x1;
	s4 =	sadd.s32 s21, s2  }
0x9d: {  	[timem:s6], [sflag:s22] =	dma.local [hbm:s4], s20  }
0x9e: {  	_ =	swait.ge [sflag:s22], s20  }
0x9f: {  	s3 =	ssub.s32 $0x0, s20;
	[sflag:s22] =	ssyncset.done $0x0  }
0xa0: {  	[sflag:s22] =	ssyncadd.s32 s3;
	_ =	sdelay $0x1  }
0xa1: {  	s23 =	simm.s32 $0x1B8B  }
0xa2: {  	_ =	swait.ge [sflag:s23], $0x1  }
0xa3: {  	[sflag:s23] =	ssyncset.done $0x0  }
0xa4: {  	s25 =	simm.s32 $0x1B8E;
	s24 =	sld [smem:$0x3FFE];
	[sflag:s23] =	ssyncadd.s32 $0xFFFFFFFF  }
0xa5: {  	s26 =	simm.s32 $execute0_lowered;
	[smem:$0x3FD2] =	sst s25  }
0xa6: {  	s4 =	sshll.u32 s26, $0x1;
	_ =	strace $0x80000049;
	[dreg:$0x1] =	wrdreg $0xFFFFFFFF  }
0xa7: {  	s28 =	simm.s32 $_size_execute0_lowered;
	s2 =	sadd.s32 s2, s4;
	[dreg:$0x0] =	wrdreg $0x0  }
0xa8: {  	s4 =	sshll.u32 s28, $0x1;
	[dreg:$0x2] =	wrdreg s2  }
0xa9: {  	[dreg:$0x3] =	wrdreg s4  }
0xaa: {  	[dreg:$0x4] =	wrdreg $0xC0  }
0xab: {  	_ =	task [dreg:s6], $0x5FFFF  }
0xac: {  	[dreg:$0x1] =	wrdreg $0xFFFFFFFF  }
0xad: {  	[dreg:$0x0] =	wrdreg $0x60  }
0xae: {  	[dreg:$0x2] =	wrdreg s24  }
0xaf: {  	[dreg:$0x3] =	wrdreg $0x9  }
0xb0: {  	_ =	task.clear_ibuf [dreg:s6], $0x4FFFF;
	_ =	strace $0x90000049  }
0xb1: {  	s29 =	simm.s32 $0x9;
	_ =	strace $0x8000004B  }
0xb2: {  	_ =	swait.ge [sflag:s29], $0x1  }
0xb3: {  	[sflag:s29] =	ssyncadd.s32 $0xFFFFFFFF  }
0xb4: {  	_ =	strace $0x9000004B  }
0xb5: {  	_ =	sfence  }
0xb6: {  	s30 =	sld [smem:$0x0];
	_ =	sdelay $0x2  }
0xb7: {  	s31 =	sshll.u32 s1, $0xD;
	s1 =	sshrl.u32 s1, $0x2  }
0xb8: {  	s3 =	sand.u32 $0x4000, s31;
	s1 =	sadd.s32 s1, s30  }
0xb9: {  	s0 =	sor.u32 s3, s0;
	s1 =	sshll.u32 s1, $0x11  }
0xba: {  	s0 =	sor.u32 s1, s0  }
0xbb: {  	s0 =	sadd.s32 $0x8F2B, s0  }
0xbc: {  	[sflag:s0] =	ssyncadd.remote.s32 $0x1  }
0xbd: {  	_ =	sfence.sel $0xFFFF  }
0xbe: {  	[dreg:$0x0] =	wrdreg $0xFFFFFFFF;
	(pc) =	sbr.abs _section_cstart, $3  }
0xbf: {  	[dreg:$0x1] =	wrdreg $0xFFFFFFFF  }
0xc0: {  	_ =	task.clear_ibuf [dreg:s6], $0x2FFFF;
	_ =	strace $0x9FFFFFFF  }
0xc1: {  	(tm) =	ssettm $0x7FFFFFFF  }
tec
execute0_lowered:
.L_overlay_start_1:
0x0: {  	(tag) =	ssettag $0x1  }
0x1: {  	s1 =	srdreg.scid  }
0x2: {  	s0 =	stileid.u32;
	s4 =	rddreg [dreg:$0x0]  }
0x3: {  	s2 =	simm.s32 $0x0;
	s14 =	simm.s32 $0x1;
	s15 =	simm.s32 $0x3  }
0x4: {  	s16 =	simm.s32 $0x2;
	s17 =	simm.s32 $0x4;
	s11 =	smul.u32 $0x28000, s0  }
0x5: {  	s18 =	simm.s32 $0x0;
	s6 =	sand.u32 $0x1, s1;
	s28 =	smul.u32 $0x140000, s0  }
0x6: {  	s3 =	sshll.u32 s0, $0x1;
	[smem:$0x7FF] =	sst s2;
	s13 =	smul.u32 $0xA0000, s6  }
0x7: {  	s12 =	sadd.s32 $0x2BCE00, s4;
	s5 =	sor.u32 s6, s3;
	s30 =	smul.u32 $0x14000, s6  }
0x8: {  	s1 =	rddreg [dreg:$0x1];
	_ =	strace $0x8000004A;
	s7 =	smul.u32 $0x500, s5  }
0x9: {  	s3 =	sadd.s32 $0x35200, s4;
	s9 =	ssub.s32 $0x2, s6;
	s8 =	smul.u32 $0xA0000, s5  }
0xa: {  	s10 =	smul.u32 $0x14000, s5;
	s26 =	sshrl.u32 s9, $0x1;
	s31 =	sadd.s32 s11, s12  }
0xb: {  	s11 =	simm.s32 $0x80;
	s25 =	sadd.s32 s7, s4;
	s7 =	ssub.s32 s9, s26  }
0xc: {  	s8 =	sshrl.u32 s8, $0x3;
	s9 =	sadd.s32 s13, s28;
	s10 =	sadd.s32 s10, s12  }
0xd: {  	s13 =	simm.s32 $0x4800;
	s4 =	sadd.s32 $0x2B2E00, s25;
	s5 =	smax.u32 s7, $0x1  }
0xe: {  	s29 =	sadd.s32 s12, s8;
	s8 =	sadd.s32 s30, s31;
	s9 =	sshrl.u32 s9, $0x3  }
0xf: {  	s7 =	sadd.s32 $0x13C00, s10;
	s10 =	simm.s32 $0x5;
	s6 =	sadd.s32 $0x13800, s29  }
0x10: {  	s8 =	sadd.s32 $0x400, s8;
	s9 =	sadd.s32 s9, s12;
	s12 =	simm.s32 $0x2800  }
.LBB2_1:
0x11: {  	[tilespmem:s2], [sflag:$0x5] =	stream.linear.gather [hbm4b:s4+s2], $0x2800, $0x38;
	[tilespmem:$0x6800] =	vst v63  }
0x12: {  	_ =	swait.ge [sflag:s10], $0x2800  }
0x13: {  	[sflag:s10] =	ssyncset.done $0x0  }
0x14: {  	[sflag:s10] =	ssyncadd.s32 $0xFFFFD800  }
0x15: {  	[tilespmem:s12], [sflag:$0x1] =	stream.indirect.gather [hbm4b:s3+s11], $0x40, s2, s11, $0xb8;
	[tilespmem:$0x6800] =	vst v63  }
0x16: {  	_ = 	snop  }
0x17: {  	[tilespmem:s13], [sflag:$0x2] =	stream.indirect.gather [hbm4b:s3+s11], $0x40, s11, s11, $0xb8;
	[tilespmem:$0x6800] =	vst v63  }
0x18: {  	_ =	swait.ge [sflag:s14], $0x2000  }
0x19: {  	[sflag:s14] =	ssyncset.done $0x0  }
0x1a: {  	s19 =	sadd.s32 $0x0, s9;
	[sflag:s14] =	ssyncadd.s32 $0xFFFFE000  }
0x1b: {  	[hbm4b:s19+s2] =	stream.linear.scatter [tilespmem:s12], [sflag:$0x3], $0x2000, $0x38;
	[tilespmem:$0x6800] =	vst v63  }
0x1c: {  	_ =	swait.ge [sflag:s15], $0x2000  }
0x1d: {  	[sflag:s15] =	ssyncset.done $0x0  }
0x1e: {  	s30 =	simm.s32 $0x100;
	[sflag:s15] =	ssyncadd.s32 $0xFFFFE000  }
0x1f: {  	[tilespmem:s12], [sflag:$0x1] =	stream.indirect.gather [hbm4b:s3+s11], $0x40, s30, s11, $0xb8;
	[tilespmem:$0x6800] =	vst v63  }
0x20: {  	_ =	swait.ge [sflag:s16], $0x2000  }
0x21: {  	[sflag:s16] =	ssyncset.done $0x0  }
0x22: {  	s31 =	sadd.s32 $0x0, s8;
	[sflag:s16] =	ssyncadd.s32 $0xFFFFE000  }
0x23: {  	[hbm4b:s31+s2] =	stream.linear.scatter [tilespmem:s13], [sflag:$0x4], $0x2000, $0x38;
	[tilespmem:$0x6800] =	vst v63  }
0x24: {  	_ =	swait.ge [sflag:s17], $0x2000  }
0x25: {  	s20 =	simm.s32 $0x800;
	[sflag:s17] =	ssyncset.done $0x0  }
0x26: {  	s21 =	simm.s32 $0x280;
	s19 =	simm.s32 $0x180;
	[sflag:s17] =	ssyncadd.s32 $0xFFFFE000  }
.LBB2_2:
0x27: {  	[tilespmem:s13], [sflag:$0x2] =	stream.indirect.gather [hbm4b:s3+s11], $0x40, s19, s11, $0xb8;
	[tilespmem:$0x6800] =	vst v63  }
0x28: {  	s22 =	smov.u32 s20;
	s19 =	smov.u32 s21  }
0x29: {  	p0 =	sne.s32 s20, $0x13000;
	s20 =	sadd.s32 $0x800, s20;
	_ =	swait.ge [sflag:s14], $0x2000  }
0x2a: {  	[sflag:s14] =	ssyncset.done $0x0  }
0x2b: {  	s23 =	sadd.s32 s22, s9;
	[sflag:s14] =	ssyncadd.s32 $0xFFFFE000  }
0x2c: {  	[hbm4b:s23+s2] =	stream.linear.scatter [tilespmem:s12], [sflag:$0x3], $0x2000, $0x38;
	[tilespmem:$0x6800] =	vst v63  }
0x2d: {  	_ =	swait.ge [sflag:s15], $0x2000  }
0x2e: {  	[sflag:s15] =	ssyncset.done $0x0  }
0x2f: {  	s23 =	sadd.s32 $0xFFFFFF80, s21;
	[sflag:s15] =	ssyncadd.s32 $0xFFFFE000  }
0x30: {  	[tilespmem:s12], [sflag:$0x1] =	stream.indirect.gather [hbm4b:s3+s11], $0x40, s23, s11, $0xb8;
	[tilespmem:$0x6800] =	vst v63  }
0x31: {  	_ =	swait.ge [sflag:s16], $0x2000  }
0x32: {  	[sflag:s16] =	ssyncset.done $0x0  }
.Ltmp0:
0x33: {  	s22 =	sadd.s32 s22, s8;
	[sflag:s16] =	ssyncadd.s32 $0xFFFFE000;
	(pc) =	sbr.rel @p0 .LBB2_2-.Ltmp0, $4  }
0x34: {  	[hbm4b:s22+s2] =	stream.linear.scatter [tilespmem:s13], [sflag:$0x4], $0x2000, $0x38;
	[tilespmem:$0x6800] =	vst v63  }
0x35: {  	_ =	swait.ge [sflag:s17], $0x2000  }
0x36: {  	[sflag:s17] =	ssyncset.done $0x0  }
0x37: {  	s21 =	sadd.s32 $0x100, s21;
	[sflag:s17] =	ssyncadd.s32 $0xFFFFE000  }
0x38: {  	[tilespmem:s13], [sflag:$0x2] =	stream.indirect.gather [hbm4b:s3+s11], $0x40, s19, s11, $0xb8;
	[tilespmem:$0x6800] =	vst v63  }
0x39: {  	_ =	swait.ge [sflag:s14], $0x2000  }
0x3a: {  	[sflag:s14] =	ssyncset.done $0x0  }
0x3b: {  	[sflag:s14] =	ssyncadd.s32 $0xFFFFE000  }
0x3c: {  	[hbm4b:s6+s2] =	stream.linear.scatter [tilespmem:s12], [sflag:$0x3], $0x2000, $0x38;
	[tilespmem:$0x6800] =	vst v63  }
0x3d: {  	_ =	swait.ge [sflag:s15], $0x2000  }
0x3e: {  	[sflag:s15] =	ssyncset.done $0x0  }
0x3f: {  	[sflag:s15] =	ssyncadd.s32 $0xFFFFE000  }
0x40: {  	s18 =	sadd.s32 $0x1, s18;
	_ =	swait.ge [sflag:s16], $0x2000  }
0x41: {  	p0 =	sne.s32 s18, s5;
	[sflag:s16] =	ssyncset.done $0x0  }
.Ltmp1:
0x42: {  	[sflag:s16] =	ssyncadd.s32 $0xFFFFE000;
	(pc) =	sbr.rel @p0 .LBB2_1-.Ltmp1, $4  }
0x43: {  	[hbm4b:s7+s2] =	stream.linear.scatter [tilespmem:s13], [sflag:$0x4], $0x2000, $0x38;
	[tilespmem:$0x6800] =	vst v63  }
0x44: {  	_ =	swait.ge [sflag:s17], $0x2000  }
0x45: {  	[sflag:s17] =	ssyncset.done $0x0  }
0x46: {  	[sflag:s17] =	ssyncadd.s32 $0xFFFFE000  }
0x47: {  	_ =	sfence.sel $0x180000  }
0x48: {  	[bflag:$0x0] =	sbarrier.arrive $0xFFFF  }
0x49: {  	p0 =	sne.s32 s0, $0x0;
	_ =	strace $0x9000004A  }
0x4a: {  	s0 =	sadd.s32 @!p0 $0x100000, s1;
	[bflag:$0x2] =	sbarrier.arrive $0xFFFF  }
0x4b: {  	[sflag:s0] =	ssyncadd.tile.s32 @!p0 $0x1;
	_ =	shalt  }
.Lfunc_end2:
_tile_overlayer_lowered:
.L_overlay_start_2:
0x4c: {  	(tag) =	ssettag $0x2  }
0x4d: {  	s0 =	rddreg [dreg:$0x0];
	s2 =	stileid.u32  }
0x4e: {  	s1 =	rddreg [dreg:$0x1];
	p0 =	sne.s32 s2, $0x0  }
0x4f: {  	s3 =	rddreg [dreg:$0x2];
	[bflag:$0x3] =	sbarrier.arrive $0xFFFF;
	s2 =	simm.s32 @!p0 $0x1C05  }
0x50: {  	[timem:s3], [sflag:s2] =	dma.local @!p0 [hbm:s0], s1  }
0x51: {  	s0 =	simm.s32 @!p0 $0x5  }
0x52: {  	_ =	swait.ge @!p0 [sflag:s0], s1  }
0x53: {  	s1 =	ssub.s32 @!p0 $0x0, s1;
	[sflag:s0] =	ssyncset.done @!p0 $0x0  }
0x54: {  	[sflag:s0] =	ssyncadd.s32 @!p0 s1  }
0x55: {  	[bflag:$0x3] =	sbarrier.arrive $0xFFFF  }
0x56: {  	_ =	shalt  }

// kernel: kernel.23.cloned.1.call-start
scs
__scs_entry_jumppad:
0x0: {  	(pc) =	sbr.rel $0x88, $3  }
0x1: {  	(tag) =	ssettag $0x0;
	lr =	simm.s32 $0x1  }
0x2: {  	[smem:$0x3F94] =	sst lr;
	_ =	strace $0xD0000000  }
0x3: {  	_ = 	snop  }
0x4: {  	_ = 	snop  }
0x5: {  	_ = 	snop  }
0x6: {  	_ = 	snop  }
0x7: {  	_ = 	snop  }
__scs_overlays_trampoline_lowered:
0x8: {  	[smem:$0x3FA3] =	sst s0  }
0x9: {  	[smem:$0x3FA4] =	sst s1  }
0xa: {  	[smem:$0x3FA5] =	sst s2  }
0xb: {  	[smem:$0x3FA6] =	sst s3  }
0xc: {  	[smem:$0x3FA7] =	sst s4  }
0xd: {  	[smem:$0x3FA8] =	sst s5  }
0xe: {  	[smem:$0x3FA9] =	sst s6  }
0xf: {  	[smem:$0x3FAA] =	sst s7  }
0x10: {  	[smem:$0x3FAB] =	sst s8  }
0x11: {  	[smem:$0x3FAC] =	sst s9;
	s0 =	simm.s32 @!p0 $0x0  }
0x12: {  	s1 =	sld [smem:$0x3F92];
	s0 =	simm.s32 @p0 $0x1  }
0x13: {  	[smem:$0x3FAD] =	sst s0;
	s0 =	simm.s32 @!p1 $0x0  }
0x14: {  	s2 =	sld [smem:$0x3F91];
	s0 =	simm.s32 @p1 $0x1  }
0x15: {  	[smem:$0x3FAE] =	sst s0;
	s0 =	simm.s32 @!p2 $0x0  }
0x16: {  	s3 =	sld [smem:$0x3FDB];
	s0 =	simm.s32 @p2 $0x1  }
0x17: {  	s4 =	simm.s32 $0x1BF5;
	[smem:$0x3FB0] =	sst s0  }
0x18: {  	s0 =	sld [smem:$0x3F93];
	_ =	swait.ge [sflag:s4], $0x0  }
0x19: {  	s7 =	sld [smem:$0x3F94]  }
0x1a: {  	s8 =	sadd.s32 $0xFFFFE003, lr  }
0x1b: {  	s9 =	sadd.s32 $0xFFFFFEF7, lr;
	s5 =	simm.s32 $0xFFFFFFFF;
	p2 =	slt.u32 s8, $0xFFFFF086  }
0x1c: {  	p1 =	slt.u32 s9, $0xF7A;
	s5 =	simm.s32 @!p2 $0x0  }
0x1d: {  	s5 =	simm.s32 @p1 $0x1;
	p0 =	seq.s32 s7, s2  }
0x1e: {  	s7 =	smul.u32 @!p0 $0xF7A, s2;
	p2 =	seq.s32 @!p0 s5, $0x0  }
0x1f: {  	s9 =	smul.u32 $0xF7A, s1;
	s8 =	simm.s32 @!p0 $0x1BF5;
	p2 =	por !p2, p0  }
0x20: {  	[sflag:s8] =	ssyncset.s32 @!p0 $0xFFFFF086;
	s6 =	sadd.s32 @!p0 s3, s7;
	s7 =	simm.s32 @!p0 $0x108  }
0x21: {  	s3 =	sadd.s32 s3, s9;
	s6 =	sadd.s32 @!p0 $0x88, s6;
	s7 =	simm.s32 @p2 $0x1082  }
0x22: {  	[simem:s7], [sflag:s8] =	dma.local @!p0 [hbm:s6], $0xF7A  }
0x23: {  	s9 =	sor.u32 $0xD0000000, s2;
	s6 =	simm.s32 $0x108;
	_ =	swait.ge @!p0 [sflag:s8], $0x0  }
0x24: {  	s3 =	sadd.s32 $0x88, s3;
	s6 =	simm.s32 @!p1 $0x1082;
	[sflag:s4] =	ssyncset.s32 $0xFFFFF086  }
0x25: {  	[simem:s6], [sflag:s4] =	dma.local [hbm:s3], $0xF7A  }
0x26: {  	[smem:$0x3F94] =	sst s1;
	(tag) =	ssettag s2;
	_ =	strace s9  }
0x27: {  	s1 =	sld [smem:$0x3FA4]  }
0x28: {  	s2 =	sld [smem:$0x3FA5]  }
0x29: {  	s4 =	sld [smem:$0x3FA7]  }
0x2a: {  	p0 =	seq.s32 s5, $0x0;
	s5 =	sld [smem:$0x3FA8]  }
0x2b: {  	s6 =	sld [smem:$0x3FA9]  }
0x2c: {  	s7 =	sld [smem:$0x3FAA]  }
0x2d: {  	s3 =	simm.s32 $0x108;
	s8 =	sld [smem:$0x3FAB]  }
0x2e: {  	s3 =	simm.s32 @!p0 $0x1082;
	s9 =	sld [smem:$0x3FAC]  }
0x2f: {  	lr =	sadd.s32 s0, s3;
	s0 =	sld [smem:$0x3FA3]  }
0x30: {  	s3 =	sld [smem:$0x3FA6]  }
0x31: {  	[smem:$0x3FAF] =	sst s10  }
0x32: {  	s10 =	sld [smem:$0x3FAD];
	_ =	sdelay $0x3  }
0x33: {  	p0 =	seq.s32 s10, $0x1;
	s10 =	sld [smem:$0x3FAF];
	_ =	sdelay $0x3  }
0x34: {  	[smem:$0x3FAF] =	sst s10  }
0x35: {  	s10 =	sld [smem:$0x3FAE];
	_ =	sdelay $0x3  }
0x36: {  	p1 =	seq.s32 s10, $0x1;
	s10 =	sld [smem:$0x3FAF];
	_ =	sdelay $0x3  }
0x37: {  	[smem:$0x3FAF] =	sst s10  }
0x38: {  	s10 =	sld [smem:$0x3FB0]  }
0x39: {  	_ = 	snop;
	(pc) =	sbr.ind lr, $3  }
0x3a: {  	_ = 	snop  }
0x3b: {  	_ = 	snop  }
0x3c: {  	p2 =	seq.s32 s10, $0x1;
	s10 =	sld [smem:$0x3FAF]  }
0x3d: {  	_ =	shalt  }
0x3e: {  	_ =	shalt  }
0x3f: {  	_ =	shalt  }
0x40: {  	_ =	shalt  }
0x41: {  	_ =	shalt  }
0x42: {  	_ =	shalt  }
0x43: {  	_ =	shalt  }
0x44: {  	_ =	shalt  }
0x45: {  	_ =	shalt  }
0x46: {  	_ =	shalt  }
0x47: {  	_ =	shalt  }
0x48: {  	_ =	shalt  }
0x49: {  	_ =	shalt  }
0x4a: {  	_ =	shalt  }
0x4b: {  	_ =	shalt  }
0x4c: {  	_ =	shalt  }
0x4d: {  	_ =	shalt  }
0x4e: {  	_ =	shalt  }
0x4f: {  	_ =	shalt  }
0x50: {  	_ =	shalt  }
0x51: {  	_ =	shalt  }
0x52: {  	_ =	shalt  }
0x53: {  	_ =	shalt  }
0x54: {  	_ =	shalt  }
0x55: {  	_ =	shalt  }
0x56: {  	_ =	shalt  }
0x57: {  	_ =	shalt  }
0x58: {  	_ =	shalt  }
0x59: {  	_ =	shalt  }
0x5a: {  	_ =	shalt  }
0x5b: {  	_ =	shalt  }
0x5c: {  	_ =	shalt  }
0x5d: {  	_ =	shalt  }
0x5e: {  	_ =	shalt  }
0x5f: {  	_ =	shalt  }
0x60: {  	_ =	shalt  }
0x61: {  	_ =	shalt  }
0x62: {  	_ =	shalt  }
0x63: {  	_ =	shalt  }
0x64: {  	_ =	shalt  }
0x65: {  	_ =	shalt  }
0x66: {  	_ =	shalt  }
0x67: {  	_ =	shalt  }
0x68: {  	_ =	shalt  }
0x69: {  	_ =	shalt  }
0x6a: {  	_ =	shalt  }
0x6b: {  	_ =	shalt  }
0x6c: {  	_ =	shalt  }
0x6d: {  	_ =	shalt  }
0x6e: {  	_ =	shalt  }
0x6f: {  	_ =	shalt  }
0x70: {  	_ =	shalt  }
0x71: {  	_ =	shalt  }
0x72: {  	_ =	shalt  }
0x73: {  	_ =	shalt  }
0x74: {  	_ =	shalt  }
0x75: {  	_ =	shalt  }
0x76: {  	_ =	shalt  }
0x77: {  	_ =	shalt  }
0x78: {  	_ =	shalt  }
0x79: {  	_ =	shalt  }
0x7a: {  	_ =	shalt  }
0x7b: {  	_ =	shalt  }
0x7c: {  	_ =	shalt  }
0x7d: {  	_ =	shalt  }
0x7e: {  	_ =	shalt  }
0x7f: {  	_ =	shalt  }
0x80: {  	_ =	shalt  }
0x81: {  	_ =	shalt  }
0x82: {  	_ =	shalt  }
0x83: {  	_ =	shalt  }
0x84: {  	_ =	shalt  }
0x85: {  	_ =	shalt  }
0x86: {  	_ =	shalt  }
0x87: {  	_ =	shalt  }
.Lfunc_end0:
.L_simem_size_0:
called_computation.2_lowered:
.L_overlay_start_0:
0x88: {  	s2 =	sld [smem:$0x3FD9]  }
0x89: {  	s3 =	sld [smem:$0x3FFE];
	_ =	sdelay $0x1  }
0x8a: {  	s1 =	srdreg.scid  }
0x8b: {  	s0 =	sand.u32 $0x1, s1  }
0x8c: {  	s16 =	sshll.u32 s0, $0xA;
	s2 =	sadd.s32 s3, s2  }
0x8d: {  	s2 =	sadd.s32 s2, s16  }
0x8e: {  	[smem:$0x3FBB] =	sst s2  }
0x8f: {  	_ = 	snop  }
0x90: {  	(tm) =	ssettm $0x1  }
0x91: {  	s17 =	sld [smem:$0x3FFB];
	_ =	sdelay $0x3  }
0x92: {  	_ =	strace s17  }
0x93: {  	s2 =	sld [smem:$0x3FFC];
	_ =	sdelay $0x3  }
0x94: {  	_ =	strace s2  }
0x95: {  	s2 =	sld [smem:$0x3FFD];
	_ =	sdelay $0x3  }
0x96: {  	_ =	strace s2  }
0x97: {  	_ =	strace $0x8FFFFFFF  }
0x98: {  	s18 =	sld [smem:$0x3FDB];
	_ =	sdelay $0x1  }
0x99: {  	s19 =	simm.s32 $_scs_section_size  }
0x9a: {  	s4 =	simm.s32 $_size__tile_overlayer_lowered;
	s5 =	simm.s32 $_tile_overlayer_lowered  }
0x9b: {  	s22 =	simm.s32 $0x1BFF;
	s21 =	sshll.u32 s5, $0x1;
	s2 =	sadd.s32 s19, s18  }
0x9c: {  	s6 =	simm.s32 $0x0;
	s20 =	sshll.u32 s4, $0x1;
	s4 =	sadd.s32 s21, s2  }
0x9d: {  	[timem:s6], [sflag:s22] =	dma.local [hbm:s4], s20  }
0x9e: {  	_ =	swait.ge [sflag:s22], s20  }
0x9f: {  	s3 =	ssub.s32 $0x0, s20;
	[sflag:s22] =	ssyncset.done $0x0  }
0xa0: {  	[sflag:s22] =	ssyncadd.s32 s3;
	_ =	sdelay $0x1  }
0xa1: {  	s23 =	simm.s32 $0x1B8B  }
0xa2: {  	_ =	swait.ge [sflag:s23], $0x1  }
0xa3: {  	[sflag:s23] =	ssyncset.done $0x0  }
0xa4: {  	s25 =	simm.s32 $0x1B8E;
	s24 =	sld [smem:$0x3FFE];
	[sflag:s23] =	ssyncadd.s32 $0xFFFFFFFF  }
0xa5: {  	s26 =	simm.s32 $execute0_lowered;
	[smem:$0x3FD2] =	sst s25  }
0xa6: {  	s4 =	sshll.u32 s26, $0x1;
	_ =	strace $0x8000004C;
	[dreg:$0x1] =	wrdreg $0xFFFFFFFF  }
0xa7: {  	s28 =	simm.s32 $_size_execute0_lowered;
	s2 =	sadd.s32 s2, s4;
	[dreg:$0x0] =	wrdreg $0x0  }
0xa8: {  	s4 =	sshll.u32 s28, $0x1;
	[dreg:$0x2] =	wrdreg s2  }
0xa9: {  	[dreg:$0x3] =	wrdreg s4  }
0xaa: {  	[dreg:$0x4] =	wrdreg $0xC0  }
0xab: {  	_ =	task [dreg:s6], $0x5FFFF  }
0xac: {  	[dreg:$0x1] =	wrdreg $0xFFFFFFFF  }
0xad: {  	[dreg:$0x0] =	wrdreg $0x60  }
0xae: {  	[dreg:$0x2] =	wrdreg s24  }
0xaf: {  	[dreg:$0x3] =	wrdreg $0x9  }
0xb0: {  	_ =	task.clear_ibuf [dreg:s6], $0x4FFFF;
	_ =	strace $0x9000004C  }
0xb1: {  	s29 =	simm.s32 $0x9;
	_ =	strace $0x8000004E  }
0xb2: {  	_ =	swait.ge [sflag:s29], $0x1  }
0xb3: {  	[sflag:s29] =	ssyncadd.s32 $0xFFFFFFFF  }
0xb4: {  	_ =	strace $0x9000004E  }
0xb5: {  	_ =	sfence  }
0xb6: {  	s30 =	sld [smem:$0x0];
	_ =	sdelay $0x2  }
0xb7: {  	s31 =	sshll.u32 s1, $0xD;
	s1 =	sshrl.u32 s1, $0x2  }
0xb8: {  	s3 =	sand.u32 $0x4000, s31;
	s1 =	sadd.s32 s1, s30  }
0xb9: {  	s0 =	sor.u32 s3, s0;
	s1 =	sshll.u32 s1, $0x11  }
0xba: {  	s0 =	sor.u32 s1, s0  }
0xbb: {  	s0 =	sadd.s32 $0x8F2B, s0  }
0xbc: {  	[sflag:s0] =	ssyncadd.remote.s32 $0x1  }
0xbd: {  	_ =	sfence.sel $0xFFFF  }
0xbe: {  	[dreg:$0x0] =	wrdreg $0xFFFFFFFF;
	(pc) =	sbr.abs _section_cstart, $3  }
0xbf: {  	[dreg:$0x1] =	wrdreg $0xFFFFFFFF  }
0xc0: {  	_ =	task.clear_ibuf [dreg:s6], $0x2FFFF;
	_ =	strace $0x9FFFFFFF  }
0xc1: {  	(tm) =	ssettm $0x7FFFFFFF  }
tec
execute0_lowered:
.L_overlay_start_1:
0x0: {  	(tag) =	ssettag $0x1  }
0x1: {  	s1 =	srdreg.scid  }
0x2: {  	s0 =	stileid.u32;
	s4 =	rddreg [dreg:$0x0]  }
0x3: {  	s2 =	simm.s32 $0x0;
	s14 =	simm.s32 $0x1;
	s15 =	simm.s32 $0x3  }
0x4: {  	s16 =	simm.s32 $0x2;
	s17 =	simm.s32 $0x4;
	s11 =	smul.u32 $0x28000, s0  }
0x5: {  	s18 =	simm.s32 $0x0;
	s6 =	sand.u32 $0x1, s1;
	s28 =	smul.u32 $0x140000, s0  }
0x6: {  	s3 =	sshll.u32 s0, $0x1;
	[smem:$0x7FF] =	sst s2;
	s13 =	smul.u32 $0xA0000, s6  }
0x7: {  	s12 =	sadd.s32 $0x2BCE00, s4;
	s5 =	sor.u32 s6, s3;
	s30 =	smul.u32 $0x14000, s6  }
0x8: {  	s1 =	rddreg [dreg:$0x1];
	_ =	strace $0x8000004D;
	s7 =	smul.u32 $0x500, s5  }
0x9: {  	s3 =	sadd.s32 $0x35200, s4;
	s9 =	ssub.s32 $0x2, s6;
	s8 =	smul.u32 $0xA0000, s5  }
0xa: {  	s10 =	smul.u32 $0x14000, s5;
	s26 =	sshrl.u32 s9, $0x1;
	s31 =	sadd.s32 s11, s12  }
0xb: {  	s11 =	simm.s32 $0x80;
	s25 =	sadd.s32 s7, s4;
	s7 =	ssub.s32 s9, s26  }
0xc: {  	s8 =	sshrl.u32 s8, $0x3;
	s9 =	sadd.s32 s13, s28;
	s10 =	sadd.s32 s10, s12  }
0xd: {  	s13 =	simm.s32 $0x4800;
	s4 =	sadd.s32 $0x2B2E00, s25;
	s5 =	smax.u32 s7, $0x1  }
0xe: {  	s29 =	sadd.s32 s12, s8;
	s8 =	sadd.s32 s30, s31;
	s9 =	sshrl.u32 s9, $0x3  }
0xf: {  	s7 =	sadd.s32 $0x13C00, s10;
	s10 =	simm.s32 $0x5;
	s6 =	sadd.s32 $0x13800, s29  }
0x10: {  	s8 =	sadd.s32 $0x400, s8;
	s9 =	sadd.s32 s9, s12;
	s12 =	simm.s32 $0x2800  }
.LBB2_1:
0x11: {  	[tilespmem:s2], [sflag:$0x5] =	stream.linear.gather [hbm4b:s4+s2], $0x2800, $0x38;
	[tilespmem:$0x6800] =	vst v63  }
0x12: {  	_ =	swait.ge [sflag:s10], $0x2800  }
0x13: {  	[sflag:s10] =	ssyncset.done $0x0  }
0x14: {  	[sflag:s10] =	ssyncadd.s32 $0xFFFFD800  }
0x15: {  	[tilespmem:s12], [sflag:$0x1] =	stream.indirect.gather [hbm4b:s3+s11], $0x40, s2, s11, $0xb8;
	[tilespmem:$0x6800] =	vst v63  }
0x16: {  	_ = 	snop  }
0x17: {  	[tilespmem:s13], [sflag:$0x2] =	stream.indirect.gather [hbm4b:s3+s11], $0x40, s11, s11, $0xb8;
	[tilespmem:$0x6800] =	vst v63  }
0x18: {  	_ =	swait.ge [sflag:s14], $0x2000  }
0x19: {  	[sflag:s14] =	ssyncset.done $0x0  }
0x1a: {  	s19 =	sadd.s32 $0x0, s9;
	[sflag:s14] =	ssyncadd.s32 $0xFFFFE000  }
0x1b: {  	[hbm4b:s19+s2] =	stream.linear.scatter [tilespmem:s12], [sflag:$0x3], $0x2000, $0x38;
	[tilespmem:$0x6800] =	vst v63  }
0x1c: {  	_ =	swait.ge [sflag:s15], $0x2000  }
0x1d: {  	[sflag:s15] =	ssyncset.done $0x0  }
0x1e: {  	s30 =	simm.s32 $0x100;
	[sflag:s15] =	ssyncadd.s32 $0xFFFFE000  }
0x1f: {  	[tilespmem:s12], [sflag:$0x1] =	stream.indirect.gather [hbm4b:s3+s11], $0x40, s30, s11, $0xb8;
	[tilespmem:$0x6800] =	vst v63  }
0x20: {  	_ =	swait.ge [sflag:s16], $0x2000  }
0x21: {  	[sflag:s16] =	ssyncset.done $0x0  }
0x22: {  	s31 =	sadd.s32 $0x0, s8;
	[sflag:s16] =	ssyncadd.s32 $0xFFFFE000  }
0x23: {  	[hbm4b:s31+s2] =	stream.linear.scatter [tilespmem:s13], [sflag:$0x4], $0x2000, $0x38;
	[tilespmem:$0x6800] =	vst v63  }
0x24: {  	_ =	swait.ge [sflag:s17], $0x2000  }
0x25: {  	s20 =	simm.s32 $0x800;
	[sflag:s17] =	ssyncset.done $0x0  }
0x26: {  	s21 =	simm.s32 $0x280;
	s19 =	simm.s32 $0x180;
	[sflag:s17] =	ssyncadd.s32 $0xFFFFE000  }
.LBB2_2:
0x27: {  	[tilespmem:s13], [sflag:$0x2] =	stream.indirect.gather [hbm4b:s3+s11], $0x40, s19, s11, $0xb8;
	[tilespmem:$0x6800] =	vst v63  }
0x28: {  	s22 =	smov.u32 s20;
	s19 =	smov.u32 s21  }
0x29: {  	p0 =	sne.s32 s20, $0x13000;
	s20 =	sadd.s32 $0x800, s20;
	_ =	swait.ge [sflag:s14], $0x2000  }
0x2a: {  	[sflag:s14] =	ssyncset.done $0x0  }
0x2b: {  	s23 =	sadd.s32 s22, s9;
	[sflag:s14] =	ssyncadd.s32 $0xFFFFE000  }
0x2c: {  	[hbm4b:s23+s2] =	stream.linear.scatter [tilespmem:s12], [sflag:$0x3], $0x2000, $0x38;
	[tilespmem:$0x6800] =	vst v63  }
0x2d: {  	_ =	swait.ge [sflag:s15], $0x2000  }
0x2e: {  	[sflag:s15] =	ssyncset.done $0x0  }
0x2f: {  	s23 =	sadd.s32 $0xFFFFFF80, s21;
	[sflag:s15] =	ssyncadd.s32 $0xFFFFE000  }
0x30: {  	[tilespmem:s12], [sflag:$0x1] =	stream.indirect.gather [hbm4b:s3+s11], $0x40, s23, s11, $0xb8;
	[tilespmem:$0x6800] =	vst v63  }
0x31: {  	_ =	swait.ge [sflag:s16], $0x2000  }
0x32: {  	[sflag:s16] =	ssyncset.done $0x0  }
.Ltmp0:
0x33: {  	s22 =	sadd.s32 s22, s8;
	[sflag:s16] =	ssyncadd.s32 $0xFFFFE000;
	(pc) =	sbr.rel @p0 .LBB2_2-.Ltmp0, $4  }
0x34: {  	[hbm4b:s22+s2] =	stream.linear.scatter [tilespmem:s13], [sflag:$0x4], $0x2000, $0x38;
	[tilespmem:$0x6800] =	vst v63  }
0x35: {  	_ =	swait.ge [sflag:s17], $0x2000  }
0x36: {  	[sflag:s17] =	ssyncset.done $0x0  }
0x37: {  	s21 =	sadd.s32 $0x100, s21;
	[sflag:s17] =	ssyncadd.s32 $0xFFFFE000  }
0x38: {  	[tilespmem:s13], [sflag:$0x2] =	stream.indirect.gather [hbm4b:s3+s11], $0x40, s19, s11, $0xb8;
	[tilespmem:$0x6800] =	vst v63  }
0x39: {  	_ =	swait.ge [sflag:s14], $0x2000  }
0x3a: {  	[sflag:s14] =	ssyncset.done $0x0  }
0x3b: {  	[sflag:s14] =	ssyncadd.s32 $0xFFFFE000  }
0x3c: {  	[hbm4b:s6+s2] =	stream.linear.scatter [tilespmem:s12], [sflag:$0x3], $0x2000, $0x38;
	[tilespmem:$0x6800] =	vst v63  }
0x3d: {  	_ =	swait.ge [sflag:s15], $0x2000  }
0x3e: {  	[sflag:s15] =	ssyncset.done $0x0  }
0x3f: {  	[sflag:s15] =	ssyncadd.s32 $0xFFFFE000  }
0x40: {  	s18 =	sadd.s32 $0x1, s18;
	_ =	swait.ge [sflag:s16], $0x2000  }
0x41: {  	p0 =	sne.s32 s18, s5;
	[sflag:s16] =	ssyncset.done $0x0  }
.Ltmp1:
0x42: {  	[sflag:s16] =	ssyncadd.s32 $0xFFFFE000;
	(pc) =	sbr.rel @p0 .LBB2_1-.Ltmp1, $4  }
0x43: {  	[hbm4b:s7+s2] =	stream.linear.scatter [tilespmem:s13], [sflag:$0x4], $0x2000, $0x38;
	[tilespmem:$0x6800] =	vst v63  }
0x44: {  	_ =	swait.ge [sflag:s17], $0x2000  }
0x45: {  	[sflag:s17] =	ssyncset.done $0x0  }
0x46: {  	[sflag:s17] =	ssyncadd.s32 $0xFFFFE000  }
0x47: {  	_ =	sfence.sel $0x180000  }
0x48: {  	[bflag:$0x0] =	sbarrier.arrive $0xFFFF  }
0x49: {  	p0 =	sne.s32 s0, $0x0;
	_ =	strace $0x9000004D  }
0x4a: {  	s0 =	sadd.s32 @!p0 $0x100000, s1;
	[bflag:$0x2] =	sbarrier.arrive $0xFFFF  }
0x4b: {  	[sflag:s0] =	ssyncadd.tile.s32 @!p0 $0x1;
	_ =	shalt  }
.Lfunc_end2:
_tile_overlayer_lowered:
.L_overlay_start_2:
0x4c: {  	(tag) =	ssettag $0x2  }
0x4d: {  	s0 =	rddreg [dreg:$0x0];
	s2 =	stileid.u32  }
0x4e: {  	s1 =	rddreg [dreg:$0x1];
	p0 =	sne.s32 s2, $0x0  }
0x4f: {  	s3 =	rddreg [dreg:$0x2];
	[bflag:$0x3] =	sbarrier.arrive $0xFFFF;
	s2 =	simm.s32 @!p0 $0x1C05  }
0x50: {  	[timem:s3], [sflag:s2] =	dma.local @!p0 [hbm:s0], s1  }
0x51: {  	s0 =	simm.s32 @!p0 $0x5  }
0x52: {  	_ =	swait.ge @!p0 [sflag:s0], s1  }
0x53: {  	s1 =	ssub.s32 @!p0 $0x0, s1;
	[sflag:s0] =	ssyncset.done @!p0 $0x0  }
0x54: {  	[sflag:s0] =	ssyncadd.s32 @!p0 s1  }
0x55: {  	[bflag:$0x3] =	sbarrier.arrive $0xFFFF  }
0x56: {  	_ =	shalt  }

// kernel: kernel.26.cloned.1.call-start
scs
__scs_entry_jumppad:
0x0: {  	(pc) =	sbr.rel $0x88, $3  }
0x1: {  	(tag) =	ssettag $0x0;
	lr =	simm.s32 $0x1  }
0x2: {  	[smem:$0x3F94] =	sst lr;
	_ =	strace $0xD0000000  }
0x3: {  	_ = 	snop  }
0x4: {  	_ = 	snop  }
0x5: {  	_ = 	snop  }
0x6: {  	_ = 	snop  }
0x7: {  	_ = 	snop  }
__scs_overlays_trampoline_lowered:
0x8: {  	[smem:$0x3FA3] =	sst s0  }
0x9: {  	[smem:$0x3FA4] =	sst s1  }
0xa: {  	[smem:$0x3FA5] =	sst s2  }
0xb: {  	[smem:$0x3FA6] =	sst s3  }
0xc: {  	[smem:$0x3FA7] =	sst s4  }
0xd: {  	[smem:$0x3FA8] =	sst s5  }
0xe: {  	[smem:$0x3FA9] =	sst s6  }
0xf: {  	[smem:$0x3FAA] =	sst s7  }
0x10: {  	[smem:$0x3FAB] =	sst s8  }
0x11: {  	[smem:$0x3FAC] =	sst s9;
	s0 =	simm.s32 @!p0 $0x0  }
0x12: {  	s1 =	sld [smem:$0x3F92];
	s0 =	simm.s32 @p0 $0x1  }
0x13: {  	[smem:$0x3FAD] =	sst s0;
	s0 =	simm.s32 @!p1 $0x0  }
0x14: {  	s2 =	sld [smem:$0x3F91];
	s0 =	simm.s32 @p1 $0x1  }
0x15: {  	[smem:$0x3FAE] =	sst s0;
	s0 =	simm.s32 @!p2 $0x0  }
0x16: {  	s3 =	sld [smem:$0x3FDB];
	s0 =	simm.s32 @p2 $0x1  }
0x17: {  	s4 =	simm.s32 $0x1BF5;
	[smem:$0x3FB0] =	sst s0  }
0x18: {  	s0 =	sld [smem:$0x3F93];
	_ =	swait.ge [sflag:s4], $0x0  }
0x19: {  	s7 =	sld [smem:$0x3F94]  }
0x1a: {  	s8 =	sadd.s32 $0xFFFFE003, lr  }
0x1b: {  	s9 =	sadd.s32 $0xFFFFFEF7, lr;
	s5 =	simm.s32 $0xFFFFFFFF;
	p2 =	slt.u32 s8, $0xFFFFF086  }
0x1c: {  	p1 =	slt.u32 s9, $0xF7A;
	s5 =	simm.s32 @!p2 $0x0  }
0x1d: {  	s5 =	simm.s32 @p1 $0x1;
	p0 =	seq.s32 s7, s2  }
0x1e: {  	s7 =	smul.u32 @!p0 $0xF7A, s2;
	p2 =	seq.s32 @!p0 s5, $0x0  }
0x1f: {  	s9 =	smul.u32 $0xF7A, s1;
	s8 =	simm.s32 @!p0 $0x1BF5;
	p2 =	por !p2, p0  }
0x20: {  	[sflag:s8] =	ssyncset.s32 @!p0 $0xFFFFF086;
	s6 =	sadd.s32 @!p0 s3, s7;
	s7 =	simm.s32 @!p0 $0x108  }
0x21: {  	s3 =	sadd.s32 s3, s9;
	s6 =	sadd.s32 @!p0 $0x88, s6;
	s7 =	simm.s32 @p2 $0x1082  }
0x22: {  	[simem:s7], [sflag:s8] =	dma.local @!p0 [hbm:s6], $0xF7A  }
0x23: {  	s9 =	sor.u32 $0xD0000000, s2;
	s6 =	simm.s32 $0x108;
	_ =	swait.ge @!p0 [sflag:s8], $0x0  }
0x24: {  	s3 =	sadd.s32 $0x88, s3;
	s6 =	simm.s32 @!p1 $0x1082;
	[sflag:s4] =	ssyncset.s32 $0xFFFFF086  }
0x25: {  	[simem:s6], [sflag:s4] =	dma.local [hbm:s3], $0xF7A  }
0x26: {  	[smem:$0x3F94] =	sst s1;
	(tag) =	ssettag s2;
	_ =	strace s9  }
0x27: {  	s1 =	sld [smem:$0x3FA4]  }
0x28: {  	s2 =	sld [smem:$0x3FA5]  }
0x29: {  	s4 =	sld [smem:$0x3FA7]  }
0x2a: {  	p0 =	seq.s32 s5, $0x0;
	s5 =	sld [smem:$0x3FA8]  }
0x2b: {  	s6 =	sld [smem:$0x3FA9]  }
0x2c: {  	s7 =	sld [smem:$0x3FAA]  }
0x2d: {  	s3 =	simm.s32 $0x108;
	s8 =	sld [smem:$0x3FAB]  }
0x2e: {  	s3 =	simm.s32 @!p0 $0x1082;
	s9 =	sld [smem:$0x3FAC]  }
0x2f: {  	lr =	sadd.s32 s0, s3;
	s0 =	sld [smem:$0x3FA3]  }
0x30: {  	s3 =	sld [smem:$0x3FA6]  }
0x31: {  	[smem:$0x3FAF] =	sst s10  }
0x32: {  	s10 =	sld [smem:$0x3FAD];
	_ =	sdelay $0x3  }
0x33: {  	p0 =	seq.s32 s10, $0x1;
	s10 =	sld [smem:$0x3FAF];
	_ =	sdelay $0x3  }
0x34: {  	[smem:$0x3FAF] =	sst s10  }
0x35: {  	s10 =	sld [smem:$0x3FAE];
	_ =	sdelay $0x3  }
0x36: {  	p1 =	seq.s32 s10, $0x1;
	s10 =	sld [smem:$0x3FAF];
	_ =	sdelay $0x3  }
0x37: {  	[smem:$0x3FAF] =	sst s10  }
0x38: {  	s10 =	sld [smem:$0x3FB0]  }
0x39: {  	_ = 	snop;
	(pc) =	sbr.ind lr, $3  }
0x3a: {  	_ = 	snop  }
0x3b: {  	_ = 	snop  }
0x3c: {  	p2 =	seq.s32 s10, $0x1;
	s10 =	sld [smem:$0x3FAF]  }
0x3d: {  	_ =	shalt  }
0x3e: {  	_ =	shalt  }
0x3f: {  	_ =	shalt  }
0x40: {  	_ =	shalt  }
0x41: {  	_ =	shalt  }
0x42: {  	_ =	shalt  }
0x43: {  	_ =	shalt  }
0x44: {  	_ =	shalt  }
0x45: {  	_ =	shalt  }
0x46: {  	_ =	shalt  }
0x47: {  	_ =	shalt  }
0x48: {  	_ =	shalt  }
0x49: {  	_ =	shalt  }
0x4a: {  	_ =	shalt  }
0x4b: {  	_ =	shalt  }
0x4c: {  	_ =	shalt  }
0x4d: {  	_ =	shalt  }
0x4e: {  	_ =	shalt  }
0x4f: {  	_ =	shalt  }
0x50: {  	_ =	shalt  }
0x51: {  	_ =	shalt  }
0x52: {  	_ =	shalt  }
0x53: {  	_ =	shalt  }
0x54: {  	_ =	shalt  }
0x55: {  	_ =	shalt  }
0x56: {  	_ =	shalt  }
0x57: {  	_ =	shalt  }
0x58: {  	_ =	shalt  }
0x59: {  	_ =	shalt  }
0x5a: {  	_ =	shalt  }
0x5b: {  	_ =	shalt  }
0x5c: {  	_ =	shalt  }
0x5d: {  	_ =	shalt  }
0x5e: {  	_ =	shalt  }
0x5f: {  	_ =	shalt  }
0x60: {  	_ =	shalt  }
0x61: {  	_ =	shalt  }
0x62: {  	_ =	shalt  }
0x63: {  	_ =	shalt  }
0x64: {  	_ =	shalt  }
0x65: {  	_ =	shalt  }
0x66: {  	_ =	shalt  }
0x67: {  	_ =	shalt  }
0x68: {  	_ =	shalt  }
0x69: {  	_ =	shalt  }
0x6a: {  	_ =	shalt  }
0x6b: {  	_ =	shalt  }
0x6c: {  	_ =	shalt  }
0x6d: {  	_ =	shalt  }
0x6e: {  	_ =	shalt  }
0x6f: {  	_ =	shalt  }
0x70: {  	_ =	shalt  }
0x71: {  	_ =	shalt  }
0x72: {  	_ =	shalt  }
0x73: {  	_ =	shalt  }
0x74: {  	_ =	shalt  }
0x75: {  	_ =	shalt  }
0x76: {  	_ =	shalt  }
0x77: {  	_ =	shalt  }
0x78: {  	_ =	shalt  }
0x79: {  	_ =	shalt  }
0x7a: {  	_ =	shalt  }
0x7b: {  	_ =	shalt  }
0x7c: {  	_ =	shalt  }
0x7d: {  	_ =	shalt  }
0x7e: {  	_ =	shalt  }
0x7f: {  	_ =	shalt  }
0x80: {  	_ =	shalt  }
0x81: {  	_ =	shalt  }
0x82: {  	_ =	shalt  }
0x83: {  	_ =	shalt  }
0x84: {  	_ =	shalt  }
0x85: {  	_ =	shalt  }
0x86: {  	_ =	shalt  }
0x87: {  	_ =	shalt  }
.Lfunc_end0:
.L_simem_size_0:
called_computation.3_lowered:
.L_overlay_start_0:
0x88: {  	s2 =	sld [smem:$0x3FD9]  }
0x89: {  	s3 =	sld [smem:$0x3FFE];
	_ =	sdelay $0x1  }
0x8a: {  	s1 =	srdreg.scid  }
0x8b: {  	s0 =	sand.u32 $0x1, s1  }
0x8c: {  	s16 =	sshll.u32 s0, $0xA;
	s2 =	sadd.s32 s3, s2  }
0x8d: {  	s2 =	sadd.s32 s2, s16  }
0x8e: {  	[smem:$0x3FBB] =	sst s2  }
0x8f: {  	_ = 	snop  }
0x90: {  	(tm) =	ssettm $0x1  }
0x91: {  	s17 =	sld [smem:$0x3FFB];
	_ =	sdelay $0x3  }
0x92: {  	_ =	strace s17  }
0x93: {  	s2 =	sld [smem:$0x3FFC];
	_ =	sdelay $0x3  }
0x94: {  	_ =	strace s2  }
0x95: {  	s2 =	sld [smem:$0x3FFD];
	_ =	sdelay $0x3  }
0x96: {  	_ =	strace s2  }
0x97: {  	_ =	strace $0x8FFFFFFF  }
0x98: {  	s18 =	sld [smem:$0x3FDB];
	_ =	sdelay $0x1  }
0x99: {  	s19 =	simm.s32 $_scs_section_size  }
0x9a: {  	s4 =	simm.s32 $_size__tile_overlayer_lowered;
	s5 =	simm.s32 $_tile_overlayer_lowered  }
0x9b: {  	s22 =	simm.s32 $0x1BFF;
	s21 =	sshll.u32 s5, $0x1;
	s2 =	sadd.s32 s19, s18  }
0x9c: {  	s6 =	simm.s32 $0x0;
	s20 =	sshll.u32 s4, $0x1;
	s4 =	sadd.s32 s21, s2  }
0x9d: {  	[timem:s6], [sflag:s22] =	dma.local [hbm:s4], s20  }
0x9e: {  	_ =	swait.ge [sflag:s22], s20  }
0x9f: {  	s3 =	ssub.s32 $0x0, s20;
	[sflag:s22] =	ssyncset.done $0x0  }
0xa0: {  	[sflag:s22] =	ssyncadd.s32 s3;
	_ =	sdelay $0x1  }
0xa1: {  	s23 =	simm.s32 $0x1B8B  }
0xa2: {  	_ =	swait.ge [sflag:s23], $0x1  }
0xa3: {  	[sflag:s23] =	ssyncset.done $0x0  }
0xa4: {  	s25 =	simm.s32 $0x1B8E;
	s24 =	sld [smem:$0x3FFE];
	[sflag:s23] =	ssyncadd.s32 $0xFFFFFFFF  }
0xa5: {  	s26 =	simm.s32 $execute0_lowered;
	[smem:$0x3FD2] =	sst s25  }
0xa6: {  	s4 =	sshll.u32 s26, $0x1;
	_ =	strace $0x8000004F;
	[dreg:$0x1] =	wrdreg $0xFFFFFFFF  }
0xa7: {  	s28 =	simm.s32 $_size_execute0_lowered;
	s2 =	sadd.s32 s2, s4;
	[dreg:$0x0] =	wrdreg $0x0  }
0xa8: {  	s4 =	sshll.u32 s28, $0x1;
	[dreg:$0x2] =	wrdreg s2  }
0xa9: {  	[dreg:$0x3] =	wrdreg s4  }
0xaa: {  	[dreg:$0x4] =	wrdreg $0xC0  }
0xab: {  	_ =	task [dreg:s6], $0x5FFFF  }
0xac: {  	[dreg:$0x1] =	wrdreg $0xFFFFFFFF  }
0xad: {  	[dreg:$0x0] =	wrdreg $0x60  }
0xae: {  	[dreg:$0x2] =	wrdreg s24  }
0xaf: {  	[dreg:$0x3] =	wrdreg $0x9  }
0xb0: {  	_ =	task.clear_ibuf [dreg:s6], $0x4FFFF;
	_ =	strace $0x9000004F  }
0xb1: {  	s29 =	simm.s32 $0x9;
	_ =	strace $0x80000051  }
0xb2: {  	_ =	swait.ge [sflag:s29], $0x1  }
0xb3: {  	[sflag:s29] =	ssyncadd.s32 $0xFFFFFFFF  }
0xb4: {  	_ =	strace $0x90000051  }
0xb5: {  	_ =	sfence  }
0xb6: {  	s30 =	sld [smem:$0x0];
	_ =	sdelay $0x2  }
0xb7: {  	s31 =	sshll.u32 s1, $0xD;
	s1 =	sshrl.u32 s1, $0x2  }
0xb8: {  	s3 =	sand.u32 $0x4000, s31;
	s1 =	sadd.s32 s1, s30  }
0xb9: {  	s0 =	sor.u32 s3, s0;
	s1 =	sshll.u32 s1, $0x11  }
0xba: {  	s0 =	sor.u32 s1, s0  }
0xbb: {  	s0 =	sadd.s32 $0x8F2B, s0  }
0xbc: {  	[sflag:s0] =	ssyncadd.remote.s32 $0x1  }
0xbd: {  	_ =	sfence.sel $0xFFFF  }
0xbe: {  	[dreg:$0x0] =	wrdreg $0xFFFFFFFF;
	(pc) =	sbr.abs _section_cstart, $3  }
0xbf: {  	[dreg:$0x1] =	wrdreg $0xFFFFFFFF  }
0xc0: {  	_ =	task.clear_ibuf [dreg:s6], $0x2FFFF;
	_ =	strace $0x9FFFFFFF  }
0xc1: {  	(tm) =	ssettm $0x7FFFFFFF  }
tec
execute0_lowered:
.L_overlay_start_1:
0x0: {  	(tag) =	ssettag $0x1  }
0x1: {  	s1 =	srdreg.scid  }
0x2: {  	s0 =	stileid.u32;
	s4 =	rddreg [dreg:$0x0]  }
0x3: {  	s2 =	simm.s32 $0x0;
	s14 =	simm.s32 $0x1;
	s15 =	simm.s32 $0x3  }
0x4: {  	s16 =	simm.s32 $0x2;
	s17 =	simm.s32 $0x4;
	s11 =	smul.u32 $0x28000, s0  }
0x5: {  	s18 =	simm.s32 $0x0;
	s6 =	sand.u32 $0x1, s1;
	s28 =	smul.u32 $0x140000, s0  }
0x6: {  	s3 =	sshll.u32 s0, $0x1;
	[smem:$0x7FF] =	sst s2;
	s13 =	smul.u32 $0xA0000, s6  }
0x7: {  	s12 =	sadd.s32 $0x2BCE00, s4;
	s5 =	sor.u32 s6, s3;
	s30 =	smul.u32 $0x14000, s6  }
0x8: {  	s1 =	rddreg [dreg:$0x1];
	_ =	strace $0x80000050;
	s7 =	smul.u32 $0x500, s5  }
0x9: {  	s3 =	sadd.s32 $0x32E00, s4;
	s9 =	ssub.s32 $0x2, s6;
	s8 =	smul.u32 $0xA0000, s5  }
0xa: {  	s10 =	smul.u32 $0x14000, s5;
	s26 =	sshrl.u32 s9, $0x1;
	s31 =	sadd.s32 s11, s12  }
0xb: {  	s11 =	simm.s32 $0x80;
	s25 =	sadd.s32 s7, s4;
	s7 =	ssub.s32 s9, s26  }
0xc: {  	s8 =	sshrl.u32 s8, $0x3;
	s9 =	sadd.s32 s13, s28;
	s10 =	sadd.s32 s10, s12  }
0xd: {  	s13 =	simm.s32 $0x4800;
	s4 =	sadd.s32 $0x2B2E00, s25;
	s5 =	smax.u32 s7, $0x1  }
0xe: {  	s29 =	sadd.s32 s12, s8;
	s8 =	sadd.s32 s30, s31;
	s9 =	sshrl.u32 s9, $0x3  }
0xf: {  	s7 =	sadd.s32 $0x13C00, s10;
	s10 =	simm.s32 $0x5;
	s6 =	sadd.s32 $0x13800, s29  }
0x10: {  	s8 =	sadd.s32 $0x400, s8;
	s9 =	sadd.s32 s9, s12;
	s12 =	simm.s32 $0x2800  }
.LBB2_1:
0x11: {  	[tilespmem:s2], [sflag:$0x5] =	stream.linear.gather [hbm4b:s4+s2], $0x2800, $0x38;
	[tilespmem:$0x6800] =	vst v63  }
0x12: {  	_ =	swait.ge [sflag:s10], $0x2800  }
0x13: {  	[sflag:s10] =	ssyncset.done $0x0  }
0x14: {  	[sflag:s10] =	ssyncadd.s32 $0xFFFFD800  }
0x15: {  	[tilespmem:s12], [sflag:$0x1] =	stream.indirect.gather [hbm4b:s3+s11], $0x40, s2, s11, $0xb8;
	[tilespmem:$0x6800] =	vst v63  }
0x16: {  	_ = 	snop  }
0x17: {  	[tilespmem:s13], [sflag:$0x2] =	stream.indirect.gather [hbm4b:s3+s11], $0x40, s11, s11, $0xb8;
	[tilespmem:$0x6800] =	vst v63  }
0x18: {  	_ =	swait.ge [sflag:s14], $0x2000  }
0x19: {  	[sflag:s14] =	ssyncset.done $0x0  }
0x1a: {  	s19 =	sadd.s32 $0x0, s9;
	[sflag:s14] =	ssyncadd.s32 $0xFFFFE000  }
0x1b: {  	[hbm4b:s19+s2] =	stream.linear.scatter [tilespmem:s12], [sflag:$0x3], $0x2000, $0x38;
	[tilespmem:$0x6800] =	vst v63  }
0x1c: {  	_ =	swait.ge [sflag:s15], $0x2000  }
0x1d: {  	[sflag:s15] =	ssyncset.done $0x0  }
0x1e: {  	s30 =	simm.s32 $0x100;
	[sflag:s15] =	ssyncadd.s32 $0xFFFFE000  }
0x1f: {  	[tilespmem:s12], [sflag:$0x1] =	stream.indirect.gather [hbm4b:s3+s11], $0x40, s30, s11, $0xb8;
	[tilespmem:$0x6800] =	vst v63  }
0x20: {  	_ =	swait.ge [sflag:s16], $0x2000  }
0x21: {  	[sflag:s16] =	ssyncset.done $0x0  }
0x22: {  	s31 =	sadd.s32 $0x0, s8;
	[sflag:s16] =	ssyncadd.s32 $0xFFFFE000  }
0x23: {  	[hbm4b:s31+s2] =	stream.linear.scatter [tilespmem:s13], [sflag:$0x4], $0x2000, $0x38;
	[tilespmem:$0x6800] =	vst v63  }
0x24: {  	_ =	swait.ge [sflag:s17], $0x2000  }
0x25: {  	s20 =	simm.s32 $0x800;
	[sflag:s17] =	ssyncset.done $0x0  }
0x26: {  	s21 =	simm.s32 $0x280;
	s19 =	simm.s32 $0x180;
	[sflag:s17] =	ssyncadd.s32 $0xFFFFE000  }
.LBB2_2:
0x27: {  	[tilespmem:s13], [sflag:$0x2] =	stream.indirect.gather [hbm4b:s3+s11], $0x40, s19, s11, $0xb8;
	[tilespmem:$0x6800] =	vst v63  }
0x28: {  	s22 =	smov.u32 s20;
	s19 =	smov.u32 s21  }
0x29: {  	p0 =	sne.s32 s20, $0x13000;
	s20 =	sadd.s32 $0x800, s20;
	_ =	swait.ge [sflag:s14], $0x2000  }
0x2a: {  	[sflag:s14] =	ssyncset.done $0x0  }
0x2b: {  	s23 =	sadd.s32 s22, s9;
	[sflag:s14] =	ssyncadd.s32 $0xFFFFE000  }
0x2c: {  	[hbm4b:s23+s2] =	stream.linear.scatter [tilespmem:s12], [sflag:$0x3], $0x2000, $0x38;
	[tilespmem:$0x6800] =	vst v63  }
0x2d: {  	_ =	swait.ge [sflag:s15], $0x2000  }
0x2e: {  	[sflag:s15] =	ssyncset.done $0x0  }
0x2f: {  	s23 =	sadd.s32 $0xFFFFFF80, s21;
	[sflag:s15] =	ssyncadd.s32 $0xFFFFE000  }
0x30: {  	[tilespmem:s12], [sflag:$0x1] =	stream.indirect.gather [hbm4b:s3+s11], $0x40, s23, s11, $0xb8;
	[tilespmem:$0x6800] =	vst v63  }
0x31: {  	_ =	swait.ge [sflag:s16], $0x2000  }
0x32: {  	[sflag:s16] =	ssyncset.done $0x0  }
.Ltmp0:
0x33: {  	s22 =	sadd.s32 s22, s8;
	[sflag:s16] =	ssyncadd.s32 $0xFFFFE000;
	(pc) =	sbr.rel @p0 .LBB2_2-.Ltmp0, $4  }
0x34: {  	[hbm4b:s22+s2] =	stream.linear.scatter [tilespmem:s13], [sflag:$0x4], $0x2000, $0x38;
	[tilespmem:$0x6800] =	vst v63  }
0x35: {  	_ =	swait.ge [sflag:s17], $0x2000  }
0x36: {  	[sflag:s17] =	ssyncset.done $0x0  }
0x37: {  	s21 =	sadd.s32 $0x100, s21;
	[sflag:s17] =	ssyncadd.s32 $0xFFFFE000  }
0x38: {  	[tilespmem:s13], [sflag:$0x2] =	stream.indirect.gather [hbm4b:s3+s11], $0x40, s19, s11, $0xb8;
	[tilespmem:$0x6800] =	vst v63  }
0x39: {  	_ =	swait.ge [sflag:s14], $0x2000  }
0x3a: {  	[sflag:s14] =	ssyncset.done $0x0  }
0x3b: {  	[sflag:s14] =	ssyncadd.s32 $0xFFFFE000  }
0x3c: {  	[hbm4b:s6+s2] =	stream.linear.scatter [tilespmem:s12], [sflag:$0x3], $0x2000, $0x38;
	[tilespmem:$0x6800] =	vst v63  }
0x3d: {  	_ =	swait.ge [sflag:s15], $0x2000  }
0x3e: {  	[sflag:s15] =	ssyncset.done $0x0  }
0x3f: {  	[sflag:s15] =	ssyncadd.s32 $0xFFFFE000  }
0x40: {  	s18 =	sadd.s32 $0x1, s18;
	_ =	swait.ge [sflag:s16], $0x2000  }
0x41: {  	p0 =	sne.s32 s18, s5;
	[sflag:s16] =	ssyncset.done $0x0  }
.Ltmp1:
0x42: {  	[sflag:s16] =	ssyncadd.s32 $0xFFFFE000;
	(pc) =	sbr.rel @p0 .LBB2_1-.Ltmp1, $4  }
0x43: {  	[hbm4b:s7+s2] =	stream.linear.scatter [tilespmem:s13], [sflag:$0x4], $0x2000, $0x38;
	[tilespmem:$0x6800] =	vst v63  }
0x44: {  	_ =	swait.ge [sflag:s17], $0x2000  }
0x45: {  	[sflag:s17] =	ssyncset.done $0x0  }
0x46: {  	[sflag:s17] =	ssyncadd.s32 $0xFFFFE000  }
0x47: {  	_ =	sfence.sel $0x180000  }
0x48: {  	[bflag:$0x0] =	sbarrier.arrive $0xFFFF  }
0x49: {  	p0 =	sne.s32 s0, $0x0;
	_ =	strace $0x90000050  }
0x4a: {  	s0 =	sadd.s32 @!p0 $0x100000, s1;
	[bflag:$0x2] =	sbarrier.arrive $0xFFFF  }
0x4b: {  	[sflag:s0] =	ssyncadd.tile.s32 @!p0 $0x1;
	_ =	shalt  }
.Lfunc_end2:
_tile_overlayer_lowered:
.L_overlay_start_2:
0x4c: {  	(tag) =	ssettag $0x2  }
0x4d: {  	s0 =	rddreg [dreg:$0x0];
	s2 =	stileid.u32  }
0x4e: {  	s1 =	rddreg [dreg:$0x1];
	p0 =	sne.s32 s2, $0x0  }
0x4f: {  	s3 =	rddreg [dreg:$0x2];
	[bflag:$0x3] =	sbarrier.arrive $0xFFFF;
	s2 =	simm.s32 @!p0 $0x1C05  }
0x50: {  	[timem:s3], [sflag:s2] =	dma.local @!p0 [hbm:s0], s1  }
0x51: {  	s0 =	simm.s32 @!p0 $0x5  }
0x52: {  	_ =	swait.ge @!p0 [sflag:s0], s1  }
0x53: {  	s1 =	ssub.s32 @!p0 $0x0, s1;
	[sflag:s0] =	ssyncset.done @!p0 $0x0  }
0x54: {  	[sflag:s0] =	ssyncadd.s32 @!p0 s1  }
0x55: {  	[bflag:$0x3] =	sbarrier.arrive $0xFFFF  }
0x56: {  	_ =	shalt  }

// kernel: kernel.29.cloned.1.call-start
scs
__scs_entry_jumppad:
0x0: {  	(pc) =	sbr.rel $0x88, $3  }
0x1: {  	(tag) =	ssettag $0x0;
	lr =	simm.s32 $0x1  }
0x2: {  	[smem:$0x3F94] =	sst lr;
	_ =	strace $0xD0000000  }
0x3: {  	_ = 	snop  }
0x4: {  	_ = 	snop  }
0x5: {  	_ = 	snop  }
0x6: {  	_ = 	snop  }
0x7: {  	_ = 	snop  }
__scs_overlays_trampoline_lowered:
0x8: {  	[smem:$0x3FA3] =	sst s0  }
0x9: {  	[smem:$0x3FA4] =	sst s1  }
0xa: {  	[smem:$0x3FA5] =	sst s2  }
0xb: {  	[smem:$0x3FA6] =	sst s3  }
0xc: {  	[smem:$0x3FA7] =	sst s4  }
0xd: {  	[smem:$0x3FA8] =	sst s5  }
0xe: {  	[smem:$0x3FA9] =	sst s6  }
0xf: {  	[smem:$0x3FAA] =	sst s7  }
0x10: {  	[smem:$0x3FAB] =	sst s8  }
0x11: {  	[smem:$0x3FAC] =	sst s9;
	s0 =	simm.s32 @!p0 $0x0  }
0x12: {  	s1 =	sld [smem:$0x3F92];
	s0 =	simm.s32 @p0 $0x1  }
0x13: {  	[smem:$0x3FAD] =	sst s0;
	s0 =	simm.s32 @!p1 $0x0  }
0x14: {  	s2 =	sld [smem:$0x3F91];
	s0 =	simm.s32 @p1 $0x1  }
0x15: {  	[smem:$0x3FAE] =	sst s0;
	s0 =	simm.s32 @!p2 $0x0  }
0x16: {  	s3 =	sld [smem:$0x3FDB];
	s0 =	simm.s32 @p2 $0x1  }
0x17: {  	s4 =	simm.s32 $0x1BF5;
	[smem:$0x3FB0] =	sst s0  }
0x18: {  	s0 =	sld [smem:$0x3F93];
	_ =	swait.ge [sflag:s4], $0x0  }
0x19: {  	s7 =	sld [smem:$0x3F94]  }
0x1a: {  	s8 =	sadd.s32 $0xFFFFE003, lr  }
0x1b: {  	s9 =	sadd.s32 $0xFFFFFEF7, lr;
	s5 =	simm.s32 $0xFFFFFFFF;
	p2 =	slt.u32 s8, $0xFFFFF086  }
0x1c: {  	p1 =	slt.u32 s9, $0xF7A;
	s5 =	simm.s32 @!p2 $0x0  }
0x1d: {  	s5 =	simm.s32 @p1 $0x1;
	p0 =	seq.s32 s7, s2  }
0x1e: {  	s7 =	smul.u32 @!p0 $0xF7A, s2;
	p2 =	seq.s32 @!p0 s5, $0x0  }
0x1f: {  	s9 =	smul.u32 $0xF7A, s1;
	s8 =	simm.s32 @!p0 $0x1BF5;
	p2 =	por !p2, p0  }
0x20: {  	[sflag:s8] =	ssyncset.s32 @!p0 $0xFFFFF086;
	s6 =	sadd.s32 @!p0 s3, s7;
	s7 =	simm.s32 @!p0 $0x108  }
0x21: {  	s3 =	sadd.s32 s3, s9;
	s6 =	sadd.s32 @!p0 $0x88, s6;
	s7 =	simm.s32 @p2 $0x1082  }
0x22: {  	[simem:s7], [sflag:s8] =	dma.local @!p0 [hbm:s6], $0xF7A  }
0x23: {  	s9 =	sor.u32 $0xD0000000, s2;
	s6 =	simm.s32 $0x108;
	_ =	swait.ge @!p0 [sflag:s8], $0x0  }
0x24: {  	s3 =	sadd.s32 $0x88, s3;
	s6 =	simm.s32 @!p1 $0x1082;
	[sflag:s4] =	ssyncset.s32 $0xFFFFF086  }
0x25: {  	[simem:s6], [sflag:s4] =	dma.local [hbm:s3], $0xF7A  }
0x26: {  	[smem:$0x3F94] =	sst s1;
	(tag) =	ssettag s2;
	_ =	strace s9  }
0x27: {  	s1 =	sld [smem:$0x3FA4]  }
0x28: {  	s2 =	sld [smem:$0x3FA5]  }
0x29: {  	s4 =	sld [smem:$0x3FA7]  }
0x2a: {  	p0 =	seq.s32 s5, $0x0;
	s5 =	sld [smem:$0x3FA8]  }
0x2b: {  	s6 =	sld [smem:$0x3FA9]  }
0x2c: {  	s7 =	sld [smem:$0x3FAA]  }
0x2d: {  	s3 =	simm.s32 $0x108;
	s8 =	sld [smem:$0x3FAB]  }
0x2e: {  	s3 =	simm.s32 @!p0 $0x1082;
	s9 =	sld [smem:$0x3FAC]  }
0x2f: {  	lr =	sadd.s32 s0, s3;
	s0 =	sld [smem:$0x3FA3]  }
0x30: {  	s3 =	sld [smem:$0x3FA6]  }
0x31: {  	[smem:$0x3FAF] =	sst s10  }
0x32: {  	s10 =	sld [smem:$0x3FAD];
	_ =	sdelay $0x3  }
0x33: {  	p0 =	seq.s32 s10, $0x1;
	s10 =	sld [smem:$0x3FAF];
	_ =	sdelay $0x3  }
0x34: {  	[smem:$0x3FAF] =	sst s10  }
0x35: {  	s10 =	sld [smem:$0x3FAE];
	_ =	sdelay $0x3  }
0x36: {  	p1 =	seq.s32 s10, $0x1;
	s10 =	sld [smem:$0x3FAF];
	_ =	sdelay $0x3  }
0x37: {  	[smem:$0x3FAF] =	sst s10  }
0x38: {  	s10 =	sld [smem:$0x3FB0]  }
0x39: {  	_ = 	snop;
	(pc) =	sbr.ind lr, $3  }
0x3a: {  	_ = 	snop  }
0x3b: {  	_ = 	snop  }
0x3c: {  	p2 =	seq.s32 s10, $0x1;
	s10 =	sld [smem:$0x3FAF]  }
0x3d: {  	_ =	shalt  }
0x3e: {  	_ =	shalt  }
0x3f: {  	_ =	shalt  }
0x40: {  	_ =	shalt  }
0x41: {  	_ =	shalt  }
0x42: {  	_ =	shalt  }
0x43: {  	_ =	shalt  }
0x44: {  	_ =	shalt  }
0x45: {  	_ =	shalt  }
0x46: {  	_ =	shalt  }
0x47: {  	_ =	shalt  }
0x48: {  	_ =	shalt  }
0x49: {  	_ =	shalt  }
0x4a: {  	_ =	shalt  }
0x4b: {  	_ =	shalt  }
0x4c: {  	_ =	shalt  }
0x4d: {  	_ =	shalt  }
0x4e: {  	_ =	shalt  }
0x4f: {  	_ =	shalt  }
0x50: {  	_ =	shalt  }
0x51: {  	_ =	shalt  }
0x52: {  	_ =	shalt  }
0x53: {  	_ =	shalt  }
0x54: {  	_ =	shalt  }
0x55: {  	_ =	shalt  }
0x56: {  	_ =	shalt  }
0x57: {  	_ =	shalt  }
0x58: {  	_ =	shalt  }
0x59: {  	_ =	shalt  }
0x5a: {  	_ =	shalt  }
0x5b: {  	_ =	shalt  }
0x5c: {  	_ =	shalt  }
0x5d: {  	_ =	shalt  }
0x5e: {  	_ =	shalt  }
0x5f: {  	_ =	shalt  }
0x60: {  	_ =	shalt  }
0x61: {  	_ =	shalt  }
0x62: {  	_ =	shalt  }
0x63: {  	_ =	shalt  }
0x64: {  	_ =	shalt  }
0x65: {  	_ =	shalt  }
0x66: {  	_ =	shalt  }
0x67: {  	_ =	shalt  }
0x68: {  	_ =	shalt  }
0x69: {  	_ =	shalt  }
0x6a: {  	_ =	shalt  }
0x6b: {  	_ =	shalt  }
0x6c: {  	_ =	shalt  }
0x6d: {  	_ =	shalt  }
0x6e: {  	_ =	shalt  }
0x6f: {  	_ =	shalt  }
0x70: {  	_ =	shalt  }
0x71: {  	_ =	shalt  }
0x72: {  	_ =	shalt  }
0x73: {  	_ =	shalt  }
0x74: {  	_ =	shalt  }
0x75: {  	_ =	shalt  }
0x76: {  	_ =	shalt  }
0x77: {  	_ =	shalt  }
0x78: {  	_ =	shalt  }
0x79: {  	_ =	shalt  }
0x7a: {  	_ =	shalt  }
0x7b: {  	_ =	shalt  }
0x7c: {  	_ =	shalt  }
0x7d: {  	_ =	shalt  }
0x7e: {  	_ =	shalt  }
0x7f: {  	_ =	shalt  }
0x80: {  	_ =	shalt  }
0x81: {  	_ =	shalt  }
0x82: {  	_ =	shalt  }
0x83: {  	_ =	shalt  }
0x84: {  	_ =	shalt  }
0x85: {  	_ =	shalt  }
0x86: {  	_ =	shalt  }
0x87: {  	_ =	shalt  }
.Lfunc_end0:
.L_simem_size_0:
called_computation.4_lowered:
.L_overlay_start_0:
0x88: {  	s2 =	sld [smem:$0x3FD9]  }
0x89: {  	s3 =	sld [smem:$0x3FFE];
	_ =	sdelay $0x1  }
0x8a: {  	s1 =	srdreg.scid  }
0x8b: {  	s0 =	sand.u32 $0x1, s1  }
0x8c: {  	s14 =	sshll.u32 s0, $0xA;
	s2 =	sadd.s32 s3, s2  }
0x8d: {  	s2 =	sadd.s32 s2, s14  }
0x8e: {  	[smem:$0x3FBB] =	sst s2  }
0x8f: {  	_ = 	snop  }
0x90: {  	s2 =	sld [smem:$0x3FD0];
	_ =	sdelay $0x2  }
0x91: {  	s15 =	simm.s32 $0xA;
	s4 =	simm.s32 $0x10  }
0x92: {  	[smem:s4], [sflag:s15] =	dma.local [hbm:s2], $0x1  }
0x93: {  	_ =	swait.eq [sflag:s15], $0x1  }
0x94: {  	[sflag:s15] =	ssyncset.done $0x0  }
0x95: {  	[sflag:s15] =	ssyncadd.s32 $0xFFFFFFFF  }
0x96: {  	s16 =	sld [smem:$0x10];
	(tm) =	ssettm $0x1  }
0x97: {  	s17 =	sld [smem:$0x3FFB];
	_ =	sdelay $0x3  }
0x98: {  	_ =	strace s17  }
0x99: {  	s3 =	sld [smem:$0x3FFC];
	_ =	sdelay $0x3  }
0x9a: {  	_ =	strace s3  }
0x9b: {  	s3 =	sld [smem:$0x3FFD];
	_ =	sdelay $0x3  }
0x9c: {  	_ =	strace s3  }
0x9d: {  	_ =	strace $0x8FFFFFFF  }
0x9e: {  	s18 =	sld [smem:$0x3FDB];
	_ =	sdelay $0x1  }
0x9f: {  	s19 =	simm.s32 $_scs_section_size  }
0xa0: {  	s5 =	simm.s32 $_size__tile_overlayer_lowered;
	s6 =	simm.s32 $_tile_overlayer_lowered  }
0xa1: {  	s22 =	simm.s32 $0x1BFF;
	s21 =	sshll.u32 s6, $0x1;
	s3 =	sadd.s32 s19, s18  }
0xa2: {  	s7 =	simm.s32 $0x0;
	s20 =	sshll.u32 s5, $0x1;
	s5 =	sadd.s32 s21, s3  }
0xa3: {  	[timem:s7], [sflag:s22] =	dma.local [hbm:s5], s20  }
0xa4: {  	_ =	swait.ge [sflag:s22], s20  }
0xa5: {  	s4 =	ssub.s32 $0x0, s20;
	[sflag:s22] =	ssyncset.done $0x0  }
0xa6: {  	[sflag:s22] =	ssyncadd.s32 s4;
	_ =	sdelay $0x1  }
0xa7: {  	s23 =	simm.s32 $0x1B8B  }
0xa8: {  	_ =	swait.ge [sflag:s23], $0x1  }
0xa9: {  	[sflag:s23] =	ssyncset.done $0x0  }
0xaa: {  	s25 =	simm.s32 $0x1B8E;
	s24 =	sld [smem:$0x3FFE];
	[sflag:s23] =	ssyncadd.s32 $0xFFFFFFFF  }
0xab: {  	s26 =	simm.s32 $execute0_lowered;
	[smem:$0x3FD2] =	sst s25  }
0xac: {  	s5 =	sshll.u32 s26, $0x1;
	_ =	strace $0x80000052;
	[dreg:$0x1] =	wrdreg $0xFFFFFFFF  }
0xad: {  	s28 =	simm.s32 $_size_execute0_lowered;
	s3 =	sadd.s32 s3, s5;
	[dreg:$0x0] =	wrdreg $0x0  }
0xae: {  	s5 =	sshll.u32 s28, $0x1;
	[dreg:$0x2] =	wrdreg s3  }
0xaf: {  	[dreg:$0x3] =	wrdreg s5  }
0xb0: {  	[dreg:$0x4] =	wrdreg $0xC0  }
0xb1: {  	_ =	task [dreg:s7], $0x5FFFF  }
0xb2: {  	[dreg:$0x1] =	wrdreg $0xFFFFFFFF  }
0xb3: {  	[dreg:$0x0] =	wrdreg $0x60  }
0xb4: {  	[dreg:$0x2] =	wrdreg s24  }
0xb5: {  	[dreg:$0x3] =	wrdreg s16  }
0xb6: {  	[dreg:$0x4] =	wrdreg $0x9  }
0xb7: {  	_ =	task.clear_ibuf [dreg:s7], $0x5FFFF;
	_ =	strace $0x90000052  }
0xb8: {  	s29 =	simm.s32 $0x9;
	_ =	strace $0x80000054  }
0xb9: {  	_ =	swait.ge [sflag:s29], $0x1  }
0xba: {  	[sflag:s29] =	ssyncadd.s32 $0xFFFFFFFF  }
0xbb: {  	_ =	strace $0x90000054  }
0xbc: {  	_ =	sfence  }
0xbd: {  	s30 =	sld [smem:$0x0];
	_ =	sdelay $0x2  }
0xbe: {  	s31 =	sshll.u32 s1, $0xD;
	s1 =	sshrl.u32 s1, $0x2  }
0xbf: {  	s3 =	sand.u32 $0x4000, s31;
	s1 =	sadd.s32 s1, s30  }
0xc0: {  	s0 =	sor.u32 s3, s0;
	s1 =	sshll.u32 s1, $0x11  }
0xc1: {  	s0 =	sor.u32 s1, s0  }
0xc2: {  	s0 =	sadd.s32 $0x8F2B, s0  }
0xc3: {  	[sflag:s0] =	ssyncadd.remote.s32 $0x1  }
0xc4: {  	_ =	sfence.sel $0xFFFF  }
0xc5: {  	[dreg:$0x0] =	wrdreg $0xFFFFFFFF;
	(pc) =	sbr.abs _section_cstart, $3  }
0xc6: {  	[dreg:$0x1] =	wrdreg $0xFFFFFFFF  }
0xc7: {  	_ =	task.clear_ibuf [dreg:s7], $0x2FFFF;
	_ =	strace $0x9FFFFFFF  }
0xc8: {  	(tm) =	ssettm $0x7FFFFFFF  }
0xc9: {  	_ =	shalt  }
tec
execute0_lowered:
.L_overlay_start_1:
0x0: {  	(tag) =	ssettag $0x1  }
0x1: {  	s1 =	srdreg.scid  }
0x2: {  	s0 =	stileid.u32;
	s12 =	sand.u32 $0x1, s1  }
0x3: {  	s31 =	sshll.u32 s0, $0x9;
	s2 =	sshll.u32 s12, $0x8  }
0x4: {  	s5 =	rddreg [dreg:$0x0];
	s11 =	sor.u32 s2, s31  }
0x5: {  	s10 =	rddreg [dreg:$0x1];
	s2 =	simm.s32 $0x0;
	s3 =	sshrl.u32 s11, $0x3  }
0x6: {  	s4 =	simm.s32 $0x5;
	[smem:$0x7FF] =	sst s2;
	s3 =	sadd.s32 s3, s5  }
0x7: {  	s1 =	rddreg [dreg:$0x2];
	_ =	strace $0x80000053;
	s3 =	sadd.s32 $0x46E00, s3  }
0x8: {  	[tilespmem:s2], [sflag:$0x5] =	stream.linear.gather [hbm4b:s3+s2], $0x100, $0x38;
	[tilespmem:$0x10100] =	vst v63  }
0x9: {  	_ =	swait.ge [sflag:s4], $0x100  }
0xa: {  	s6 =	simm.s32 $0x80;
	[sflag:s4] =	ssyncset.done $0x0  }
0xb: {  	s7 =	simm.s32 $0x100;
	s5 =	sadd.s32 $0x47200, s5;
	[sflag:s4] =	ssyncadd.s32 $0xFFFFFF00  }
0xc: {  	[tilespmem:s7], [sflag:$0x1] =	stream.indirect.gather [hbm4b:s5+s6], $0x100, s2, s6, $0xb8;
	[tilespmem:$0x10100] =	vst v63  }
0xd: {  	s8 =	simm.s32 $0x8100;
	s9 =	simm.s32 $0x1  }
0xe: {  	[tilespmem:s8], [sflag:$0x2] =	stream.indirect.gather [hbm4b:s5+s6], $0x100, s6, s6, $0xb8;
	[tilespmem:$0x10100] =	vst v63  }
0xf: {  	_ =	swait.ge [sflag:s9], $0x8000  }
0x10: {  	s13 =	ssub.s32 $0x2, s12;
	s11 =	sshll.u32 s11, $0x5;
	[sflag:s9] =	ssyncset.done $0x0  }
0x11: {  	s10 =	sadd.s32 s10, s11;
	s11 =	simm.s32 $0x3;
	[sflag:s9] =	ssyncadd.s32 $0xFFFF8000  }
0x12: {  	[hbm4b:s10+s2] =	stream.linear.scatter [tilespmem:s7], [sflag:$0x3], $0x8000, $0x38;
	[tilespmem:$0x10100] =	vst v63  }
0x13: {  	s14 =	sshrl.u32 s13, $0x1;
	_ =	swait.ge [sflag:s11], $0x8000  }
0x14: {  	s14 =	ssub.s32 s13, s14;
	[sflag:s11] =	ssyncset.done $0x0  }
0x15: {  	s12 =	simm.s32 $0x2;
	s15 =	smax.u32 s14, $0x1;
	[sflag:s11] =	ssyncadd.s32 $0xFFFF8000  }
0x16: {  	p0 =	sne.s32 s15, $0x1;
	_ =	swait.ge [sflag:s12], $0x8000  }
.Ltmp0:
0x17: {  	[sflag:s12] =	ssyncset.done $0x0;
	(pc) =	sbr.rel @!p0 .LBB2_2-.Ltmp0, $4  }
0x18: {  	s14 =	simm.s32 $0x4;
	s13 =	sadd.s32 $0x1000, s10;
	[sflag:s12] =	ssyncadd.s32 $0xFFFF8000  }
0x19: {  	[hbm4b:s13+s2] =	stream.linear.scatter [tilespmem:s8], [sflag:$0x4], $0x8000, $0x38;
	[tilespmem:$0x10100] =	vst v63  }
0x1a: {  	_ =	swait.ge [sflag:s14], $0x8000  }
0x1b: {  	s15 =	sadd.s32 $0xFFFFFFFF, s15;
	[sflag:s14] =	ssyncset.done $0x0  }
.LBB2_1:
0x1c: {  	p0 =	sne.s32 s15, $0x1;
	s15 =	sadd.s32 $0xFFFFFFFF, s15;
	[sflag:s14] =	ssyncadd.s32 $0xFFFF8000  }
0x1d: {  	[tilespmem:s2], [sflag:$0x5] =	stream.linear.gather [hbm4b:s3+s2], $0x100, $0x38;
	[tilespmem:$0x10100] =	vst v63  }
0x1e: {  	_ =	swait.ge [sflag:s4], $0x100  }
0x1f: {  	[sflag:s4] =	ssyncset.done $0x0  }
0x20: {  	[sflag:s4] =	ssyncadd.s32 $0xFFFFFF00  }
0x21: {  	[tilespmem:s7], [sflag:$0x1] =	stream.indirect.gather [hbm4b:s5+s6], $0x100, s2, s6, $0xb8;
	[tilespmem:$0x10100] =	vst v63  }
0x22: {  	_ = 	snop  }
0x23: {  	[tilespmem:s8], [sflag:$0x2] =	stream.indirect.gather [hbm4b:s5+s6], $0x100, s6, s6, $0xb8;
	[tilespmem:$0x10100] =	vst v63  }
0x24: {  	_ =	swait.ge [sflag:s9], $0x8000  }
0x25: {  	[sflag:s9] =	ssyncset.done $0x0  }
0x26: {  	[sflag:s9] =	ssyncadd.s32 $0xFFFF8000  }
0x27: {  	[hbm4b:s10+s2] =	stream.linear.scatter [tilespmem:s7], [sflag:$0x3], $0x8000, $0x38;
	[tilespmem:$0x10100] =	vst v63  }
0x28: {  	_ =	swait.ge [sflag:s11], $0x8000  }
0x29: {  	[sflag:s11] =	ssyncset.done $0x0  }
0x2a: {  	[sflag:s11] =	ssyncadd.s32 $0xFFFF8000  }
0x2b: {  	_ =	swait.ge [sflag:s12], $0x8000  }
.Ltmp1:
0x2c: {  	[sflag:s12] =	ssyncset.done $0x0;
	(pc) =	sbr.rel @p0 .LBB2_1-.Ltmp1, $4  }
0x2d: {  	[sflag:s12] =	ssyncadd.s32 $0xFFFF8000  }
0x2e: {  	[hbm4b:s13+s2] =	stream.linear.scatter [tilespmem:s8], [sflag:$0x4], $0x8000, $0x38;
	[tilespmem:$0x10100] =	vst v63  }
0x2f: {  	_ =	swait.ge [sflag:s14], $0x8000  }
0x30: {  	[sflag:s14] =	ssyncset.done $0x0  }
.LBB2_2:
0x31: {  	[sflag:s14] =	ssyncadd.s32 $0xFFFF8000  }
0x32: {  	_ =	sfence.sel $0x180000  }
0x33: {  	[bflag:$0x0] =	sbarrier.arrive $0xFFFF  }
0x34: {  	p0 =	sne.s32 s0, $0x0;
	_ =	strace $0x90000053  }
0x35: {  	s0 =	sadd.s32 @!p0 $0x100000, s1;
	[bflag:$0x2] =	sbarrier.arrive $0xFFFF  }
0x36: {  	[sflag:s0] =	ssyncadd.tile.s32 @!p0 $0x1;
	_ =	shalt  }
.Lfunc_end2:
_tile_overlayer_lowered:
.L_overlay_start_2:
0x37: {  	(tag) =	ssettag $0x2  }
0x38: {  	s0 =	rddreg [dreg:$0x0];
	s2 =	stileid.u32  }
0x39: {  	s1 =	rddreg [dreg:$0x1];
	p0 =	sne.s32 s2, $0x0  }
0x3a: {  	s3 =	rddreg [dreg:$0x2];
	[bflag:$0x3] =	sbarrier.arrive $0xFFFF;
	s2 =	simm.s32 @!p0 $0x1C05  }
0x3b: {  	[timem:s3], [sflag:s2] =	dma.local @!p0 [hbm:s0], s1  }
0x3c: {  	s0 =	simm.s32 @!p0 $0x5  }
0x3d: {  	_ =	swait.ge @!p0 [sflag:s0], s1  }
0x3e: {  	s1 =	ssub.s32 @!p0 $0x0, s1;
	[sflag:s0] =	ssyncset.done @!p0 $0x0  }
0x3f: {  	[sflag:s0] =	ssyncadd.s32 @!p0 s1  }
0x40: {  	[bflag:$0x3] =	sbarrier.arrive $0xFFFF  }
0x41: {  	_ =	shalt  }

</sc_bundles>
